<compile_context>
chip_gen: v7x
topology: tpu7x:2x2x1
jax: 0.10.2.dev20260603
libtpu: 0.0.44.dev20260713+nightly
codegen_flags: <defaults>
</compile_context>

<pallas_src>
import functools

import jax
import jax.numpy as jnp
from jax import lax
from jax.experimental import pallas as pl
from jax.experimental.pallas import tpu as pltpu
from jax.experimental.pallas import tpu_sc as plsc

HID = 768
LANES = 16
CHUNK = 32
NW_RING = 3
NP_RING = 2


def _take16(vec, idx):
    return lax.gather(
        vec, idx[:, None],
        lax.GatherDimensionNumbers(
            offset_dims=(), collapsed_slice_dims=(0,), start_index_map=(0,)),
        slice_sizes=(1,), mode=lax.GatherScatterMode.PROMISE_IN_BOUNDS)


def _emb_body(idx_hbm, word_hbm, type_hbm, postab_hbm, out_hbm,
              idxall, wrows, prows, ttab, sem_w, sem_p, sem_o,
              *, tokens_per_worker):
    num_cores = 2
    wid = lax.axis_index("s") * num_cores + lax.axis_index("c")
    base = wid * tokens_per_worker
    nch = tokens_per_worker // CHUNK

    pltpu.sync_copy(idx_hbm.at[pl.ds(wid * 3 * tokens_per_worker,
                                     3 * tokens_per_worker)], idxall)
    pltpu.sync_copy(type_hbm, ttab)

    def widx(c):
        return idxall.at[pl.ds(c * CHUNK, CHUNK)]

    def pidx(c):
        return idxall.at[pl.ds(tokens_per_worker + c * CHUNK, CHUNK)]

    def fire_w(c):
        pltpu.async_copy(word_hbm.at[widx(c)], wrows[c % NW_RING],
                         sem_w[c % NW_RING])

    def fire_p(c):
        pltpu.async_copy(postab_hbm.at[pidx(c)], prows[c % NP_RING],
                         sem_p[c % NP_RING])

    def wait_w(c):
        pltpu.make_async_copy(word_hbm.at[widx(c)], wrows[c % NW_RING],
                              sem_w[c % NW_RING]).wait()

    def wait_p(c):
        pltpu.make_async_copy(postab_hbm.at[pidx(c)], prows[c % NP_RING],
                              sem_p[c % NP_RING]).wait()

    def out_slice(c):
        return out_hbm.at[pl.ds(base + c * CHUNK, CHUNK)]

    def wait_out(c):
        pltpu.make_async_copy(wrows[c % NW_RING], out_slice(c),
                              sem_o[c % NW_RING]).wait()

    fire_w(0)
    fire_p(0)
    fire_w(1)
    fire_p(1)

    for c in range(nch):
        b = c % NW_RING
        q = c % NP_RING
        wait_w(c)
        wait_p(c)
        toff = 2 * tokens_per_worker + c * CHUNK

        @plsc.parallel_loop(0, CHUNK)
        def tok(t):
            g = (toff + t) & ~(LANES - 1)
            lane = (toff + t) & (LANES - 1)
            ttg = idxall[pl.ds(g, LANES)].astype(jnp.float32)
            ttf = _take16(ttg, jnp.full((LANES,), lane, jnp.int32))

            @plsc.parallel_loop(0, HID // LANES, unroll=8)
            def col(j):
                sl = pl.ds(j * LANES, LANES)
                t0 = ttab[0, sl]
                wrows[b][t, sl] = (wrows[b][t, sl] + prows[q][t, sl] + t0
                                   + ttf * (ttab[1, sl] - t0))

        pltpu.async_copy(wrows[b], out_slice(c), sem_o[b])
        if c + 2 < nch:
            fire_p(c + 2)
            if c >= 1:
                wait_out(c - 1)
            fire_w(c + 2)
    for c in range(max(nch - 3, 0), nch):
        wait_out(c)


def kernel(input_ids, position_ids, token_type_ids, word_embeddings,
           token_type_embeddings, position_embeddings):
    b, s = input_ids.shape
    ntok = b * s
    hid = word_embeddings.shape[1]
    info = plsc.get_sparse_core_info()
    nworkers = info.num_cores * info.num_subcores
    tokens_per_worker = ntok // nworkers

    idx = jnp.concatenate([
        input_ids.reshape(nworkers, tokens_per_worker),
        position_ids.reshape(nworkers, tokens_per_worker),
        token_type_ids.reshape(nworkers, tokens_per_worker),
    ], axis=1).astype(jnp.int32).reshape(-1)

    run = pl.kernel(
        functools.partial(_emb_body, tokens_per_worker=tokens_per_worker),
        mesh=plsc.VectorSubcoreMesh(core_axis_name="c", subcore_axis_name="s"),
        out_type=jax.ShapeDtypeStruct((ntok, hid), jnp.float32),
        scratch_types=[
            pltpu.VMEM((3 * tokens_per_worker,), jnp.int32),
            [pltpu.VMEM((CHUNK, hid), jnp.float32)] * NW_RING,
            [pltpu.VMEM((CHUNK, hid), jnp.float32)] * NP_RING,
            pltpu.VMEM((2, hid), jnp.float32),
            [pltpu.SemaphoreType.DMA] * NW_RING,
            [pltpu.SemaphoreType.DMA] * NP_RING,
            [pltpu.SemaphoreType.DMA] * NW_RING,
        ],
    )
    out = run(idx, word_embeddings, token_type_embeddings,
              position_embeddings)
    return out.reshape(b, s, hid)

# --- scband reference (transcript-rebuilt; emitter-appended) ---
"""Pipeline reference for scband-nomic-bert-embeddings-30803505447190 (READ-ONLY COPY).

The authoritative reference and input builder live on the scoring server;
editing this copy changes nothing except your own understanding.
"""

import jax, jax.numpy as jnp
import numpy as np

VOCAB = 30528
HID = 768
MAX_POS = 2048
TYPE_VOCAB = 2
B = 4
S = 2048
PAD_IDX = 0


def setup_inputs(seed: int = 0) -> dict:
    key = jax.random.key(seed)
    k1, k2, k3, k4, k5, k6 = jax.random.split(key, 6)
    input_ids = jax.random.randint(k1, (B, S), 0, VOCAB)
    position_ids = jax.random.randint(k2, (B, S), 0, MAX_POS)
    token_type_ids = jax.random.randint(k3, (B, S), 0, TYPE_VOCAB)
    word_embeddings = jax.random.normal(k4, (VOCAB, HID), dtype=jnp.float32) * 0.02
    # mimic nn.Embedding padding_idx init (row zeroed)
    word_embeddings = word_embeddings.at[PAD_IDX].set(0.0)
    token_type_embeddings = jax.random.normal(k5, (TYPE_VOCAB, HID), dtype=jnp.float32) * 0.02
    position_embeddings = jax.random.normal(k6, (MAX_POS, HID), dtype=jnp.float32) * 0.02
    return {
        "input_ids": input_ids,
        "position_ids": position_ids,
        "token_type_ids": token_type_ids,
        "word_embeddings": word_embeddings,
        "token_type_embeddings": token_type_embeddings,
        "position_embeddings": position_embeddings,
    }


def reference(input_ids, position_ids, token_type_ids, word_embeddings, token_type_embeddings, position_embeddings):
    # word embedding lookup: gather rows from [VOCAB, HID]
    embeddings = jnp.take(word_embeddings, input_ids, axis=0)
    # token type embeddings (type_vocab_size > 0)
    embeddings = embeddings + jnp.take(token_type_embeddings, token_type_ids, axis=0)
    # absolute position embeddings (rotary_emb_fraction <= 0 so max_position_embeddings > 0)
    embeddings = embeddings + jnp.take(position_embeddings, position_ids, axis=0)
    return embeddings

if __name__ == "__main__":
    import jax
    _d = setup_inputs()
    print(jax.jit(kernel)(*tuple(_d.values())))

</pallas_src>

<mosaic_0001>
#map = affine_map<(d0, d1) -> (0)>
#map1 = affine_map<(d0, d1) -> (0, 0)>
module attributes {stable_mosaic.version = 14 : i64} {
  func.func @_emb_body(%arg0: i32, %arg1: i32, %arg2: memref<24576xi32, #tpu.memory_space<hbm>>, %arg3: memref<30528x768xf32, #tpu.memory_space<hbm>>, %arg4: memref<2x768xf32, #tpu.memory_space<hbm>>, %arg5: memref<2048x768xf32, #tpu.memory_space<hbm>>, %arg6: memref<8192x768xf32, #tpu.memory_space<hbm>>, %arg7: memref<768xi32, #tpu.memory_space<vmem>>, %arg8: memref<32x768xf32, #tpu.memory_space<vmem>>, %arg9: memref<32x768xf32, #tpu.memory_space<vmem>>, %arg10: memref<32x768xf32, #tpu.memory_space<vmem>>, %arg11: memref<32x768xf32, #tpu.memory_space<vmem>>, %arg12: memref<32x768xf32, #tpu.memory_space<vmem>>, %arg13: memref<2x768xf32, #tpu.memory_space<vmem>>, %arg14: memref<!tpu.dma_semaphore, #tpu.memory_space<semaphore_mem>>, %arg15: memref<!tpu.dma_semaphore, #tpu.memory_space<semaphore_mem>>, %arg16: memref<!tpu.dma_semaphore, #tpu.memory_space<semaphore_mem>>, %arg17: memref<!tpu.dma_semaphore, #tpu.memory_space<semaphore_mem>>, %arg18: memref<!tpu.dma_semaphore, #tpu.memory_space<semaphore_mem>>, %arg19: memref<!tpu.dma_semaphore, #tpu.memory_space<semaphore_mem>>, %arg20: memref<!tpu.dma_semaphore, #tpu.memory_space<semaphore_mem>>, %arg21: memref<!tpu.dma_semaphore, #tpu.memory_space<semaphore_mem>>) attributes {dimension_semantics = [#tpu.dimension_semantics<core_parallel>, #tpu.dimension_semantics<subcore_parallel>], iteration_bounds = array<i64: 2, 16>, scalar_prefetch = 0 : i64, scratch_operands = 15 : i64, tpu.core_type = #tpu.core_type<sc_vector_subcore>, window_params = [{transform_indices = #map}, {transform_indices = #map1}, {transform_indices = #map1}, {transform_indices = #map1}, {transform_indices = #map1}]} {
    %mul3A = arith.constant 2 : i32
    %mul3A_0 = arith.muli %arg1, %mul3A : i32
    %add3A = arith.addi %mul3A_0, %arg0 : i32
    %mul3A_1 = arith.constant 256 : i32
    %mul3A_2 = arith.muli %add3A, %mul3A_1 : i32
    %mul3A_3 = arith.constant 3 : i32
    %mul3A_4 = arith.muli %add3A, %mul3A_3 : i32
    %mul3A_5 = arith.constant 256 : i32
    %mul3A_6 = arith.muli %mul3A_4, %mul3A_5 : i32
    "tpu.region"() ({
      %run_scoped3A = tpu.sem_alloc : memref<!tpu.dma_semaphore, #tpu.memory_space<semaphore_mem>>
      %dma_start3A_284 = tpu.memref_slice %arg2[%mul3A_6] : memref<24576xi32, #tpu.memory_space<hbm>> -> memref<768xi32, #tpu.memory_space<hbm>>
      %dma_start3A_285 = tpu.memref_slice %arg2[%mul3A_6] : memref<24576xi32, #tpu.memory_space<hbm>> -> memref<768xi32, #tpu.memory_space<hbm>>
      tpu.enqueue_dma source(%dma_start3A_285 : memref<768xi32, #tpu.memory_space<hbm>>) target(%arg7 : memref<768xi32, #tpu.memory_space<vmem>>) target_semaphore(%run_scoped3A : memref<!tpu.dma_semaphore, #tpu.memory_space<semaphore_mem>>)
      %dma_wait3A_286 = tpu.memref_slice %arg2[%mul3A_6] : memref<24576xi32, #tpu.memory_space<hbm>> -> memref<768xi32, #tpu.memory_space<hbm>>
      %dma_wait3A_287 = tpu.memref_slice %arg2[%mul3A_6] : memref<24576xi32, #tpu.memory_space<hbm>> -> memref<768xi32, #tpu.memory_space<hbm>>
      tpu.wait_dma2 semaphore(%run_scoped3A : memref<!tpu.dma_semaphore, #tpu.memory_space<semaphore_mem>>) src(%dma_wait3A_287 : memref<768xi32, #tpu.memory_space<hbm>>) dst(%arg7 : memref<768xi32, #tpu.memory_space<vmem>>)
      tpu.yield
    }) : () -> ()
    "tpu.region"() ({
      %run_scoped3A = tpu.sem_alloc : memref<!tpu.dma_semaphore, #tpu.memory_space<semaphore_mem>>
      tpu.enqueue_dma source(%arg4 : memref<2x768xf32, #tpu.memory_space<hbm>>) target(%arg13 : memref<2x768xf32, #tpu.memory_space<vmem>>) target_semaphore(%run_scoped3A : memref<!tpu.dma_semaphore, #tpu.memory_space<semaphore_mem>>)
      tpu.wait_dma2 semaphore(%run_scoped3A : memref<!tpu.dma_semaphore, #tpu.memory_space<semaphore_mem>>) src(%arg4 : memref<2x768xf32, #tpu.memory_space<hbm>>) dst(%arg13 : memref<2x768xf32, #tpu.memory_space<vmem>>)
      tpu.yield
    }) : () -> ()
    %dma_start3A = arith.constant 0 : i32
    %dma_start3A_7 = tpu.memref_slice %arg7[%dma_start3A] : memref<768xi32, #tpu.memory_space<vmem>> -> memref<32xi32, #tpu.memory_space<vmem>>
    %dma_start3A_8 = arith.constant 0 : i32
    %dma_start3A_9 = arith.constant 0 : i32
    %dma_start3A_10 = tpu.memref_slice %arg3[%dma_start3A_8, %dma_start3A_9] : memref<30528x768xf32, #tpu.memory_space<hbm>> -> memref<30528x768xf32, #tpu.memory_space<hbm>>
    tpu.enqueue_indirect_dma source(%dma_start3A_10 : memref<30528x768xf32, #tpu.memory_space<hbm>>) target(%arg8 : memref<32x768xf32, #tpu.memory_space<vmem>>) offsets(%dma_start3A_7 : memref<32xi32, #tpu.memory_space<vmem>>) semaphore(%arg14 : memref<!tpu.dma_semaphore, #tpu.memory_space<semaphore_mem>>)
    %dma_start3A_11 = arith.constant 256 : i32
    %dma_start3A_12 = tpu.memref_slice %arg7[%dma_start3A_11] : memref<768xi32, #tpu.memory_space<vmem>> -> memref<32xi32, #tpu.memory_space<vmem>>
    %dma_start3A_13 = arith.constant 0 : i32
    %dma_start3A_14 = arith.constant 0 : i32
    %dma_start3A_15 = tpu.memref_slice %arg5[%dma_start3A_13, %dma_start3A_14] : memref<2048x768xf32, #tpu.memory_space<hbm>> -> memref<2048x768xf32, #tpu.memory_space<hbm>>
    tpu.enqueue_indirect_dma source(%dma_start3A_15 : memref<2048x768xf32, #tpu.memory_space<hbm>>) target(%arg11 : memref<32x768xf32, #tpu.memory_space<vmem>>) offsets(%dma_start3A_12 : memref<32xi32, #tpu.memory_space<vmem>>) semaphore(%arg17 : memref<!tpu.dma_semaphore, #tpu.memory_space<semaphore_mem>>)
    %dma_start3A_16 = arith.constant 32 : i32
    %dma_start3A_17 = tpu.memref_slice %arg7[%dma_start3A_16] : memref<768xi32, #tpu.memory_space<vmem>> -> memref<32xi32, #tpu.memory_space<vmem>>
    %dma_start3A_18 = arith.constant 0 : i32
    %dma_start3A_19 = arith.constant 0 : i32
    %dma_start3A_20 = tpu.memref_slice %arg3[%dma_start3A_18, %dma_start3A_19] : memref<30528x768xf32, #tpu.memory_space<hbm>> -> memref<30528x768xf32, #tpu.memory_space<hbm>>
    tpu.enqueue_indirect_dma source(%dma_start3A_20 : memref<30528x768xf32, #tpu.memory_space<hbm>>) target(%arg9 : memref<32x768xf32, #tpu.memory_space<vmem>>) offsets(%dma_start3A_17 : memref<32xi32, #tpu.memory_space<vmem>>) semaphore(%arg15 : memref<!tpu.dma_semaphore, #tpu.memory_space<semaphore_mem>>)
    %dma_start3A_21 = arith.constant 288 : i32
    %dma_start3A_22 = tpu.memref_slice %arg7[%dma_start3A_21] : memref<768xi32, #tpu.memory_space<vmem>> -> memref<32xi32, #tpu.memory_space<vmem>>
    %dma_start3A_23 = arith.constant 0 : i32
    %dma_start3A_24 = arith.constant 0 : i32
    %dma_start3A_25 = tpu.memref_slice %arg5[%dma_start3A_23, %dma_start3A_24] : memref<2048x768xf32, #tpu.memory_space<hbm>> -> memref<2048x768xf32, #tpu.memory_space<hbm>>
    tpu.enqueue_indirect_dma source(%dma_start3A_25 : memref<2048x768xf32, #tpu.memory_space<hbm>>) target(%arg12 : memref<32x768xf32, #tpu.memory_space<vmem>>) offsets(%dma_start3A_22 : memref<32xi32, #tpu.memory_space<vmem>>) semaphore(%arg18 : memref<!tpu.dma_semaphore, #tpu.memory_space<semaphore_mem>>)
    %dma_wait3A = arith.constant 0 : i32
    %dma_wait3A_26 = tpu.memref_slice %arg7[%dma_wait3A] : memref<768xi32, #tpu.memory_space<vmem>> -> memref<32xi32, #tpu.memory_space<vmem>>
    %dma_wait3A_27 = arith.constant 0 : i32
    %dma_wait3A_28 = arith.constant 0 : i32
    %dma_wait3A_29 = tpu.memref_slice %arg3[%dma_wait3A_27, %dma_wait3A_28] : memref<30528x768xf32, #tpu.memory_space<hbm>> -> memref<30528x768xf32, #tpu.memory_space<hbm>>
    tpu.wait_indirect_dma semaphore(%arg14 : memref<!tpu.dma_semaphore, #tpu.memory_space<semaphore_mem>>) src(%dma_wait3A_29 : memref<30528x768xf32, #tpu.memory_space<hbm>>) dst(%arg8 : memref<32x768xf32, #tpu.memory_space<vmem>>)
    %dma_wait3A_30 = arith.constant 256 : i32
    %dma_wait3A_31 = tpu.memref_slice %arg7[%dma_wait3A_30] : memref<768xi32, #tpu.memory_space<vmem>> -> memref<32xi32, #tpu.memory_space<vmem>>
    %dma_wait3A_32 = arith.constant 0 : i32
    %dma_wait3A_33 = arith.constant 0 : i32
    %dma_wait3A_34 = tpu.memref_slice %arg5[%dma_wait3A_32, %dma_wait3A_33] : memref<2048x768xf32, #tpu.memory_space<hbm>> -> memref<2048x768xf32, #tpu.memory_space<hbm>>
    tpu.wait_indirect_dma semaphore(%arg17 : memref<!tpu.dma_semaphore, #tpu.memory_space<semaphore_mem>>) src(%dma_wait3A_34 : memref<2048x768xf32, #tpu.memory_space<hbm>>) dst(%arg11 : memref<32x768xf32, #tpu.memory_space<vmem>>)
    %parallel_loop3A = arith.constant 0 : i32
    %parallel_loop3A_35 = arith.constant 32 : i32
    %parallel_loop3A_36 = arith.constant 1 : i32
    scf.for %parallel_loop3A_284 = %parallel_loop3A to %parallel_loop3A_35 step %parallel_loop3A_36  : i32 {
      %parallel_loop3A_285 = arith.constant 512 : i32
      %parallel_loop3A_286 = arith.addi %parallel_loop3A_285, %parallel_loop3A_284 : i32
      %parallel_loop3A_287 = arith.constant -16 : i32
      %parallel_loop3A_288 = arith.andi %parallel_loop3A_286, %parallel_loop3A_287 : i32
      %parallel_loop3A_289 = arith.constant 512 : i32
      %parallel_loop3A_290 = arith.addi %parallel_loop3A_289, %parallel_loop3A_284 : i32
      %parallel_loop3A_291 = arith.constant 15 : i32
      %parallel_loop3A_292 = arith.andi %parallel_loop3A_290, %parallel_loop3A_291 : i32
      %parallel_loop3A_293 = arith.index_cast %parallel_loop3A_288 : i32 to index
      %parallel_loop3A_294 = tpu.vector_load %arg7[%parallel_loop3A_293] {strides = array<i32>} : memref<768xi32, #tpu.memory_space<vmem>>, vector<16xi32>,
      %parallel_loop3A_295 = vector.shape_cast %parallel_loop3A_294 : vector<16xi32> to vector<16xi32>
      %parallel_loop3A_296 = arith.sitofp %parallel_loop3A_295 : vector<16xi32> to vector<16xf32>
      %parallel_loop3A_297 = vector.broadcast %parallel_loop3A_292 : i32 to vector<16xi32>
      %parallel_loop3A_298 = vector.shape_cast %parallel_loop3A_297 : vector<16xi32> to vector<16x1xi32>
      %parallel_loop3A_299 = vector.shape_cast %parallel_loop3A_298 : vector<16x1xi32> to vector<16xi32>
      %parallel_loop3A_300 = tpu.dynamic_gather %parallel_loop3A_296[%parallel_loop3A_299] in [0] : vector<16xf32>, vector<16xi32> -> vector<16xf32>
      %parallel_loop3A_301 = arith.constant 0 : i32
      %parallel_loop3A_302 = arith.constant 48 : i32
      %parallel_loop3A_303 = arith.constant 1 : i32
      scf.for %parallel_loop3A_304 = %parallel_loop3A_301 to %parallel_loop3A_302 step %parallel_loop3A_303  : i32 {
        %parallel_loop3A_305 = arith.constant 16 : i32
        %parallel_loop3A_306 = arith.muli %parallel_loop3A_304, %parallel_loop3A_305 : i32
        %parallel_loop3A_307 = arith.constant 0 : i32
        %parallel_loop3A_308 = arith.index_cast %parallel_loop3A_307 : i32 to index
        %parallel_loop3A_309 = arith.index_cast %parallel_loop3A_306 : i32 to index
        %parallel_loop3A_310 = tpu.vector_load %arg13[%parallel_loop3A_308, %parallel_loop3A_309] {strides = array<i32>} : memref<2x768xf32, #tpu.memory_space<vmem>>, vector<1x16xf32>,
        %parallel_loop3A_311 = vector.shape_cast %parallel_loop3A_310 : vector<1x16xf32> to vector<16xf32>
        %parallel_loop3A_312 = arith.index_cast %parallel_loop3A_284 : i32 to index
        %parallel_loop3A_313 = arith.index_cast %parallel_loop3A_306 : i32 to index
        %parallel_loop3A_314 = tpu.vector_load %arg8[%parallel_loop3A_312, %parallel_loop3A_313] {strides = array<i32>} : memref<32x768xf32, #tpu.memory_space<vmem>>, vector<1x16xf32>,
        %parallel_loop3A_315 = vector.shape_cast %parallel_loop3A_314 : vector<1x16xf32> to vector<16xf32>
        %parallel_loop3A_316 = arith.index_cast %parallel_loop3A_284 : i32 to index
        %parallel_loop3A_317 = arith.index_cast %parallel_loop3A_306 : i32 to index
        %parallel_loop3A_318 = tpu.vector_load %arg11[%parallel_loop3A_316, %parallel_loop3A_317] {strides = array<i32>} : memref<32x768xf32, #tpu.memory_space<vmem>>, vector<1x16xf32>,
        %parallel_loop3A_319 = vector.shape_cast %parallel_loop3A_318 : vector<1x16xf32> to vector<16xf32>
        %parallel_loop3A_320 = arith.addf %parallel_loop3A_315, %parallel_loop3A_319 : vector<16xf32>
        %parallel_loop3A_321 = arith.addf %parallel_loop3A_320, %parallel_loop3A_311 : vector<16xf32>
        %parallel_loop3A_322 = arith.constant 1 : i32
        %parallel_loop3A_323 = arith.index_cast %parallel_loop3A_322 : i32 to index
        %parallel_loop3A_324 = arith.index_cast %parallel_loop3A_306 : i32 to index
        %parallel_loop3A_325 = tpu.vector_load %arg13[%parallel_loop3A_323, %parallel_loop3A_324] {strides = array<i32>} : memref<2x768xf32, #tpu.memory_space<vmem>>, vector<1x16xf32>,
        %parallel_loop3A_326 = vector.shape_cast %parallel_loop3A_325 : vector<1x16xf32> to vector<16xf32>
        %parallel_loop3A_327 = arith.subf %parallel_loop3A_326, %parallel_loop3A_311 : vector<16xf32>
        %parallel_loop3A_328 = arith.mulf %parallel_loop3A_300, %parallel_loop3A_327 : vector<16xf32>
        %parallel_loop3A_329 = arith.addf %parallel_loop3A_321, %parallel_loop3A_328 : vector<16xf32>
        %parallel_loop3A_330 = arith.index_cast %parallel_loop3A_284 : i32 to index
        %parallel_loop3A_331 = arith.index_cast %parallel_loop3A_306 : i32 to index
        %parallel_loop3A_332 = tpu.vector_load %arg8[%parallel_loop3A_330, %parallel_loop3A_331] {strides = array<i32>} : memref<32x768xf32, #tpu.memory_space<vmem>>, vector<1x16xf32>,
        %parallel_loop3A_333 = vector.shape_cast %parallel_loop3A_332 : vector<1x16xf32> to vector<16xf32>
        %parallel_loop3A_334 = vector.shape_cast %parallel_loop3A_329 : vector<16xf32> to vector<1x16xf32>
        tpu.vector_store %arg8[%parallel_loop3A_330, %parallel_loop3A_331], %parallel_loop3A_334 {strides = array<i32>} : memref<32x768xf32, #tpu.memory_space<vmem>>, vector<1x16xf32>,
      } {sc.loop_unroll_factor = 8 : i64, sc.parallel_access}
    } {sc.loop_unroll_factor = 1 : i64, sc.parallel_access}
    %add3A_37 = arith.constant 0 : i32
    %add3A_38 = arith.addi %mul3A_2, %add3A_37 : i32
    %dma_start3A_39 = arith.constant 0 : i32
    %dma_start3A_40 = tpu.memref_slice %arg6[%add3A_38, %dma_start3A_39] : memref<8192x768xf32, #tpu.memory_space<hbm>> -> memref<32x768xf32, #tpu.memory_space<hbm>>
    %dma_start3A_41 = arith.constant 0 : i32
    %dma_start3A_42 = tpu.memref_slice %arg6[%add3A_38, %dma_start3A_41] : memref<8192x768xf32, #tpu.memory_space<hbm>> -> memref<32x768xf32, #tpu.memory_space<hbm>>
    tpu.enqueue_dma source(%arg8 : memref<32x768xf32, #tpu.memory_space<vmem>>) target(%dma_start3A_42 : memref<32x768xf32, #tpu.memory_space<hbm>>) target_semaphore(%arg19 : memref<!tpu.dma_semaphore, #tpu.memory_space<semaphore_mem>>)
    %dma_start3A_43 = arith.constant 320 : i32
    %dma_start3A_44 = tpu.memref_slice %arg7[%dma_start3A_43] : memref<768xi32, #tpu.memory_space<vmem>> -> memref<32xi32, #tpu.memory_space<vmem>>
    %dma_start3A_45 = arith.constant 0 : i32
    %dma_start3A_46 = arith.constant 0 : i32
    %dma_start3A_47 = tpu.memref_slice %arg5[%dma_start3A_45, %dma_start3A_46] : memref<2048x768xf32, #tpu.memory_space<hbm>> -> memref<2048x768xf32, #tpu.memory_space<hbm>>
    tpu.enqueue_indirect_dma source(%dma_start3A_47 : memref<2048x768xf32, #tpu.memory_space<hbm>>) target(%arg11 : memref<32x768xf32, #tpu.memory_space<vmem>>) offsets(%dma_start3A_44 : memref<32xi32, #tpu.memory_space<vmem>>) semaphore(%arg17 : memref<!tpu.dma_semaphore, #tpu.memory_space<semaphore_mem>>)
    %dma_start3A_48 = arith.constant 64 : i32
    %dma_start3A_49 = tpu.memref_slice %arg7[%dma_start3A_48] : memref<768xi32, #tpu.memory_space<vmem>> -> memref<32xi32, #tpu.memory_space<vmem>>
    %dma_start3A_50 = arith.constant 0 : i32
    %dma_start3A_51 = arith.constant 0 : i32
    %dma_start3A_52 = tpu.memref_slice %arg3[%dma_start3A_50, %dma_start3A_51] : memref<30528x768xf32, #tpu.memory_space<hbm>> -> memref<30528x768xf32, #tpu.memory_space<hbm>>
    tpu.enqueue_indirect_dma source(%dma_start3A_52 : memref<30528x768xf32, #tpu.memory_space<hbm>>) target(%arg10 : memref<32x768xf32, #tpu.memory_space<vmem>>) offsets(%dma_start3A_49 : memref<32xi32, #tpu.memory_space<vmem>>) semaphore(%arg16 : memref<!tpu.dma_semaphore, #tpu.memory_space<semaphore_mem>>)
    %dma_wait3A_53 = arith.constant 32 : i32
    %dma_wait3A_54 = tpu.memref_slice %arg7[%dma_wait3A_53] : memref<768xi32, #tpu.memory_space<vmem>> -> memref<32xi32, #tpu.memory_space<vmem>>
    %dma_wait3A_55 = arith.constant 0 : i32
    %dma_wait3A_56 = arith.constant 0 : i32
    %dma_wait3A_57 = tpu.memref_slice %arg3[%dma_wait3A_55, %dma_wait3A_56] : memref<30528x768xf32, #tpu.memory_space<hbm>> -> memref<30528x768xf32, #tpu.memory_space<hbm>>
    tpu.wait_indirect_dma semaphore(%arg15 : memref<!tpu.dma_semaphore, #tpu.memory_space<semaphore_mem>>) src(%dma_wait3A_57 : memref<30528x768xf32, #tpu.memory_space<hbm>>) dst(%arg9 : memref<32x768xf32, #tpu.memory_space<vmem>>)
    %dma_wait3A_58 = arith.constant 288 : i32
    %dma_wait3A_59 = tpu.memref_slice %arg7[%dma_wait3A_58] : memref<768xi32, #tpu.memory_space<vmem>> -> memref<32xi32, #tpu.memory_space<vmem>>
    %dma_wait3A_60 = arith.constant 0 : i32
    %dma_wait3A_61 = arith.constant 0 : i32
    %dma_wait3A_62 = tpu.memref_slice %arg5[%dma_wait3A_60, %dma_wait3A_61] : memref<2048x768xf32, #tpu.memory_space<hbm>> -> memref<2048x768xf32, #tpu.memory_space<hbm>>
    tpu.wait_indirect_dma semaphore(%arg18 : memref<!tpu.dma_semaphore, #tpu.memory_space<semaphore_mem>>) src(%dma_wait3A_62 : memref<2048x768xf32, #tpu.memory_space<hbm>>) dst(%arg12 : memref<32x768xf32, #tpu.memory_space<vmem>>)
    %parallel_loop3A_63 = arith.constant 0 : i32
    %parallel_loop3A_64 = arith.constant 32 : i32
    %parallel_loop3A_65 = arith.constant 1 : i32
    scf.for %parallel_loop3A_284 = %parallel_loop3A_63 to %parallel_loop3A_64 step %parallel_loop3A_65  : i32 {
      %parallel_loop3A_285 = arith.constant 544 : i32
      %parallel_loop3A_286 = arith.addi %parallel_loop3A_285, %parallel_loop3A_284 : i32
      %parallel_loop3A_287 = arith.constant -16 : i32
      %parallel_loop3A_288 = arith.andi %parallel_loop3A_286, %parallel_loop3A_287 : i32
      %parallel_loop3A_289 = arith.constant 544 : i32
      %parallel_loop3A_290 = arith.addi %parallel_loop3A_289, %parallel_loop3A_284 : i32
      %parallel_loop3A_291 = arith.constant 15 : i32
      %parallel_loop3A_292 = arith.andi %parallel_loop3A_290, %parallel_loop3A_291 : i32
      %parallel_loop3A_293 = arith.index_cast %parallel_loop3A_288 : i32 to index
      %parallel_loop3A_294 = tpu.vector_load %arg7[%parallel_loop3A_293] {strides = array<i32>} : memref<768xi32, #tpu.memory_space<vmem>>, vector<16xi32>,
      %parallel_loop3A_295 = vector.shape_cast %parallel_loop3A_294 : vector<16xi32> to vector<16xi32>
      %parallel_loop3A_296 = arith.sitofp %parallel_loop3A_295 : vector<16xi32> to vector<16xf32>
      %parallel_loop3A_297 = vector.broadcast %parallel_loop3A_292 : i32 to vector<16xi32>
      %parallel_loop3A_298 = vector.shape_cast %parallel_loop3A_297 : vector<16xi32> to vector<16x1xi32>
      %parallel_loop3A_299 = vector.shape_cast %parallel_loop3A_298 : vector<16x1xi32> to vector<16xi32>
      %parallel_loop3A_300 = tpu.dynamic_gather %parallel_loop3A_296[%parallel_loop3A_299] in [0] : vector<16xf32>, vector<16xi32> -> vector<16xf32>
      %parallel_loop3A_301 = arith.constant 0 : i32
      %parallel_loop3A_302 = arith.constant 48 : i32
      %parallel_loop3A_303 = arith.constant 1 : i32
      scf.for %parallel_loop3A_304 = %parallel_loop3A_301 to %parallel_loop3A_302 step %parallel_loop3A_303  : i32 {
        %parallel_loop3A_305 = arith.constant 16 : i32
        %parallel_loop3A_306 = arith.muli %parallel_loop3A_304, %parallel_loop3A_305 : i32
        %parallel_loop3A_307 = arith.constant 0 : i32
        %parallel_loop3A_308 = arith.index_cast %parallel_loop3A_307 : i32 to index
        %parallel_loop3A_309 = arith.index_cast %parallel_loop3A_306 : i32 to index
        %parallel_loop3A_310 = tpu.vector_load %arg13[%parallel_loop3A_308, %parallel_loop3A_309] {strides = array<i32>} : memref<2x768xf32, #tpu.memory_space<vmem>>, vector<1x16xf32>,
        %parallel_loop3A_311 = vector.shape_cast %parallel_loop3A_310 : vector<1x16xf32> to vector<16xf32>
        %parallel_loop3A_312 = arith.index_cast %parallel_loop3A_284 : i32 to index
        %parallel_loop3A_313 = arith.index_cast %parallel_loop3A_306 : i32 to index
        %parallel_loop3A_314 = tpu.vector_load %arg9[%parallel_loop3A_312, %parallel_loop3A_313] {strides = array<i32>} : memref<32x768xf32, #tpu.memory_space<vmem>>, vector<1x16xf32>,
        %parallel_loop3A_315 = vector.shape_cast %parallel_loop3A_314 : vector<1x16xf32> to vector<16xf32>
        %parallel_loop3A_316 = arith.index_cast %parallel_loop3A_284 : i32 to index
        %parallel_loop3A_317 = arith.index_cast %parallel_loop3A_306 : i32 to index
        %parallel_loop3A_318 = tpu.vector_load %arg12[%parallel_loop3A_316, %parallel_loop3A_317] {strides = array<i32>} : memref<32x768xf32, #tpu.memory_space<vmem>>, vector<1x16xf32>,
        %parallel_loop3A_319 = vector.shape_cast %parallel_loop3A_318 : vector<1x16xf32> to vector<16xf32>
        %parallel_loop3A_320 = arith.addf %parallel_loop3A_315, %parallel_loop3A_319 : vector<16xf32>
        %parallel_loop3A_321 = arith.addf %parallel_loop3A_320, %parallel_loop3A_311 : vector<16xf32>
        %parallel_loop3A_322 = arith.constant 1 : i32
        %parallel_loop3A_323 = arith.index_cast %parallel_loop3A_322 : i32 to index
        %parallel_loop3A_324 = arith.index_cast %parallel_loop3A_306 : i32 to index
        %parallel_loop3A_325 = tpu.vector_load %arg13[%parallel_loop3A_323, %parallel_loop3A_324] {strides = array<i32>} : memref<2x768xf32, #tpu.memory_space<vmem>>, vector<1x16xf32>,
        %parallel_loop3A_326 = vector.shape_cast %parallel_loop3A_325 : vector<1x16xf32> to vector<16xf32>
        %parallel_loop3A_327 = arith.subf %parallel_loop3A_326, %parallel_loop3A_311 : vector<16xf32>
        %parallel_loop3A_328 = arith.mulf %parallel_loop3A_300, %parallel_loop3A_327 : vector<16xf32>
        %parallel_loop3A_329 = arith.addf %parallel_loop3A_321, %parallel_loop3A_328 : vector<16xf32>
        %parallel_loop3A_330 = arith.index_cast %parallel_loop3A_284 : i32 to index
        %parallel_loop3A_331 = arith.index_cast %parallel_loop3A_306 : i32 to index
        %parallel_loop3A_332 = tpu.vector_load %arg9[%parallel_loop3A_330, %parallel_loop3A_331] {strides = array<i32>} : memref<32x768xf32, #tpu.memory_space<vmem>>, vector<1x16xf32>,
        %parallel_loop3A_333 = vector.shape_cast %parallel_loop3A_332 : vector<1x16xf32> to vector<16xf32>
        %parallel_loop3A_334 = vector.shape_cast %parallel_loop3A_329 : vector<16xf32> to vector<1x16xf32>
        tpu.vector_store %arg9[%parallel_loop3A_330, %parallel_loop3A_331], %parallel_loop3A_334 {strides = array<i32>} : memref<32x768xf32, #tpu.memory_space<vmem>>, vector<1x16xf32>,
      } {sc.loop_unroll_factor = 8 : i64, sc.parallel_access}
    } {sc.loop_unroll_factor = 1 : i64, sc.parallel_access}
    %add3A_66 = arith.constant 32 : i32
    %add3A_67 = arith.addi %mul3A_2, %add3A_66 : i32
    %dma_start3A_68 = arith.constant 0 : i32
    %dma_start3A_69 = tpu.memref_slice %arg6[%add3A_67, %dma_start3A_68] : memref<8192x768xf32, #tpu.memory_space<hbm>> -> memref<32x768xf32, #tpu.memory_space<hbm>>
    %dma_start3A_70 = arith.constant 0 : i32
    %dma_start3A_71 = tpu.memref_slice %arg6[%add3A_67, %dma_start3A_70] : memref<8192x768xf32, #tpu.memory_space<hbm>> -> memref<32x768xf32, #tpu.memory_space<hbm>>
    tpu.enqueue_dma source(%arg9 : memref<32x768xf32, #tpu.memory_space<vmem>>) target(%dma_start3A_71 : memref<32x768xf32, #tpu.memory_space<hbm>>) target_semaphore(%arg20 : memref<!tpu.dma_semaphore, #tpu.memory_space<semaphore_mem>>)
    %dma_start3A_72 = arith.constant 352 : i32
    %dma_start3A_73 = tpu.memref_slice %arg7[%dma_start3A_72] : memref<768xi32, #tpu.memory_space<vmem>> -> memref<32xi32, #tpu.memory_space<vmem>>
    %dma_start3A_74 = arith.constant 0 : i32
    %dma_start3A_75 = arith.constant 0 : i32
    %dma_start3A_76 = tpu.memref_slice %arg5[%dma_start3A_74, %dma_start3A_75] : memref<2048x768xf32, #tpu.memory_space<hbm>> -> memref<2048x768xf32, #tpu.memory_space<hbm>>
    tpu.enqueue_indirect_dma source(%dma_start3A_76 : memref<2048x768xf32, #tpu.memory_space<hbm>>) target(%arg12 : memref<32x768xf32, #tpu.memory_space<vmem>>) offsets(%dma_start3A_73 : memref<32xi32, #tpu.memory_space<vmem>>) semaphore(%arg18 : memref<!tpu.dma_semaphore, #tpu.memory_space<semaphore_mem>>)
    %add3A_77 = arith.constant 0 : i32
    %add3A_78 = arith.addi %mul3A_2, %add3A_77 : i32
    %dma_wait3A_79 = arith.constant 0 : i32
    %dma_wait3A_80 = tpu.memref_slice %arg6[%add3A_78, %dma_wait3A_79] : memref<8192x768xf32, #tpu.memory_space<hbm>> -> memref<32x768xf32, #tpu.memory_space<hbm>>
    %dma_wait3A_81 = arith.constant 0 : i32
    %dma_wait3A_82 = tpu.memref_slice %arg6[%add3A_78, %dma_wait3A_81] : memref<8192x768xf32, #tpu.memory_space<hbm>> -> memref<32x768xf32, #tpu.memory_space<hbm>>
    tpu.wait_dma2 semaphore(%arg19 : memref<!tpu.dma_semaphore, #tpu.memory_space<semaphore_mem>>) src(%arg8 : memref<32x768xf32, #tpu.memory_space<vmem>>) dst(%dma_wait3A_82 : memref<32x768xf32, #tpu.memory_space<hbm>>)
    %dma_start3A_83 = arith.constant 96 : i32
    %dma_start3A_84 = tpu.memref_slice %arg7[%dma_start3A_83] : memref<768xi32, #tpu.memory_space<vmem>> -> memref<32xi32, #tpu.memory_space<vmem>>
    %dma_start3A_85 = arith.constant 0 : i32
    %dma_start3A_86 = arith.constant 0 : i32
    %dma_start3A_87 = tpu.memref_slice %arg3[%dma_start3A_85, %dma_start3A_86] : memref<30528x768xf32, #tpu.memory_space<hbm>> -> memref<30528x768xf32, #tpu.memory_space<hbm>>
    tpu.enqueue_indirect_dma source(%dma_start3A_87 : memref<30528x768xf32, #tpu.memory_space<hbm>>) target(%arg8 : memref<32x768xf32, #tpu.memory_space<vmem>>) offsets(%dma_start3A_84 : memref<32xi32, #tpu.memory_space<vmem>>) semaphore(%arg14 : memref<!tpu.dma_semaphore, #tpu.memory_space<semaphore_mem>>)
    %dma_wait3A_88 = arith.constant 64 : i32
    %dma_wait3A_89 = tpu.memref_slice %arg7[%dma_wait3A_88] : memref<768xi32, #tpu.memory_space<vmem>> -> memref<32xi32, #tpu.memory_space<vmem>>
    %dma_wait3A_90 = arith.constant 0 : i32
    %dma_wait3A_91 = arith.constant 0 : i32
    %dma_wait3A_92 = tpu.memref_slice %arg3[%dma_wait3A_90, %dma_wait3A_91] : memref<30528x768xf32, #tpu.memory_space<hbm>> -> memref<30528x768xf32, #tpu.memory_space<hbm>>
    tpu.wait_indirect_dma semaphore(%arg16 : memref<!tpu.dma_semaphore, #tpu.memory_space<semaphore_mem>>) src(%dma_wait3A_92 : memref<30528x768xf32, #tpu.memory_space<hbm>>) dst(%arg10 : memref<32x768xf32, #tpu.memory_space<vmem>>)
    %dma_wait3A_93 = arith.constant 320 : i32
    %dma_wait3A_94 = tpu.memref_slice %arg7[%dma_wait3A_93] : memref<768xi32, #tpu.memory_space<vmem>> -> memref<32xi32, #tpu.memory_space<vmem>>
    %dma_wait3A_95 = arith.constant 0 : i32
    %dma_wait3A_96 = arith.constant 0 : i32
    %dma_wait3A_97 = tpu.memref_slice %arg5[%dma_wait3A_95, %dma_wait3A_96] : memref<2048x768xf32, #tpu.memory_space<hbm>> -> memref<2048x768xf32, #tpu.memory_space<hbm>>
    tpu.wait_indirect_dma semaphore(%arg17 : memref<!tpu.dma_semaphore, #tpu.memory_space<semaphore_mem>>) src(%dma_wait3A_97 : memref<2048x768xf32, #tpu.memory_space<hbm>>) dst(%arg11 : memref<32x768xf32, #tpu.memory_space<vmem>>)
    %parallel_loop3A_98 = arith.constant 0 : i32
    %parallel_loop3A_99 = arith.constant 32 : i32
    %parallel_loop3A_100 = arith.constant 1 : i32
    scf.for %parallel_loop3A_284 = %parallel_loop3A_98 to %parallel_loop3A_99 step %parallel_loop3A_100  : i32 {
      %parallel_loop3A_285 = arith.constant 576 : i32
      %parallel_loop3A_286 = arith.addi %parallel_loop3A_285, %parallel_loop3A_284 : i32
      %parallel_loop3A_287 = arith.constant -16 : i32
      %parallel_loop3A_288 = arith.andi %parallel_loop3A_286, %parallel_loop3A_287 : i32
      %parallel_loop3A_289 = arith.constant 576 : i32
      %parallel_loop3A_290 = arith.addi %parallel_loop3A_289, %parallel_loop3A_284 : i32
      %parallel_loop3A_291 = arith.constant 15 : i32
      %parallel_loop3A_292 = arith.andi %parallel_loop3A_290, %parallel_loop3A_291 : i32
      %parallel_loop3A_293 = arith.index_cast %parallel_loop3A_288 : i32 to index
      %parallel_loop3A_294 = tpu.vector_load %arg7[%parallel_loop3A_293] {strides = array<i32>} : memref<768xi32, #tpu.memory_space<vmem>>, vector<16xi32>,
      %parallel_loop3A_295 = vector.shape_cast %parallel_loop3A_294 : vector<16xi32> to vector<16xi32>
      %parallel_loop3A_296 = arith.sitofp %parallel_loop3A_295 : vector<16xi32> to vector<16xf32>
      %parallel_loop3A_297 = vector.broadcast %parallel_loop3A_292 : i32 to vector<16xi32>
      %parallel_loop3A_298 = vector.shape_cast %parallel_loop3A_297 : vector<16xi32> to vector<16x1xi32>
      %parallel_loop3A_299 = vector.shape_cast %parallel_loop3A_298 : vector<16x1xi32> to vector<16xi32>
      %parallel_loop3A_300 = tpu.dynamic_gather %parallel_loop3A_296[%parallel_loop3A_299] in [0] : vector<16xf32>, vector<16xi32> -> vector<16xf32>
      %parallel_loop3A_301 = arith.constant 0 : i32
      %parallel_loop3A_302 = arith.constant 48 : i32
      %parallel_loop3A_303 = arith.constant 1 : i32
      scf.for %parallel_loop3A_304 = %parallel_loop3A_301 to %parallel_loop3A_302 step %parallel_loop3A_303  : i32 {
        %parallel_loop3A_305 = arith.constant 16 : i32
        %parallel_loop3A_306 = arith.muli %parallel_loop3A_304, %parallel_loop3A_305 : i32
        %parallel_loop3A_307 = arith.constant 0 : i32
        %parallel_loop3A_308 = arith.index_cast %parallel_loop3A_307 : i32 to index
        %parallel_loop3A_309 = arith.index_cast %parallel_loop3A_306 : i32 to index
        %parallel_loop3A_310 = tpu.vector_load %arg13[%parallel_loop3A_308, %parallel_loop3A_309] {strides = array<i32>} : memref<2x768xf32, #tpu.memory_space<vmem>>, vector<1x16xf32>,
        %parallel_loop3A_311 = vector.shape_cast %parallel_loop3A_310 : vector<1x16xf32> to vector<16xf32>
        %parallel_loop3A_312 = arith.index_cast %parallel_loop3A_284 : i32 to index
        %parallel_loop3A_313 = arith.index_cast %parallel_loop3A_306 : i32 to index
        %parallel_loop3A_314 = tpu.vector_load %arg10[%parallel_loop3A_312, %parallel_loop3A_313] {strides = array<i32>} : memref<32x768xf32, #tpu.memory_space<vmem>>, vector<1x16xf32>,
        %parallel_loop3A_315 = vector.shape_cast %parallel_loop3A_314 : vector<1x16xf32> to vector<16xf32>
        %parallel_loop3A_316 = arith.index_cast %parallel_loop3A_284 : i32 to index
        %parallel_loop3A_317 = arith.index_cast %parallel_loop3A_306 : i32 to index
        %parallel_loop3A_318 = tpu.vector_load %arg11[%parallel_loop3A_316, %parallel_loop3A_317] {strides = array<i32>} : memref<32x768xf32, #tpu.memory_space<vmem>>, vector<1x16xf32>,
        %parallel_loop3A_319 = vector.shape_cast %parallel_loop3A_318 : vector<1x16xf32> to vector<16xf32>
        %parallel_loop3A_320 = arith.addf %parallel_loop3A_315, %parallel_loop3A_319 : vector<16xf32>
        %parallel_loop3A_321 = arith.addf %parallel_loop3A_320, %parallel_loop3A_311 : vector<16xf32>
        %parallel_loop3A_322 = arith.constant 1 : i32
        %parallel_loop3A_323 = arith.index_cast %parallel_loop3A_322 : i32 to index
        %parallel_loop3A_324 = arith.index_cast %parallel_loop3A_306 : i32 to index
        %parallel_loop3A_325 = tpu.vector_load %arg13[%parallel_loop3A_323, %parallel_loop3A_324] {strides = array<i32>} : memref<2x768xf32, #tpu.memory_space<vmem>>, vector<1x16xf32>,
        %parallel_loop3A_326 = vector.shape_cast %parallel_loop3A_325 : vector<1x16xf32> to vector<16xf32>
        %parallel_loop3A_327 = arith.subf %parallel_loop3A_326, %parallel_loop3A_311 : vector<16xf32>
        %parallel_loop3A_328 = arith.mulf %parallel_loop3A_300, %parallel_loop3A_327 : vector<16xf32>
        %parallel_loop3A_329 = arith.addf %parallel_loop3A_321, %parallel_loop3A_328 : vector<16xf32>
        %parallel_loop3A_330 = arith.index_cast %parallel_loop3A_284 : i32 to index
        %parallel_loop3A_331 = arith.index_cast %parallel_loop3A_306 : i32 to index
        %parallel_loop3A_332 = tpu.vector_load %arg10[%parallel_loop3A_330, %parallel_loop3A_331] {strides = array<i32>} : memref<32x768xf32, #tpu.memory_space<vmem>>, vector<1x16xf32>,
        %parallel_loop3A_333 = vector.shape_cast %parallel_loop3A_332 : vector<1x16xf32> to vector<16xf32>
        %parallel_loop3A_334 = vector.shape_cast %parallel_loop3A_329 : vector<16xf32> to vector<1x16xf32>
        tpu.vector_store %arg10[%parallel_loop3A_330, %parallel_loop3A_331], %parallel_loop3A_334 {strides = array<i32>} : memref<32x768xf32, #tpu.memory_space<vmem>>, vector<1x16xf32>,
      } {sc.loop_unroll_factor = 8 : i64, sc.parallel_access}
    } {sc.loop_unroll_factor = 1 : i64, sc.parallel_access}
    %add3A_101 = arith.constant 64 : i32
    %add3A_102 = arith.addi %mul3A_2, %add3A_101 : i32
    %dma_start3A_103 = arith.constant 0 : i32
    %dma_start3A_104 = tpu.memref_slice %arg6[%add3A_102, %dma_start3A_103] : memref<8192x768xf32, #tpu.memory_space<hbm>> -> memref<32x768xf32, #tpu.memory_space<hbm>>
    %dma_start3A_105 = arith.constant 0 : i32
    %dma_start3A_106 = tpu.memref_slice %arg6[%add3A_102, %dma_start3A_105] : memref<8192x768xf32, #tpu.memory_space<hbm>> -> memref<32x768xf32, #tpu.memory_space<hbm>>
    tpu.enqueue_dma source(%arg10 : memref<32x768xf32, #tpu.memory_space<vmem>>) target(%dma_start3A_106 : memref<32x768xf32, #tpu.memory_space<hbm>>) target_semaphore(%arg21 : memref<!tpu.dma_semaphore, #tpu.memory_space<semaphore_mem>>)
    %dma_start3A_107 = arith.constant 384 : i32
    %dma_start3A_108 = tpu.memref_slice %arg7[%dma_start3A_107] : memref<768xi32, #tpu.memory_space<vmem>> -> memref<32xi32, #tpu.memory_space<vmem>>
    %dma_start3A_109 = arith.constant 0 : i32
    %dma_start3A_110 = arith.constant 0 : i32
    %dma_start3A_111 = tpu.memref_slice %arg5[%dma_start3A_109, %dma_start3A_110] : memref<2048x768xf32, #tpu.memory_space<hbm>> -> memref<2048x768xf32, #tpu.memory_space<hbm>>
    tpu.enqueue_indirect_dma source(%dma_start3A_111 : memref<2048x768xf32, #tpu.memory_space<hbm>>) target(%arg11 : memref<32x768xf32, #tpu.memory_space<vmem>>) offsets(%dma_start3A_108 : memref<32xi32, #tpu.memory_space<vmem>>) semaphore(%arg17 : memref<!tpu.dma_semaphore, #tpu.memory_space<semaphore_mem>>)
    %add3A_112 = arith.constant 32 : i32
    %add3A_113 = arith.addi %mul3A_2, %add3A_112 : i32
    %dma_wait3A_114 = arith.constant 0 : i32
    %dma_wait3A_115 = tpu.memref_slice %arg6[%add3A_113, %dma_wait3A_114] : memref<8192x768xf32, #tpu.memory_space<hbm>> -> memref<32x768xf32, #tpu.memory_space<hbm>>
    %dma_wait3A_116 = arith.constant 0 : i32
    %dma_wait3A_117 = tpu.memref_slice %arg6[%add3A_113, %dma_wait3A_116] : memref<8192x768xf32, #tpu.memory_space<hbm>> -> memref<32x768xf32, #tpu.memory_space<hbm>>
    tpu.wait_dma2 semaphore(%arg20 : memref<!tpu.dma_semaphore, #tpu.memory_space<semaphore_mem>>) src(%arg9 : memref<32x768xf32, #tpu.memory_space<vmem>>) dst(%dma_wait3A_117 : memref<32x768xf32, #tpu.memory_space<hbm>>)
    %dma_start3A_118 = arith.constant 128 : i32
    %dma_start3A_119 = tpu.memref_slice %arg7[%dma_start3A_118] : memref<768xi32, #tpu.memory_space<vmem>> -> memref<32xi32, #tpu.memory_space<vmem>>
    %dma_start3A_120 = arith.constant 0 : i32
    %dma_start3A_121 = arith.constant 0 : i32
    %dma_start3A_122 = tpu.memref_slice %arg3[%dma_start3A_120, %dma_start3A_121] : memref<30528x768xf32, #tpu.memory_space<hbm>> -> memref<30528x768xf32, #tpu.memory_space<hbm>>
    tpu.enqueue_indirect_dma source(%dma_start3A_122 : memref<30528x768xf32, #tpu.memory_space<hbm>>) target(%arg9 : memref<32x768xf32, #tpu.memory_space<vmem>>) offsets(%dma_start3A_119 : memref<32xi32, #tpu.memory_space<vmem>>) semaphore(%arg15 : memref<!tpu.dma_semaphore, #tpu.memory_space<semaphore_mem>>)
    %dma_wait3A_123 = arith.constant 96 : i32
    %dma_wait3A_124 = tpu.memref_slice %arg7[%dma_wait3A_123] : memref<768xi32, #tpu.memory_space<vmem>> -> memref<32xi32, #tpu.memory_space<vmem>>
    %dma_wait3A_125 = arith.constant 0 : i32
    %dma_wait3A_126 = arith.constant 0 : i32
    %dma_wait3A_127 = tpu.memref_slice %arg3[%dma_wait3A_125, %dma_wait3A_126] : memref<30528x768xf32, #tpu.memory_space<hbm>> -> memref<30528x768xf32, #tpu.memory_space<hbm>>
    tpu.wait_indirect_dma semaphore(%arg14 : memref<!tpu.dma_semaphore, #tpu.memory_space<semaphore_mem>>) src(%dma_wait3A_127 : memref<30528x768xf32, #tpu.memory_space<hbm>>) dst(%arg8 : memref<32x768xf32, #tpu.memory_space<vmem>>)
    %dma_wait3A_128 = arith.constant 352 : i32
    %dma_wait3A_129 = tpu.memref_slice %arg7[%dma_wait3A_128] : memref<768xi32, #tpu.memory_space<vmem>> -> memref<32xi32, #tpu.memory_space<vmem>>
    %dma_wait3A_130 = arith.constant 0 : i32
    %dma_wait3A_131 = arith.constant 0 : i32
    %dma_wait3A_132 = tpu.memref_slice %arg5[%dma_wait3A_130, %dma_wait3A_131] : memref<2048x768xf32, #tpu.memory_space<hbm>> -> memref<2048x768xf32, #tpu.memory_space<hbm>>
    tpu.wait_indirect_dma semaphore(%arg18 : memref<!tpu.dma_semaphore, #tpu.memory_space<semaphore_mem>>) src(%dma_wait3A_132 : memref<2048x768xf32, #tpu.memory_space<hbm>>) dst(%arg12 : memref<32x768xf32, #tpu.memory_space<vmem>>)
    %parallel_loop3A_133 = arith.constant 0 : i32
    %parallel_loop3A_134 = arith.constant 32 : i32
    %parallel_loop3A_135 = arith.constant 1 : i32
    scf.for %parallel_loop3A_284 = %parallel_loop3A_133 to %parallel_loop3A_134 step %parallel_loop3A_135  : i32 {
      %parallel_loop3A_285 = arith.constant 608 : i32
      %parallel_loop3A_286 = arith.addi %parallel_loop3A_285, %parallel_loop3A_284 : i32
      %parallel_loop3A_287 = arith.constant -16 : i32
      %parallel_loop3A_288 = arith.andi %parallel_loop3A_286, %parallel_loop3A_287 : i32
      %parallel_loop3A_289 = arith.constant 608 : i32
      %parallel_loop3A_290 = arith.addi %parallel_loop3A_289, %parallel_loop3A_284 : i32
      %parallel_loop3A_291 = arith.constant 15 : i32
      %parallel_loop3A_292 = arith.andi %parallel_loop3A_290, %parallel_loop3A_291 : i32
      %parallel_loop3A_293 = arith.index_cast %parallel_loop3A_288 : i32 to index
      %parallel_loop3A_294 = tpu.vector_load %arg7[%parallel_loop3A_293] {strides = array<i32>} : memref<768xi32, #tpu.memory_space<vmem>>, vector<16xi32>,
      %parallel_loop3A_295 = vector.shape_cast %parallel_loop3A_294 : vector<16xi32> to vector<16xi32>
      %parallel_loop3A_296 = arith.sitofp %parallel_loop3A_295 : vector<16xi32> to vector<16xf32>
      %parallel_loop3A_297 = vector.broadcast %parallel_loop3A_292 : i32 to vector<16xi32>
      %parallel_loop3A_298 = vector.shape_cast %parallel_loop3A_297 : vector<16xi32> to vector<16x1xi32>
      %parallel_loop3A_299 = vector.shape_cast %parallel_loop3A_298 : vector<16x1xi32> to vector<16xi32>
      %parallel_loop3A_300 = tpu.dynamic_gather %parallel_loop3A_296[%parallel_loop3A_299] in [0] : vector<16xf32>, vector<16xi32> -> vector<16xf32>
      %parallel_loop3A_301 = arith.constant 0 : i32
      %parallel_loop3A_302 = arith.constant 48 : i32
      %parallel_loop3A_303 = arith.constant 1 : i32
      scf.for %parallel_loop3A_304 = %parallel_loop3A_301 to %parallel_loop3A_302 step %parallel_loop3A_303  : i32 {
        %parallel_loop3A_305 = arith.constant 16 : i32
        %parallel_loop3A_306 = arith.muli %parallel_loop3A_304, %parallel_loop3A_305 : i32
        %parallel_loop3A_307 = arith.constant 0 : i32
        %parallel_loop3A_308 = arith.index_cast %parallel_loop3A_307 : i32 to index
        %parallel_loop3A_309 = arith.index_cast %parallel_loop3A_306 : i32 to index
        %parallel_loop3A_310 = tpu.vector_load %arg13[%parallel_loop3A_308, %parallel_loop3A_309] {strides = array<i32>} : memref<2x768xf32, #tpu.memory_space<vmem>>, vector<1x16xf32>,
        %parallel_loop3A_311 = vector.shape_cast %parallel_loop3A_310 : vector<1x16xf32> to vector<16xf32>
        %parallel_loop3A_312 = arith.index_cast %parallel_loop3A_284 : i32 to index
        %parallel_loop3A_313 = arith.index_cast %parallel_loop3A_306 : i32 to index
        %parallel_loop3A_314 = tpu.vector_load %arg8[%parallel_loop3A_312, %parallel_loop3A_313] {strides = array<i32>} : memref<32x768xf32, #tpu.memory_space<vmem>>, vector<1x16xf32>,
        %parallel_loop3A_315 = vector.shape_cast %parallel_loop3A_314 : vector<1x16xf32> to vector<16xf32>
        %parallel_loop3A_316 = arith.index_cast %parallel_loop3A_284 : i32 to index
        %parallel_loop3A_317 = arith.index_cast %parallel_loop3A_306 : i32 to index
        %parallel_loop3A_318 = tpu.vector_load %arg12[%parallel_loop3A_316, %parallel_loop3A_317] {strides = array<i32>} : memref<32x768xf32, #tpu.memory_space<vmem>>, vector<1x16xf32>,
        %parallel_loop3A_319 = vector.shape_cast %parallel_loop3A_318 : vector<1x16xf32> to vector<16xf32>
        %parallel_loop3A_320 = arith.addf %parallel_loop3A_315, %parallel_loop3A_319 : vector<16xf32>
        %parallel_loop3A_321 = arith.addf %parallel_loop3A_320, %parallel_loop3A_311 : vector<16xf32>
        %parallel_loop3A_322 = arith.constant 1 : i32
        %parallel_loop3A_323 = arith.index_cast %parallel_loop3A_322 : i32 to index
        %parallel_loop3A_324 = arith.index_cast %parallel_loop3A_306 : i32 to index
        %parallel_loop3A_325 = tpu.vector_load %arg13[%parallel_loop3A_323, %parallel_loop3A_324] {strides = array<i32>} : memref<2x768xf32, #tpu.memory_space<vmem>>, vector<1x16xf32>,
        %parallel_loop3A_326 = vector.shape_cast %parallel_loop3A_325 : vector<1x16xf32> to vector<16xf32>
        %parallel_loop3A_327 = arith.subf %parallel_loop3A_326, %parallel_loop3A_311 : vector<16xf32>
        %parallel_loop3A_328 = arith.mulf %parallel_loop3A_300, %parallel_loop3A_327 : vector<16xf32>
        %parallel_loop3A_329 = arith.addf %parallel_loop3A_321, %parallel_loop3A_328 : vector<16xf32>
        %parallel_loop3A_330 = arith.index_cast %parallel_loop3A_284 : i32 to index
        %parallel_loop3A_331 = arith.index_cast %parallel_loop3A_306 : i32 to index
        %parallel_loop3A_332 = tpu.vector_load %arg8[%parallel_loop3A_330, %parallel_loop3A_331] {strides = array<i32>} : memref<32x768xf32, #tpu.memory_space<vmem>>, vector<1x16xf32>,
        %parallel_loop3A_333 = vector.shape_cast %parallel_loop3A_332 : vector<1x16xf32> to vector<16xf32>
        %parallel_loop3A_334 = vector.shape_cast %parallel_loop3A_329 : vector<16xf32> to vector<1x16xf32>
        tpu.vector_store %arg8[%parallel_loop3A_330, %parallel_loop3A_331], %parallel_loop3A_334 {strides = array<i32>} : memref<32x768xf32, #tpu.memory_space<vmem>>, vector<1x16xf32>,
      } {sc.loop_unroll_factor = 8 : i64, sc.parallel_access}
    } {sc.loop_unroll_factor = 1 : i64, sc.parallel_access}
    %add3A_136 = arith.constant 96 : i32
    %add3A_137 = arith.addi %mul3A_2, %add3A_136 : i32
    %dma_start3A_138 = arith.constant 0 : i32
    %dma_start3A_139 = tpu.memref_slice %arg6[%add3A_137, %dma_start3A_138] : memref<8192x768xf32, #tpu.memory_space<hbm>> -> memref<32x768xf32, #tpu.memory_space<hbm>>
    %dma_start3A_140 = arith.constant 0 : i32
    %dma_start3A_141 = tpu.memref_slice %arg6[%add3A_137, %dma_start3A_140] : memref<8192x768xf32, #tpu.memory_space<hbm>> -> memref<32x768xf32, #tpu.memory_space<hbm>>
    tpu.enqueue_dma source(%arg8 : memref<32x768xf32, #tpu.memory_space<vmem>>) target(%dma_start3A_141 : memref<32x768xf32, #tpu.memory_space<hbm>>) target_semaphore(%arg19 : memref<!tpu.dma_semaphore, #tpu.memory_space<semaphore_mem>>)
    %dma_start3A_142 = arith.constant 416 : i32
    %dma_start3A_143 = tpu.memref_slice %arg7[%dma_start3A_142] : memref<768xi32, #tpu.memory_space<vmem>> -> memref<32xi32, #tpu.memory_space<vmem>>
    %dma_start3A_144 = arith.constant 0 : i32
    %dma_start3A_145 = arith.constant 0 : i32
    %dma_start3A_146 = tpu.memref_slice %arg5[%dma_start3A_144, %dma_start3A_145] : memref<2048x768xf32, #tpu.memory_space<hbm>> -> memref<2048x768xf32, #tpu.memory_space<hbm>>
    tpu.enqueue_indirect_dma source(%dma_start3A_146 : memref<2048x768xf32, #tpu.memory_space<hbm>>) target(%arg12 : memref<32x768xf32, #tpu.memory_space<vmem>>) offsets(%dma_start3A_143 : memref<32xi32, #tpu.memory_space<vmem>>) semaphore(%arg18 : memref<!tpu.dma_semaphore, #tpu.memory_space<semaphore_mem>>)
    %add3A_147 = arith.constant 64 : i32
    %add3A_148 = arith.addi %mul3A_2, %add3A_147 : i32
    %dma_wait3A_149 = arith.constant 0 : i32
    %dma_wait3A_150 = tpu.memref_slice %arg6[%add3A_148, %dma_wait3A_149] : memref<8192x768xf32, #tpu.memory_space<hbm>> -> memref<32x768xf32, #tpu.memory_space<hbm>>
    %dma_wait3A_151 = arith.constant 0 : i32
    %dma_wait3A_152 = tpu.memref_slice %arg6[%add3A_148, %dma_wait3A_151] : memref<8192x768xf32, #tpu.memory_space<hbm>> -> memref<32x768xf32, #tpu.memory_space<hbm>>
    tpu.wait_dma2 semaphore(%arg21 : memref<!tpu.dma_semaphore, #tpu.memory_space<semaphore_mem>>) src(%arg10 : memref<32x768xf32, #tpu.memory_space<vmem>>) dst(%dma_wait3A_152 : memref<32x768xf32, #tpu.memory_space<hbm>>)
    %dma_start3A_153 = arith.constant 160 : i32
    %dma_start3A_154 = tpu.memref_slice %arg7[%dma_start3A_153] : memref<768xi32, #tpu.memory_space<vmem>> -> memref<32xi32, #tpu.memory_space<vmem>>
    %dma_start3A_155 = arith.constant 0 : i32
    %dma_start3A_156 = arith.constant 0 : i32
    %dma_start3A_157 = tpu.memref_slice %arg3[%dma_start3A_155, %dma_start3A_156] : memref<30528x768xf32, #tpu.memory_space<hbm>> -> memref<30528x768xf32, #tpu.memory_space<hbm>>
    tpu.enqueue_indirect_dma source(%dma_start3A_157 : memref<30528x768xf32, #tpu.memory_space<hbm>>) target(%arg10 : memref<32x768xf32, #tpu.memory_space<vmem>>) offsets(%dma_start3A_154 : memref<32xi32, #tpu.memory_space<vmem>>) semaphore(%arg16 : memref<!tpu.dma_semaphore, #tpu.memory_space<semaphore_mem>>)
    %dma_wait3A_158 = arith.constant 128 : i32
    %dma_wait3A_159 = tpu.memref_slice %arg7[%dma_wait3A_158] : memref<768xi32, #tpu.memory_space<vmem>> -> memref<32xi32, #tpu.memory_space<vmem>>
    %dma_wait3A_160 = arith.constant 0 : i32
    %dma_wait3A_161 = arith.constant 0 : i32
    %dma_wait3A_162 = tpu.memref_slice %arg3[%dma_wait3A_160, %dma_wait3A_161] : memref<30528x768xf32, #tpu.memory_space<hbm>> -> memref<30528x768xf32, #tpu.memory_space<hbm>>
    tpu.wait_indirect_dma semaphore(%arg15 : memref<!tpu.dma_semaphore, #tpu.memory_space<semaphore_mem>>) src(%dma_wait3A_162 : memref<30528x768xf32, #tpu.memory_space<hbm>>) dst(%arg9 : memref<32x768xf32, #tpu.memory_space<vmem>>)
    %dma_wait3A_163 = arith.constant 384 : i32
    %dma_wait3A_164 = tpu.memref_slice %arg7[%dma_wait3A_163] : memref<768xi32, #tpu.memory_space<vmem>> -> memref<32xi32, #tpu.memory_space<vmem>>
    %dma_wait3A_165 = arith.constant 0 : i32
    %dma_wait3A_166 = arith.constant 0 : i32
    %dma_wait3A_167 = tpu.memref_slice %arg5[%dma_wait3A_165, %dma_wait3A_166] : memref<2048x768xf32, #tpu.memory_space<hbm>> -> memref<2048x768xf32, #tpu.memory_space<hbm>>
    tpu.wait_indirect_dma semaphore(%arg17 : memref<!tpu.dma_semaphore, #tpu.memory_space<semaphore_mem>>) src(%dma_wait3A_167 : memref<2048x768xf32, #tpu.memory_space<hbm>>) dst(%arg11 : memref<32x768xf32, #tpu.memory_space<vmem>>)
    %parallel_loop3A_168 = arith.constant 0 : i32
    %parallel_loop3A_169 = arith.constant 32 : i32
    %parallel_loop3A_170 = arith.constant 1 : i32
    scf.for %parallel_loop3A_284 = %parallel_loop3A_168 to %parallel_loop3A_169 step %parallel_loop3A_170  : i32 {
      %parallel_loop3A_285 = arith.constant 640 : i32
      %parallel_loop3A_286 = arith.addi %parallel_loop3A_285, %parallel_loop3A_284 : i32
      %parallel_loop3A_287 = arith.constant -16 : i32
      %parallel_loop3A_288 = arith.andi %parallel_loop3A_286, %parallel_loop3A_287 : i32
      %parallel_loop3A_289 = arith.constant 640 : i32
      %parallel_loop3A_290 = arith.addi %parallel_loop3A_289, %parallel_loop3A_284 : i32
      %parallel_loop3A_291 = arith.constant 15 : i32
      %parallel_loop3A_292 = arith.andi %parallel_loop3A_290, %parallel_loop3A_291 : i32
      %parallel_loop3A_293 = arith.index_cast %parallel_loop3A_288 : i32 to index
      %parallel_loop3A_294 = tpu.vector_load %arg7[%parallel_loop3A_293] {strides = array<i32>} : memref<768xi32, #tpu.memory_space<vmem>>, vector<16xi32>,
      %parallel_loop3A_295 = vector.shape_cast %parallel_loop3A_294 : vector<16xi32> to vector<16xi32>
      %parallel_loop3A_296 = arith.sitofp %parallel_loop3A_295 : vector<16xi32> to vector<16xf32>
      %parallel_loop3A_297 = vector.broadcast %parallel_loop3A_292 : i32 to vector<16xi32>
      %parallel_loop3A_298 = vector.shape_cast %parallel_loop3A_297 : vector<16xi32> to vector<16x1xi32>
      %parallel_loop3A_299 = vector.shape_cast %parallel_loop3A_298 : vector<16x1xi32> to vector<16xi32>
      %parallel_loop3A_300 = tpu.dynamic_gather %parallel_loop3A_296[%parallel_loop3A_299] in [0] : vector<16xf32>, vector<16xi32> -> vector<16xf32>
      %parallel_loop3A_301 = arith.constant 0 : i32
      %parallel_loop3A_302 = arith.constant 48 : i32
      %parallel_loop3A_303 = arith.constant 1 : i32
      scf.for %parallel_loop3A_304 = %parallel_loop3A_301 to %parallel_loop3A_302 step %parallel_loop3A_303  : i32 {
        %parallel_loop3A_305 = arith.constant 16 : i32
        %parallel_loop3A_306 = arith.muli %parallel_loop3A_304, %parallel_loop3A_305 : i32
        %parallel_loop3A_307 = arith.constant 0 : i32
        %parallel_loop3A_308 = arith.index_cast %parallel_loop3A_307 : i32 to index
        %parallel_loop3A_309 = arith.index_cast %parallel_loop3A_306 : i32 to index
        %parallel_loop3A_310 = tpu.vector_load %arg13[%parallel_loop3A_308, %parallel_loop3A_309] {strides = array<i32>} : memref<2x768xf32, #tpu.memory_space<vmem>>, vector<1x16xf32>,
        %parallel_loop3A_311 = vector.shape_cast %parallel_loop3A_310 : vector<1x16xf32> to vector<16xf32>
        %parallel_loop3A_312 = arith.index_cast %parallel_loop3A_284 : i32 to index
        %parallel_loop3A_313 = arith.index_cast %parallel_loop3A_306 : i32 to index
        %parallel_loop3A_314 = tpu.vector_load %arg9[%parallel_loop3A_312, %parallel_loop3A_313] {strides = array<i32>} : memref<32x768xf32, #tpu.memory_space<vmem>>, vector<1x16xf32>,
        %parallel_loop3A_315 = vector.shape_cast %parallel_loop3A_314 : vector<1x16xf32> to vector<16xf32>
        %parallel_loop3A_316 = arith.index_cast %parallel_loop3A_284 : i32 to index
        %parallel_loop3A_317 = arith.index_cast %parallel_loop3A_306 : i32 to index
        %parallel_loop3A_318 = tpu.vector_load %arg11[%parallel_loop3A_316, %parallel_loop3A_317] {strides = array<i32>} : memref<32x768xf32, #tpu.memory_space<vmem>>, vector<1x16xf32>,
        %parallel_loop3A_319 = vector.shape_cast %parallel_loop3A_318 : vector<1x16xf32> to vector<16xf32>
        %parallel_loop3A_320 = arith.addf %parallel_loop3A_315, %parallel_loop3A_319 : vector<16xf32>
        %parallel_loop3A_321 = arith.addf %parallel_loop3A_320, %parallel_loop3A_311 : vector<16xf32>
        %parallel_loop3A_322 = arith.constant 1 : i32
        %parallel_loop3A_323 = arith.index_cast %parallel_loop3A_322 : i32 to index
        %parallel_loop3A_324 = arith.index_cast %parallel_loop3A_306 : i32 to index
        %parallel_loop3A_325 = tpu.vector_load %arg13[%parallel_loop3A_323, %parallel_loop3A_324] {strides = array<i32>} : memref<2x768xf32, #tpu.memory_space<vmem>>, vector<1x16xf32>,
        %parallel_loop3A_326 = vector.shape_cast %parallel_loop3A_325 : vector<1x16xf32> to vector<16xf32>
        %parallel_loop3A_327 = arith.subf %parallel_loop3A_326, %parallel_loop3A_311 : vector<16xf32>
        %parallel_loop3A_328 = arith.mulf %parallel_loop3A_300, %parallel_loop3A_327 : vector<16xf32>
        %parallel_loop3A_329 = arith.addf %parallel_loop3A_321, %parallel_loop3A_328 : vector<16xf32>
        %parallel_loop3A_330 = arith.index_cast %parallel_loop3A_284 : i32 to index
        %parallel_loop3A_331 = arith.index_cast %parallel_loop3A_306 : i32 to index
        %parallel_loop3A_332 = tpu.vector_load %arg9[%parallel_loop3A_330, %parallel_loop3A_331] {strides = array<i32>} : memref<32x768xf32, #tpu.memory_space<vmem>>, vector<1x16xf32>,
        %parallel_loop3A_333 = vector.shape_cast %parallel_loop3A_332 : vector<1x16xf32> to vector<16xf32>
        %parallel_loop3A_334 = vector.shape_cast %parallel_loop3A_329 : vector<16xf32> to vector<1x16xf32>
        tpu.vector_store %arg9[%parallel_loop3A_330, %parallel_loop3A_331], %parallel_loop3A_334 {strides = array<i32>} : memref<32x768xf32, #tpu.memory_space<vmem>>, vector<1x16xf32>,
      } {sc.loop_unroll_factor = 8 : i64, sc.parallel_access}
    } {sc.loop_unroll_factor = 1 : i64, sc.parallel_access}
    %add3A_171 = arith.constant 128 : i32
    %add3A_172 = arith.addi %mul3A_2, %add3A_171 : i32
    %dma_start3A_173 = arith.constant 0 : i32
    %dma_start3A_174 = tpu.memref_slice %arg6[%add3A_172, %dma_start3A_173] : memref<8192x768xf32, #tpu.memory_space<hbm>> -> memref<32x768xf32, #tpu.memory_space<hbm>>
    %dma_start3A_175 = arith.constant 0 : i32
    %dma_start3A_176 = tpu.memref_slice %arg6[%add3A_172, %dma_start3A_175] : memref<8192x768xf32, #tpu.memory_space<hbm>> -> memref<32x768xf32, #tpu.memory_space<hbm>>
    tpu.enqueue_dma source(%arg9 : memref<32x768xf32, #tpu.memory_space<vmem>>) target(%dma_start3A_176 : memref<32x768xf32, #tpu.memory_space<hbm>>) target_semaphore(%arg20 : memref<!tpu.dma_semaphore, #tpu.memory_space<semaphore_mem>>)
    %dma_start3A_177 = arith.constant 448 : i32
    %dma_start3A_178 = tpu.memref_slice %arg7[%dma_start3A_177] : memref<768xi32, #tpu.memory_space<vmem>> -> memref<32xi32, #tpu.memory_space<vmem>>
    %dma_start3A_179 = arith.constant 0 : i32
    %dma_start3A_180 = arith.constant 0 : i32
    %dma_start3A_181 = tpu.memref_slice %arg5[%dma_start3A_179, %dma_start3A_180] : memref<2048x768xf32, #tpu.memory_space<hbm>> -> memref<2048x768xf32, #tpu.memory_space<hbm>>
    tpu.enqueue_indirect_dma source(%dma_start3A_181 : memref<2048x768xf32, #tpu.memory_space<hbm>>) target(%arg11 : memref<32x768xf32, #tpu.memory_space<vmem>>) offsets(%dma_start3A_178 : memref<32xi32, #tpu.memory_space<vmem>>) semaphore(%arg17 : memref<!tpu.dma_semaphore, #tpu.memory_space<semaphore_mem>>)
    %add3A_182 = arith.constant 96 : i32
    %add3A_183 = arith.addi %mul3A_2, %add3A_182 : i32
    %dma_wait3A_184 = arith.constant 0 : i32
    %dma_wait3A_185 = tpu.memref_slice %arg6[%add3A_183, %dma_wait3A_184] : memref<8192x768xf32, #tpu.memory_space<hbm>> -> memref<32x768xf32, #tpu.memory_space<hbm>>
    %dma_wait3A_186 = arith.constant 0 : i32
    %dma_wait3A_187 = tpu.memref_slice %arg6[%add3A_183, %dma_wait3A_186] : memref<8192x768xf32, #tpu.memory_space<hbm>> -> memref<32x768xf32, #tpu.memory_space<hbm>>
    tpu.wait_dma2 semaphore(%arg19 : memref<!tpu.dma_semaphore, #tpu.memory_space<semaphore_mem>>) src(%arg8 : memref<32x768xf32, #tpu.memory_space<vmem>>) dst(%dma_wait3A_187 : memref<32x768xf32, #tpu.memory_space<hbm>>)
    %dma_start3A_188 = arith.constant 192 : i32
    %dma_start3A_189 = tpu.memref_slice %arg7[%dma_start3A_188] : memref<768xi32, #tpu.memory_space<vmem>> -> memref<32xi32, #tpu.memory_space<vmem>>
    %dma_start3A_190 = arith.constant 0 : i32
    %dma_start3A_191 = arith.constant 0 : i32
    %dma_start3A_192 = tpu.memref_slice %arg3[%dma_start3A_190, %dma_start3A_191] : memref<30528x768xf32, #tpu.memory_space<hbm>> -> memref<30528x768xf32, #tpu.memory_space<hbm>>
    tpu.enqueue_indirect_dma source(%dma_start3A_192 : memref<30528x768xf32, #tpu.memory_space<hbm>>) target(%arg8 : memref<32x768xf32, #tpu.memory_space<vmem>>) offsets(%dma_start3A_189 : memref<32xi32, #tpu.memory_space<vmem>>) semaphore(%arg14 : memref<!tpu.dma_semaphore, #tpu.memory_space<semaphore_mem>>)
    %dma_wait3A_193 = arith.constant 160 : i32
    %dma_wait3A_194 = tpu.memref_slice %arg7[%dma_wait3A_193] : memref<768xi32, #tpu.memory_space<vmem>> -> memref<32xi32, #tpu.memory_space<vmem>>
    %dma_wait3A_195 = arith.constant 0 : i32
    %dma_wait3A_196 = arith.constant 0 : i32
    %dma_wait3A_197 = tpu.memref_slice %arg3[%dma_wait3A_195, %dma_wait3A_196] : memref<30528x768xf32, #tpu.memory_space<hbm>> -> memref<30528x768xf32, #tpu.memory_space<hbm>>
    tpu.wait_indirect_dma semaphore(%arg16 : memref<!tpu.dma_semaphore, #tpu.memory_space<semaphore_mem>>) src(%dma_wait3A_197 : memref<30528x768xf32, #tpu.memory_space<hbm>>) dst(%arg10 : memref<32x768xf32, #tpu.memory_space<vmem>>)
    %dma_wait3A_198 = arith.constant 416 : i32
    %dma_wait3A_199 = tpu.memref_slice %arg7[%dma_wait3A_198] : memref<768xi32, #tpu.memory_space<vmem>> -> memref<32xi32, #tpu.memory_space<vmem>>
    %dma_wait3A_200 = arith.constant 0 : i32
    %dma_wait3A_201 = arith.constant 0 : i32
    %dma_wait3A_202 = tpu.memref_slice %arg5[%dma_wait3A_200, %dma_wait3A_201] : memref<2048x768xf32, #tpu.memory_space<hbm>> -> memref<2048x768xf32, #tpu.memory_space<hbm>>
    tpu.wait_indirect_dma semaphore(%arg18 : memref<!tpu.dma_semaphore, #tpu.memory_space<semaphore_mem>>) src(%dma_wait3A_202 : memref<2048x768xf32, #tpu.memory_space<hbm>>) dst(%arg12 : memref<32x768xf32, #tpu.memory_space<vmem>>)
    %parallel_loop3A_203 = arith.constant 0 : i32
    %parallel_loop3A_204 = arith.constant 32 : i32
    %parallel_loop3A_205 = arith.constant 1 : i32
    scf.for %parallel_loop3A_284 = %parallel_loop3A_203 to %parallel_loop3A_204 step %parallel_loop3A_205  : i32 {
      %parallel_loop3A_285 = arith.constant 672 : i32
      %parallel_loop3A_286 = arith.addi %parallel_loop3A_285, %parallel_loop3A_284 : i32
      %parallel_loop3A_287 = arith.constant -16 : i32
      %parallel_loop3A_288 = arith.andi %parallel_loop3A_286, %parallel_loop3A_287 : i32
      %parallel_loop3A_289 = arith.constant 672 : i32
      %parallel_loop3A_290 = arith.addi %parallel_loop3A_289, %parallel_loop3A_284 : i32
      %parallel_loop3A_291 = arith.constant 15 : i32
      %parallel_loop3A_292 = arith.andi %parallel_loop3A_290, %parallel_loop3A_291 : i32
      %parallel_loop3A_293 = arith.index_cast %parallel_loop3A_288 : i32 to index
      %parallel_loop3A_294 = tpu.vector_load %arg7[%parallel_loop3A_293] {strides = array<i32>} : memref<768xi32, #tpu.memory_space<vmem>>, vector<16xi32>,
      %parallel_loop3A_295 = vector.shape_cast %parallel_loop3A_294 : vector<16xi32> to vector<16xi32>
      %parallel_loop3A_296 = arith.sitofp %parallel_loop3A_295 : vector<16xi32> to vector<16xf32>
      %parallel_loop3A_297 = vector.broadcast %parallel_loop3A_292 : i32 to vector<16xi32>
      %parallel_loop3A_298 = vector.shape_cast %parallel_loop3A_297 : vector<16xi32> to vector<16x1xi32>
      %parallel_loop3A_299 = vector.shape_cast %parallel_loop3A_298 : vector<16x1xi32> to vector<16xi32>
      %parallel_loop3A_300 = tpu.dynamic_gather %parallel_loop3A_296[%parallel_loop3A_299] in [0] : vector<16xf32>, vector<16xi32> -> vector<16xf32>
      %parallel_loop3A_301 = arith.constant 0 : i32
      %parallel_loop3A_302 = arith.constant 48 : i32
      %parallel_loop3A_303 = arith.constant 1 : i32
      scf.for %parallel_loop3A_304 = %parallel_loop3A_301 to %parallel_loop3A_302 step %parallel_loop3A_303  : i32 {
        %parallel_loop3A_305 = arith.constant 16 : i32
        %parallel_loop3A_306 = arith.muli %parallel_loop3A_304, %parallel_loop3A_305 : i32
        %parallel_loop3A_307 = arith.constant 0 : i32
        %parallel_loop3A_308 = arith.index_cast %parallel_loop3A_307 : i32 to index
        %parallel_loop3A_309 = arith.index_cast %parallel_loop3A_306 : i32 to index
        %parallel_loop3A_310 = tpu.vector_load %arg13[%parallel_loop3A_308, %parallel_loop3A_309] {strides = array<i32>} : memref<2x768xf32, #tpu.memory_space<vmem>>, vector<1x16xf32>,
        %parallel_loop3A_311 = vector.shape_cast %parallel_loop3A_310 : vector<1x16xf32> to vector<16xf32>
        %parallel_loop3A_312 = arith.index_cast %parallel_loop3A_284 : i32 to index
        %parallel_loop3A_313 = arith.index_cast %parallel_loop3A_306 : i32 to index
        %parallel_loop3A_314 = tpu.vector_load %arg10[%parallel_loop3A_312, %parallel_loop3A_313] {strides = array<i32>} : memref<32x768xf32, #tpu.memory_space<vmem>>, vector<1x16xf32>,
        %parallel_loop3A_315 = vector.shape_cast %parallel_loop3A_314 : vector<1x16xf32> to vector<16xf32>
        %parallel_loop3A_316 = arith.index_cast %parallel_loop3A_284 : i32 to index
        %parallel_loop3A_317 = arith.index_cast %parallel_loop3A_306 : i32 to index
        %parallel_loop3A_318 = tpu.vector_load %arg12[%parallel_loop3A_316, %parallel_loop3A_317] {strides = array<i32>} : memref<32x768xf32, #tpu.memory_space<vmem>>, vector<1x16xf32>,
        %parallel_loop3A_319 = vector.shape_cast %parallel_loop3A_318 : vector<1x16xf32> to vector<16xf32>
        %parallel_loop3A_320 = arith.addf %parallel_loop3A_315, %parallel_loop3A_319 : vector<16xf32>
        %parallel_loop3A_321 = arith.addf %parallel_loop3A_320, %parallel_loop3A_311 : vector<16xf32>
        %parallel_loop3A_322 = arith.constant 1 : i32
        %parallel_loop3A_323 = arith.index_cast %parallel_loop3A_322 : i32 to index
        %parallel_loop3A_324 = arith.index_cast %parallel_loop3A_306 : i32 to index
        %parallel_loop3A_325 = tpu.vector_load %arg13[%parallel_loop3A_323, %parallel_loop3A_324] {strides = array<i32>} : memref<2x768xf32, #tpu.memory_space<vmem>>, vector<1x16xf32>,
        %parallel_loop3A_326 = vector.shape_cast %parallel_loop3A_325 : vector<1x16xf32> to vector<16xf32>
        %parallel_loop3A_327 = arith.subf %parallel_loop3A_326, %parallel_loop3A_311 : vector<16xf32>
        %parallel_loop3A_328 = arith.mulf %parallel_loop3A_300, %parallel_loop3A_327 : vector<16xf32>
        %parallel_loop3A_329 = arith.addf %parallel_loop3A_321, %parallel_loop3A_328 : vector<16xf32>
        %parallel_loop3A_330 = arith.index_cast %parallel_loop3A_284 : i32 to index
        %parallel_loop3A_331 = arith.index_cast %parallel_loop3A_306 : i32 to index
        %parallel_loop3A_332 = tpu.vector_load %arg10[%parallel_loop3A_330, %parallel_loop3A_331] {strides = array<i32>} : memref<32x768xf32, #tpu.memory_space<vmem>>, vector<1x16xf32>,
        %parallel_loop3A_333 = vector.shape_cast %parallel_loop3A_332 : vector<1x16xf32> to vector<16xf32>
        %parallel_loop3A_334 = vector.shape_cast %parallel_loop3A_329 : vector<16xf32> to vector<1x16xf32>
        tpu.vector_store %arg10[%parallel_loop3A_330, %parallel_loop3A_331], %parallel_loop3A_334 {strides = array<i32>} : memref<32x768xf32, #tpu.memory_space<vmem>>, vector<1x16xf32>,
      } {sc.loop_unroll_factor = 8 : i64, sc.parallel_access}
    } {sc.loop_unroll_factor = 1 : i64, sc.parallel_access}
    %add3A_206 = arith.constant 160 : i32
    %add3A_207 = arith.addi %mul3A_2, %add3A_206 : i32
    %dma_start3A_208 = arith.constant 0 : i32
    %dma_start3A_209 = tpu.memref_slice %arg6[%add3A_207, %dma_start3A_208] : memref<8192x768xf32, #tpu.memory_space<hbm>> -> memref<32x768xf32, #tpu.memory_space<hbm>>
    %dma_start3A_210 = arith.constant 0 : i32
    %dma_start3A_211 = tpu.memref_slice %arg6[%add3A_207, %dma_start3A_210] : memref<8192x768xf32, #tpu.memory_space<hbm>> -> memref<32x768xf32, #tpu.memory_space<hbm>>
    tpu.enqueue_dma source(%arg10 : memref<32x768xf32, #tpu.memory_space<vmem>>) target(%dma_start3A_211 : memref<32x768xf32, #tpu.memory_space<hbm>>) target_semaphore(%arg21 : memref<!tpu.dma_semaphore, #tpu.memory_space<semaphore_mem>>)
    %dma_start3A_212 = arith.constant 480 : i32
    %dma_start3A_213 = tpu.memref_slice %arg7[%dma_start3A_212] : memref<768xi32, #tpu.memory_space<vmem>> -> memref<32xi32, #tpu.memory_space<vmem>>
    %dma_start3A_214 = arith.constant 0 : i32
    %dma_start3A_215 = arith.constant 0 : i32
    %dma_start3A_216 = tpu.memref_slice %arg5[%dma_start3A_214, %dma_start3A_215] : memref<2048x768xf32, #tpu.memory_space<hbm>> -> memref<2048x768xf32, #tpu.memory_space<hbm>>
    tpu.enqueue_indirect_dma source(%dma_start3A_216 : memref<2048x768xf32, #tpu.memory_space<hbm>>) target(%arg12 : memref<32x768xf32, #tpu.memory_space<vmem>>) offsets(%dma_start3A_213 : memref<32xi32, #tpu.memory_space<vmem>>) semaphore(%arg18 : memref<!tpu.dma_semaphore, #tpu.memory_space<semaphore_mem>>)
    %add3A_217 = arith.constant 128 : i32
    %add3A_218 = arith.addi %mul3A_2, %add3A_217 : i32
    %dma_wait3A_219 = arith.constant 0 : i32
    %dma_wait3A_220 = tpu.memref_slice %arg6[%add3A_218, %dma_wait3A_219] : memref<8192x768xf32, #tpu.memory_space<hbm>> -> memref<32x768xf32, #tpu.memory_space<hbm>>
    %dma_wait3A_221 = arith.constant 0 : i32
    %dma_wait3A_222 = tpu.memref_slice %arg6[%add3A_218, %dma_wait3A_221] : memref<8192x768xf32, #tpu.memory_space<hbm>> -> memref<32x768xf32, #tpu.memory_space<hbm>>
    tpu.wait_dma2 semaphore(%arg20 : memref<!tpu.dma_semaphore, #tpu.memory_space<semaphore_mem>>) src(%arg9 : memref<32x768xf32, #tpu.memory_space<vmem>>) dst(%dma_wait3A_222 : memref<32x768xf32, #tpu.memory_space<hbm>>)
    %dma_start3A_223 = arith.constant 224 : i32
    %dma_start3A_224 = tpu.memref_slice %arg7[%dma_start3A_223] : memref<768xi32, #tpu.memory_space<vmem>> -> memref<32xi32, #tpu.memory_space<vmem>>
    %dma_start3A_225 = arith.constant 0 : i32
    %dma_start3A_226 = arith.constant 0 : i32
    %dma_start3A_227 = tpu.memref_slice %arg3[%dma_start3A_225, %dma_start3A_226] : memref<30528x768xf32, #tpu.memory_space<hbm>> -> memref<30528x768xf32, #tpu.memory_space<hbm>>
    tpu.enqueue_indirect_dma source(%dma_start3A_227 : memref<30528x768xf32, #tpu.memory_space<hbm>>) target(%arg9 : memref<32x768xf32, #tpu.memory_space<vmem>>) offsets(%dma_start3A_224 : memref<32xi32, #tpu.memory_space<vmem>>) semaphore(%arg15 : memref<!tpu.dma_semaphore, #tpu.memory_space<semaphore_mem>>)
    %dma_wait3A_228 = arith.constant 192 : i32
    %dma_wait3A_229 = tpu.memref_slice %arg7[%dma_wait3A_228] : memref<768xi32, #tpu.memory_space<vmem>> -> memref<32xi32, #tpu.memory_space<vmem>>
    %dma_wait3A_230 = arith.constant 0 : i32
    %dma_wait3A_231 = arith.constant 0 : i32
    %dma_wait3A_232 = tpu.memref_slice %arg3[%dma_wait3A_230, %dma_wait3A_231] : memref<30528x768xf32, #tpu.memory_space<hbm>> -> memref<30528x768xf32, #tpu.memory_space<hbm>>
    tpu.wait_indirect_dma semaphore(%arg14 : memref<!tpu.dma_semaphore, #tpu.memory_space<semaphore_mem>>) src(%dma_wait3A_232 : memref<30528x768xf32, #tpu.memory_space<hbm>>) dst(%arg8 : memref<32x768xf32, #tpu.memory_space<vmem>>)
    %dma_wait3A_233 = arith.constant 448 : i32
    %dma_wait3A_234 = tpu.memref_slice %arg7[%dma_wait3A_233] : memref<768xi32, #tpu.memory_space<vmem>> -> memref<32xi32, #tpu.memory_space<vmem>>
    %dma_wait3A_235 = arith.constant 0 : i32
    %dma_wait3A_236 = arith.constant 0 : i32
    %dma_wait3A_237 = tpu.memref_slice %arg5[%dma_wait3A_235, %dma_wait3A_236] : memref<2048x768xf32, #tpu.memory_space<hbm>> -> memref<2048x768xf32, #tpu.memory_space<hbm>>
    tpu.wait_indirect_dma semaphore(%arg17 : memref<!tpu.dma_semaphore, #tpu.memory_space<semaphore_mem>>) src(%dma_wait3A_237 : memref<2048x768xf32, #tpu.memory_space<hbm>>) dst(%arg11 : memref<32x768xf32, #tpu.memory_space<vmem>>)
    %parallel_loop3A_238 = arith.constant 0 : i32
    %parallel_loop3A_239 = arith.constant 32 : i32
    %parallel_loop3A_240 = arith.constant 1 : i32
    scf.for %parallel_loop3A_284 = %parallel_loop3A_238 to %parallel_loop3A_239 step %parallel_loop3A_240  : i32 {
      %parallel_loop3A_285 = arith.constant 704 : i32
      %parallel_loop3A_286 = arith.addi %parallel_loop3A_285, %parallel_loop3A_284 : i32
      %parallel_loop3A_287 = arith.constant -16 : i32
      %parallel_loop3A_288 = arith.andi %parallel_loop3A_286, %parallel_loop3A_287 : i32
      %parallel_loop3A_289 = arith.constant 704 : i32
      %parallel_loop3A_290 = arith.addi %parallel_loop3A_289, %parallel_loop3A_284 : i32
      %parallel_loop3A_291 = arith.constant 15 : i32
      %parallel_loop3A_292 = arith.andi %parallel_loop3A_290, %parallel_loop3A_291 : i32
      %parallel_loop3A_293 = arith.index_cast %parallel_loop3A_288 : i32 to index
      %parallel_loop3A_294 = tpu.vector_load %arg7[%parallel_loop3A_293] {strides = array<i32>} : memref<768xi32, #tpu.memory_space<vmem>>, vector<16xi32>,
      %parallel_loop3A_295 = vector.shape_cast %parallel_loop3A_294 : vector<16xi32> to vector<16xi32>
      %parallel_loop3A_296 = arith.sitofp %parallel_loop3A_295 : vector<16xi32> to vector<16xf32>
      %parallel_loop3A_297 = vector.broadcast %parallel_loop3A_292 : i32 to vector<16xi32>
      %parallel_loop3A_298 = vector.shape_cast %parallel_loop3A_297 : vector<16xi32> to vector<16x1xi32>
      %parallel_loop3A_299 = vector.shape_cast %parallel_loop3A_298 : vector<16x1xi32> to vector<16xi32>
      %parallel_loop3A_300 = tpu.dynamic_gather %parallel_loop3A_296[%parallel_loop3A_299] in [0] : vector<16xf32>, vector<16xi32> -> vector<16xf32>
      %parallel_loop3A_301 = arith.constant 0 : i32
      %parallel_loop3A_302 = arith.constant 48 : i32
      %parallel_loop3A_303 = arith.constant 1 : i32
      scf.for %parallel_loop3A_304 = %parallel_loop3A_301 to %parallel_loop3A_302 step %parallel_loop3A_303  : i32 {
        %parallel_loop3A_305 = arith.constant 16 : i32
        %parallel_loop3A_306 = arith.muli %parallel_loop3A_304, %parallel_loop3A_305 : i32
        %parallel_loop3A_307 = arith.constant 0 : i32
        %parallel_loop3A_308 = arith.index_cast %parallel_loop3A_307 : i32 to index
        %parallel_loop3A_309 = arith.index_cast %parallel_loop3A_306 : i32 to index
        %parallel_loop3A_310 = tpu.vector_load %arg13[%parallel_loop3A_308, %parallel_loop3A_309] {strides = array<i32>} : memref<2x768xf32, #tpu.memory_space<vmem>>, vector<1x16xf32>,
        %parallel_loop3A_311 = vector.shape_cast %parallel_loop3A_310 : vector<1x16xf32> to vector<16xf32>
        %parallel_loop3A_312 = arith.index_cast %parallel_loop3A_284 : i32 to index
        %parallel_loop3A_313 = arith.index_cast %parallel_loop3A_306 : i32 to index
        %parallel_loop3A_314 = tpu.vector_load %arg8[%parallel_loop3A_312, %parallel_loop3A_313] {strides = array<i32>} : memref<32x768xf32, #tpu.memory_space<vmem>>, vector<1x16xf32>,
        %parallel_loop3A_315 = vector.shape_cast %parallel_loop3A_314 : vector<1x16xf32> to vector<16xf32>
        %parallel_loop3A_316 = arith.index_cast %parallel_loop3A_284 : i32 to index
        %parallel_loop3A_317 = arith.index_cast %parallel_loop3A_306 : i32 to index
        %parallel_loop3A_318 = tpu.vector_load %arg11[%parallel_loop3A_316, %parallel_loop3A_317] {strides = array<i32>} : memref<32x768xf32, #tpu.memory_space<vmem>>, vector<1x16xf32>,
        %parallel_loop3A_319 = vector.shape_cast %parallel_loop3A_318 : vector<1x16xf32> to vector<16xf32>
        %parallel_loop3A_320 = arith.addf %parallel_loop3A_315, %parallel_loop3A_319 : vector<16xf32>
        %parallel_loop3A_321 = arith.addf %parallel_loop3A_320, %parallel_loop3A_311 : vector<16xf32>
        %parallel_loop3A_322 = arith.constant 1 : i32
        %parallel_loop3A_323 = arith.index_cast %parallel_loop3A_322 : i32 to index
        %parallel_loop3A_324 = arith.index_cast %parallel_loop3A_306 : i32 to index
        %parallel_loop3A_325 = tpu.vector_load %arg13[%parallel_loop3A_323, %parallel_loop3A_324] {strides = array<i32>} : memref<2x768xf32, #tpu.memory_space<vmem>>, vector<1x16xf32>,
        %parallel_loop3A_326 = vector.shape_cast %parallel_loop3A_325 : vector<1x16xf32> to vector<16xf32>
        %parallel_loop3A_327 = arith.subf %parallel_loop3A_326, %parallel_loop3A_311 : vector<16xf32>
        %parallel_loop3A_328 = arith.mulf %parallel_loop3A_300, %parallel_loop3A_327 : vector<16xf32>
        %parallel_loop3A_329 = arith.addf %parallel_loop3A_321, %parallel_loop3A_328 : vector<16xf32>
        %parallel_loop3A_330 = arith.index_cast %parallel_loop3A_284 : i32 to index
        %parallel_loop3A_331 = arith.index_cast %parallel_loop3A_306 : i32 to index
        %parallel_loop3A_332 = tpu.vector_load %arg8[%parallel_loop3A_330, %parallel_loop3A_331] {strides = array<i32>} : memref<32x768xf32, #tpu.memory_space<vmem>>, vector<1x16xf32>,
        %parallel_loop3A_333 = vector.shape_cast %parallel_loop3A_332 : vector<1x16xf32> to vector<16xf32>
        %parallel_loop3A_334 = vector.shape_cast %parallel_loop3A_329 : vector<16xf32> to vector<1x16xf32>
        tpu.vector_store %arg8[%parallel_loop3A_330, %parallel_loop3A_331], %parallel_loop3A_334 {strides = array<i32>} : memref<32x768xf32, #tpu.memory_space<vmem>>, vector<1x16xf32>,
      } {sc.loop_unroll_factor = 8 : i64, sc.parallel_access}
    } {sc.loop_unroll_factor = 1 : i64, sc.parallel_access}
    %add3A_241 = arith.constant 192 : i32
    %add3A_242 = arith.addi %mul3A_2, %add3A_241 : i32
    %dma_start3A_243 = arith.constant 0 : i32
    %dma_start3A_244 = tpu.memref_slice %arg6[%add3A_242, %dma_start3A_243] : memref<8192x768xf32, #tpu.memory_space<hbm>> -> memref<32x768xf32, #tpu.memory_space<hbm>>
    %dma_start3A_245 = arith.constant 0 : i32
    %dma_start3A_246 = tpu.memref_slice %arg6[%add3A_242, %dma_start3A_245] : memref<8192x768xf32, #tpu.memory_space<hbm>> -> memref<32x768xf32, #tpu.memory_space<hbm>>
    tpu.enqueue_dma source(%arg8 : memref<32x768xf32, #tpu.memory_space<vmem>>) target(%dma_start3A_246 : memref<32x768xf32, #tpu.memory_space<hbm>>) target_semaphore(%arg19 : memref<!tpu.dma_semaphore, #tpu.memory_space<semaphore_mem>>)
    %dma_wait3A_247 = arith.constant 224 : i32
    %dma_wait3A_248 = tpu.memref_slice %arg7[%dma_wait3A_247] : memref<768xi32, #tpu.memory_space<vmem>> -> memref<32xi32, #tpu.memory_space<vmem>>
    %dma_wait3A_249 = arith.constant 0 : i32
    %dma_wait3A_250 = arith.constant 0 : i32
    %dma_wait3A_251 = tpu.memref_slice %arg3[%dma_wait3A_249, %dma_wait3A_250] : memref<30528x768xf32, #tpu.memory_space<hbm>> -> memref<30528x768xf32, #tpu.memory_space<hbm>>
    tpu.wait_indirect_dma semaphore(%arg15 : memref<!tpu.dma_semaphore, #tpu.memory_space<semaphore_mem>>) src(%dma_wait3A_251 : memref<30528x768xf32, #tpu.memory_space<hbm>>) dst(%arg9 : memref<32x768xf32, #tpu.memory_space<vmem>>)
    %dma_wait3A_252 = arith.constant 480 : i32
    %dma_wait3A_253 = tpu.memref_slice %arg7[%dma_wait3A_252] : memref<768xi32, #tpu.memory_space<vmem>> -> memref<32xi32, #tpu.memory_space<vmem>>
    %dma_wait3A_254 = arith.constant 0 : i32
    %dma_wait3A_255 = arith.constant 0 : i32
    %dma_wait3A_256 = tpu.memref_slice %arg5[%dma_wait3A_254, %dma_wait3A_255] : memref<2048x768xf32, #tpu.memory_space<hbm>> -> memref<2048x768xf32, #tpu.memory_space<hbm>>
    tpu.wait_indirect_dma semaphore(%arg18 : memref<!tpu.dma_semaphore, #tpu.memory_space<semaphore_mem>>) src(%dma_wait3A_256 : memref<2048x768xf32, #tpu.memory_space<hbm>>) dst(%arg12 : memref<32x768xf32, #tpu.memory_space<vmem>>)
    %parallel_loop3A_257 = arith.constant 0 : i32
    %parallel_loop3A_258 = arith.constant 32 : i32
    %parallel_loop3A_259 = arith.constant 1 : i32
    scf.for %parallel_loop3A_284 = %parallel_loop3A_257 to %parallel_loop3A_258 step %parallel_loop3A_259  : i32 {
      %parallel_loop3A_285 = arith.constant 736 : i32
      %parallel_loop3A_286 = arith.addi %parallel_loop3A_285, %parallel_loop3A_284 : i32
      %parallel_loop3A_287 = arith.constant -16 : i32
      %parallel_loop3A_288 = arith.andi %parallel_loop3A_286, %parallel_loop3A_287 : i32
      %parallel_loop3A_289 = arith.constant 736 : i32
      %parallel_loop3A_290 = arith.addi %parallel_loop3A_289, %parallel_loop3A_284 : i32
      %parallel_loop3A_291 = arith.constant 15 : i32
      %parallel_loop3A_292 = arith.andi %parallel_loop3A_290, %parallel_loop3A_291 : i32
      %parallel_loop3A_293 = arith.index_cast %parallel_loop3A_288 : i32 to index
      %parallel_loop3A_294 = tpu.vector_load %arg7[%parallel_loop3A_293] {strides = array<i32>} : memref<768xi32, #tpu.memory_space<vmem>>, vector<16xi32>,
      %parallel_loop3A_295 = vector.shape_cast %parallel_loop3A_294 : vector<16xi32> to vector<16xi32>
      %parallel_loop3A_296 = arith.sitofp %parallel_loop3A_295 : vector<16xi32> to vector<16xf32>
      %parallel_loop3A_297 = vector.broadcast %parallel_loop3A_292 : i32 to vector<16xi32>
      %parallel_loop3A_298 = vector.shape_cast %parallel_loop3A_297 : vector<16xi32> to vector<16x1xi32>
      %parallel_loop3A_299 = vector.shape_cast %parallel_loop3A_298 : vector<16x1xi32> to vector<16xi32>
      %parallel_loop3A_300 = tpu.dynamic_gather %parallel_loop3A_296[%parallel_loop3A_299] in [0] : vector<16xf32>, vector<16xi32> -> vector<16xf32>
      %parallel_loop3A_301 = arith.constant 0 : i32
      %parallel_loop3A_302 = arith.constant 48 : i32
      %parallel_loop3A_303 = arith.constant 1 : i32
      scf.for %parallel_loop3A_304 = %parallel_loop3A_301 to %parallel_loop3A_302 step %parallel_loop3A_303  : i32 {
        %parallel_loop3A_305 = arith.constant 16 : i32
        %parallel_loop3A_306 = arith.muli %parallel_loop3A_304, %parallel_loop3A_305 : i32
        %parallel_loop3A_307 = arith.constant 0 : i32
        %parallel_loop3A_308 = arith.index_cast %parallel_loop3A_307 : i32 to index
        %parallel_loop3A_309 = arith.index_cast %parallel_loop3A_306 : i32 to index
        %parallel_loop3A_310 = tpu.vector_load %arg13[%parallel_loop3A_308, %parallel_loop3A_309] {strides = array<i32>} : memref<2x768xf32, #tpu.memory_space<vmem>>, vector<1x16xf32>,
        %parallel_loop3A_311 = vector.shape_cast %parallel_loop3A_310 : vector<1x16xf32> to vector<16xf32>
        %parallel_loop3A_312 = arith.index_cast %parallel_loop3A_284 : i32 to index
        %parallel_loop3A_313 = arith.index_cast %parallel_loop3A_306 : i32 to index
        %parallel_loop3A_314 = tpu.vector_load %arg9[%parallel_loop3A_312, %parallel_loop3A_313] {strides = array<i32>} : memref<32x768xf32, #tpu.memory_space<vmem>>, vector<1x16xf32>,
        %parallel_loop3A_315 = vector.shape_cast %parallel_loop3A_314 : vector<1x16xf32> to vector<16xf32>
        %parallel_loop3A_316 = arith.index_cast %parallel_loop3A_284 : i32 to index
        %parallel_loop3A_317 = arith.index_cast %parallel_loop3A_306 : i32 to index
        %parallel_loop3A_318 = tpu.vector_load %arg12[%parallel_loop3A_316, %parallel_loop3A_317] {strides = array<i32>} : memref<32x768xf32, #tpu.memory_space<vmem>>, vector<1x16xf32>,
        %parallel_loop3A_319 = vector.shape_cast %parallel_loop3A_318 : vector<1x16xf32> to vector<16xf32>
        %parallel_loop3A_320 = arith.addf %parallel_loop3A_315, %parallel_loop3A_319 : vector<16xf32>
        %parallel_loop3A_321 = arith.addf %parallel_loop3A_320, %parallel_loop3A_311 : vector<16xf32>
        %parallel_loop3A_322 = arith.constant 1 : i32
        %parallel_loop3A_323 = arith.index_cast %parallel_loop3A_322 : i32 to index
        %parallel_loop3A_324 = arith.index_cast %parallel_loop3A_306 : i32 to index
        %parallel_loop3A_325 = tpu.vector_load %arg13[%parallel_loop3A_323, %parallel_loop3A_324] {strides = array<i32>} : memref<2x768xf32, #tpu.memory_space<vmem>>, vector<1x16xf32>,
        %parallel_loop3A_326 = vector.shape_cast %parallel_loop3A_325 : vector<1x16xf32> to vector<16xf32>
        %parallel_loop3A_327 = arith.subf %parallel_loop3A_326, %parallel_loop3A_311 : vector<16xf32>
        %parallel_loop3A_328 = arith.mulf %parallel_loop3A_300, %parallel_loop3A_327 : vector<16xf32>
        %parallel_loop3A_329 = arith.addf %parallel_loop3A_321, %parallel_loop3A_328 : vector<16xf32>
        %parallel_loop3A_330 = arith.index_cast %parallel_loop3A_284 : i32 to index
        %parallel_loop3A_331 = arith.index_cast %parallel_loop3A_306 : i32 to index
        %parallel_loop3A_332 = tpu.vector_load %arg9[%parallel_loop3A_330, %parallel_loop3A_331] {strides = array<i32>} : memref<32x768xf32, #tpu.memory_space<vmem>>, vector<1x16xf32>,
        %parallel_loop3A_333 = vector.shape_cast %parallel_loop3A_332 : vector<1x16xf32> to vector<16xf32>
        %parallel_loop3A_334 = vector.shape_cast %parallel_loop3A_329 : vector<16xf32> to vector<1x16xf32>
        tpu.vector_store %arg9[%parallel_loop3A_330, %parallel_loop3A_331], %parallel_loop3A_334 {strides = array<i32>} : memref<32x768xf32, #tpu.memory_space<vmem>>, vector<1x16xf32>,
      } {sc.loop_unroll_factor = 8 : i64, sc.parallel_access}
    } {sc.loop_unroll_factor = 1 : i64, sc.parallel_access}
    %add3A_260 = arith.constant 224 : i32
    %add3A_261 = arith.addi %mul3A_2, %add3A_260 : i32
    %dma_start3A_262 = arith.constant 0 : i32
    %dma_start3A_263 = tpu.memref_slice %arg6[%add3A_261, %dma_start3A_262] : memref<8192x768xf32, #tpu.memory_space<hbm>> -> memref<32x768xf32, #tpu.memory_space<hbm>>
    %dma_start3A_264 = arith.constant 0 : i32
    %dma_start3A_265 = tpu.memref_slice %arg6[%add3A_261, %dma_start3A_264] : memref<8192x768xf32, #tpu.memory_space<hbm>> -> memref<32x768xf32, #tpu.memory_space<hbm>>
    tpu.enqueue_dma source(%arg9 : memref<32x768xf32, #tpu.memory_space<vmem>>) target(%dma_start3A_265 : memref<32x768xf32, #tpu.memory_space<hbm>>) target_semaphore(%arg20 : memref<!tpu.dma_semaphore, #tpu.memory_space<semaphore_mem>>)
    %add3A_266 = arith.constant 160 : i32
    %add3A_267 = arith.addi %mul3A_2, %add3A_266 : i32
    %dma_wait3A_268 = arith.constant 0 : i32
    %dma_wait3A_269 = tpu.memref_slice %arg6[%add3A_267, %dma_wait3A_268] : memref<8192x768xf32, #tpu.memory_space<hbm>> -> memref<32x768xf32, #tpu.memory_space<hbm>>
    %dma_wait3A_270 = arith.constant 0 : i32
    %dma_wait3A_271 = tpu.memref_slice %arg6[%add3A_267, %dma_wait3A_270] : memref<8192x768xf32, #tpu.memory_space<hbm>> -> memref<32x768xf32, #tpu.memory_space<hbm>>
    tpu.wait_dma2 semaphore(%arg21 : memref<!tpu.dma_semaphore, #tpu.memory_space<semaphore_mem>>) src(%arg10 : memref<32x768xf32, #tpu.memory_space<vmem>>) dst(%dma_wait3A_271 : memref<32x768xf32, #tpu.memory_space<hbm>>)
    %add3A_272 = arith.constant 192 : i32
    %add3A_273 = arith.addi %mul3A_2, %add3A_272 : i32
    %dma_wait3A_274 = arith.constant 0 : i32
    %dma_wait3A_275 = tpu.memref_slice %arg6[%add3A_273, %dma_wait3A_274] : memref<8192x768xf32, #tpu.memory_space<hbm>> -> memref<32x768xf32, #tpu.memory_space<hbm>>
    %dma_wait3A_276 = arith.constant 0 : i32
    %dma_wait3A_277 = tpu.memref_slice %arg6[%add3A_273, %dma_wait3A_276] : memref<8192x768xf32, #tpu.memory_space<hbm>> -> memref<32x768xf32, #tpu.memory_space<hbm>>
    tpu.wait_dma2 semaphore(%arg19 : memref<!tpu.dma_semaphore, #tpu.memory_space<semaphore_mem>>) src(%arg8 : memref<32x768xf32, #tpu.memory_space<vmem>>) dst(%dma_wait3A_277 : memref<32x768xf32, #tpu.memory_space<hbm>>)
    %add3A_278 = arith.constant 224 : i32
    %add3A_279 = arith.addi %mul3A_2, %add3A_278 : i32
    %dma_wait3A_280 = arith.constant 0 : i32
    %dma_wait3A_281 = tpu.memref_slice %arg6[%add3A_279, %dma_wait3A_280] : memref<8192x768xf32, #tpu.memory_space<hbm>> -> memref<32x768xf32, #tpu.memory_space<hbm>>
    %dma_wait3A_282 = arith.constant 0 : i32
    %dma_wait3A_283 = tpu.memref_slice %arg6[%add3A_279, %dma_wait3A_282] : memref<8192x768xf32, #tpu.memory_space<hbm>> -> memref<32x768xf32, #tpu.memory_space<hbm>>
    tpu.wait_dma2 semaphore(%arg20 : memref<!tpu.dma_semaphore, #tpu.memory_space<semaphore_mem>>) src(%arg9 : memref<32x768xf32, #tpu.memory_space<vmem>>) dst(%dma_wait3A_283 : memref<32x768xf32, #tpu.memory_space<hbm>>)
    return
  }
}

</mosaic_0001>

<sc_bundles>
// kernel: kernel.3.cloned.1.call-start
scs
__scs_entry_jumppad:
0x0: {  	(pc) =	sbr.rel $0x88, $3  }
0x1: {  	(tag) =	ssettag $0x0;
	lr =	simm.s32 $0x1  }
0x2: {  	[smem:$0x3F9B] =	sst lr;
	_ =	strace $0xD0000000  }
0x3: {  	_ = 	snop  }
0x4: {  	_ = 	snop  }
0x5: {  	_ = 	snop  }
0x6: {  	_ = 	snop  }
0x7: {  	_ = 	snop  }
__scs_overlays_trampoline_lowered:
0x8: {  	[smem:$0x3FAA] =	sst s0  }
0x9: {  	[smem:$0x3FAB] =	sst s1  }
0xa: {  	[smem:$0x3FAC] =	sst s2  }
0xb: {  	[smem:$0x3FAD] =	sst s3  }
0xc: {  	[smem:$0x3FAE] =	sst s4  }
0xd: {  	[smem:$0x3FAF] =	sst s5  }
0xe: {  	[smem:$0x3FB0] =	sst s6  }
0xf: {  	[smem:$0x3FB1] =	sst s7  }
0x10: {  	[smem:$0x3FB2] =	sst s8  }
0x11: {  	[smem:$0x3FB3] =	sst s9;
	s0 =	simm.s32 @!p0 $0x0  }
0x12: {  	s1 =	sld [smem:$0x3F99];
	s0 =	simm.s32 @p0 $0x1  }
0x13: {  	[smem:$0x3FB4] =	sst s0;
	s0 =	simm.s32 @!p1 $0x0  }
0x14: {  	s2 =	sld [smem:$0x3F98];
	s0 =	simm.s32 @p1 $0x1  }
0x15: {  	[smem:$0x3FB5] =	sst s0;
	s0 =	simm.s32 @!p2 $0x0  }
0x16: {  	s3 =	sld [smem:$0x3FDB];
	s0 =	simm.s32 @p2 $0x1  }
0x17: {  	s4 =	simm.s32 $0x1BF5;
	[smem:$0x3FB7] =	sst s0  }
0x18: {  	s0 =	sld [smem:$0x3F9A];
	_ =	swait.ge [sflag:s4], $0x0  }
0x19: {  	s7 =	sld [smem:$0x3F9B]  }
0x1a: {  	s8 =	sadd.s32 $0xFFFFE003, lr  }
0x1b: {  	s9 =	sadd.s32 $0xFFFFFEF7, lr;
	s5 =	simm.s32 $0xFFFFFFFF;
	p2 =	slt.u32 s8, $0xFFFFF086  }
0x1c: {  	p1 =	slt.u32 s9, $0xF7A;
	s5 =	simm.s32 @!p2 $0x0  }
0x1d: {  	s5 =	simm.s32 @p1 $0x1;
	p0 =	seq.s32 s7, s2  }
0x1e: {  	s7 =	smul.u32 @!p0 $0xF7A, s2;
	p2 =	seq.s32 @!p0 s5, $0x0  }
0x1f: {  	s9 =	smul.u32 $0xF7A, s1;
	s8 =	simm.s32 @!p0 $0x1BF5;
	p2 =	por !p2, p0  }
0x20: {  	[sflag:s8] =	ssyncset.s32 @!p0 $0xFFFFF086;
	s6 =	sadd.s32 @!p0 s3, s7;
	s7 =	simm.s32 @!p0 $0x108  }
0x21: {  	s3 =	sadd.s32 s3, s9;
	s6 =	sadd.s32 @!p0 $0x88, s6;
	s7 =	simm.s32 @p2 $0x1082  }
0x22: {  	[simem:s7], [sflag:s8] =	dma.local @!p0 [hbm:s6], $0xF7A  }
0x23: {  	s9 =	sor.u32 $0xD0000000, s2;
	s6 =	simm.s32 $0x108;
	_ =	swait.ge @!p0 [sflag:s8], $0x0  }
0x24: {  	s3 =	sadd.s32 $0x88, s3;
	s6 =	simm.s32 @!p1 $0x1082;
	[sflag:s4] =	ssyncset.s32 $0xFFFFF086  }
0x25: {  	[simem:s6], [sflag:s4] =	dma.local [hbm:s3], $0xF7A  }
0x26: {  	[smem:$0x3F9B] =	sst s1;
	(tag) =	ssettag s2;
	_ =	strace s9  }
0x27: {  	s1 =	sld [smem:$0x3FAB]  }
0x28: {  	s2 =	sld [smem:$0x3FAC]  }
0x29: {  	s4 =	sld [smem:$0x3FAE]  }
0x2a: {  	p0 =	seq.s32 s5, $0x0;
	s5 =	sld [smem:$0x3FAF]  }
0x2b: {  	s6 =	sld [smem:$0x3FB0]  }
0x2c: {  	s7 =	sld [smem:$0x3FB1]  }
0x2d: {  	s3 =	simm.s32 $0x108;
	s8 =	sld [smem:$0x3FB2]  }
0x2e: {  	s3 =	simm.s32 @!p0 $0x1082;
	s9 =	sld [smem:$0x3FB3]  }
0x2f: {  	lr =	sadd.s32 s0, s3;
	s0 =	sld [smem:$0x3FAA]  }
0x30: {  	s3 =	sld [smem:$0x3FAD]  }
0x31: {  	[smem:$0x3FB6] =	sst s10  }
0x32: {  	s10 =	sld [smem:$0x3FB4];
	_ =	sdelay $0x3  }
0x33: {  	p0 =	seq.s32 s10, $0x1;
	s10 =	sld [smem:$0x3FB6];
	_ =	sdelay $0x3  }
0x34: {  	[smem:$0x3FB6] =	sst s10  }
0x35: {  	s10 =	sld [smem:$0x3FB5];
	_ =	sdelay $0x3  }
0x36: {  	p1 =	seq.s32 s10, $0x1;
	s10 =	sld [smem:$0x3FB6];
	_ =	sdelay $0x3  }
0x37: {  	[smem:$0x3FB6] =	sst s10  }
0x38: {  	s10 =	sld [smem:$0x3FB7]  }
0x39: {  	_ = 	snop;
	(pc) =	sbr.ind lr, $3  }
0x3a: {  	_ = 	snop  }
0x3b: {  	_ = 	snop  }
0x3c: {  	p2 =	seq.s32 s10, $0x1;
	s10 =	sld [smem:$0x3FB6]  }
0x3d: {  	_ =	shalt  }
0x3e: {  	_ =	shalt  }
0x3f: {  	_ =	shalt  }
0x40: {  	_ =	shalt  }
0x41: {  	_ =	shalt  }
0x42: {  	_ =	shalt  }
0x43: {  	_ =	shalt  }
0x44: {  	_ =	shalt  }
0x45: {  	_ =	shalt  }
0x46: {  	_ =	shalt  }
0x47: {  	_ =	shalt  }
0x48: {  	_ =	shalt  }
0x49: {  	_ =	shalt  }
0x4a: {  	_ =	shalt  }
0x4b: {  	_ =	shalt  }
0x4c: {  	_ =	shalt  }
0x4d: {  	_ =	shalt  }
0x4e: {  	_ =	shalt  }
0x4f: {  	_ =	shalt  }
0x50: {  	_ =	shalt  }
0x51: {  	_ =	shalt  }
0x52: {  	_ =	shalt  }
0x53: {  	_ =	shalt  }
0x54: {  	_ =	shalt  }
0x55: {  	_ =	shalt  }
0x56: {  	_ =	shalt  }
0x57: {  	_ =	shalt  }
0x58: {  	_ =	shalt  }
0x59: {  	_ =	shalt  }
0x5a: {  	_ =	shalt  }
0x5b: {  	_ =	shalt  }
0x5c: {  	_ =	shalt  }
0x5d: {  	_ =	shalt  }
0x5e: {  	_ =	shalt  }
0x5f: {  	_ =	shalt  }
0x60: {  	_ =	shalt  }
0x61: {  	_ =	shalt  }
0x62: {  	_ =	shalt  }
0x63: {  	_ =	shalt  }
0x64: {  	_ =	shalt  }
0x65: {  	_ =	shalt  }
0x66: {  	_ =	shalt  }
0x67: {  	_ =	shalt  }
0x68: {  	_ =	shalt  }
0x69: {  	_ =	shalt  }
0x6a: {  	_ =	shalt  }
0x6b: {  	_ =	shalt  }
0x6c: {  	_ =	shalt  }
0x6d: {  	_ =	shalt  }
0x6e: {  	_ =	shalt  }
0x6f: {  	_ =	shalt  }
0x70: {  	_ =	shalt  }
0x71: {  	_ =	shalt  }
0x72: {  	_ =	shalt  }
0x73: {  	_ =	shalt  }
0x74: {  	_ =	shalt  }
0x75: {  	_ =	shalt  }
0x76: {  	_ =	shalt  }
0x77: {  	_ =	shalt  }
0x78: {  	_ =	shalt  }
0x79: {  	_ =	shalt  }
0x7a: {  	_ =	shalt  }
0x7b: {  	_ =	shalt  }
0x7c: {  	_ =	shalt  }
0x7d: {  	_ =	shalt  }
0x7e: {  	_ =	shalt  }
0x7f: {  	_ =	shalt  }
0x80: {  	_ =	shalt  }
0x81: {  	_ =	shalt  }
0x82: {  	_ =	shalt  }
0x83: {  	_ =	shalt  }
0x84: {  	_ =	shalt  }
0x85: {  	_ =	shalt  }
0x86: {  	_ =	shalt  }
0x87: {  	_ =	shalt  }
.Lfunc_end0:
.L_simem_size_0:
called_computation_lowered:
.L_overlay_start_0:
0x88: {  	s2 =	sld [smem:$0x3FD9]  }
0x89: {  	s3 =	sld [smem:$0x3FFE];
	_ =	sdelay $0x1  }
0x8a: {  	s1 =	srdreg.scid  }
0x8b: {  	s0 =	sand.u32 $0x1, s1  }
0x8c: {  	s17 =	sshll.u32 s0, $0xA;
	s2 =	sadd.s32 s3, s2  }
0x8d: {  	s2 =	sadd.s32 s2, s17  }
0x8e: {  	[smem:$0x3FC2] =	sst s2  }
0x8f: {  	_ = 	snop  }
0x90: {  	s2 =	sld [smem:$0x3FC6]  }
0x91: {  	s18 =	sld [smem:$0x3FC5]  }
0x92: {  	s4 =	sld [smem:$0x3FC4]  }
0x93: {  	s5 =	sld [smem:$0x3FD0];
	(tm) =	ssettm $0x1  }
0x94: {  	s6 =	sld [smem:$0x3FFB];
	_ =	sdelay $0x3  }
0x95: {  	_ =	strace s6  }
0x96: {  	s6 =	sld [smem:$0x3FFC];
	_ =	sdelay $0x3  }
0x97: {  	_ =	strace s6  }
0x98: {  	s6 =	sld [smem:$0x3FFD];
	_ =	sdelay $0x3  }
0x99: {  	_ =	strace s6  }
0x9a: {  	_ =	strace $0x8FFFFFFF  }
0x9b: {  	s19 =	sld [smem:$0x3FDB];
	_ =	sdelay $0x1  }
0x9c: {  	s7 =	simm.s32 $_scs_section_size  }
0x9d: {  	s8 =	simm.s32 $_size__tile_overlayer_lowered;
	s9 =	simm.s32 $_tile_overlayer_lowered  }
0x9e: {  	s22 =	simm.s32 $0x1BFF;
	s21 =	sshll.u32 s9, $0x1;
	s6 =	sadd.s32 s7, s19  }
0x9f: {  	s10 =	simm.s32 $0x0;
	s20 =	sshll.u32 s8, $0x1;
	s8 =	sadd.s32 s21, s6  }
0xa0: {  	[timem:s10], [sflag:s22] =	dma.local [hbm:s8], s20  }
0xa1: {  	_ =	swait.ge [sflag:s22], s20  }
0xa2: {  	s7 =	ssub.s32 $0x0, s20;
	[sflag:s22] =	ssyncset.done $0x0  }
0xa3: {  	[sflag:s22] =	ssyncadd.s32 s7;
	_ =	sdelay $0x1  }
0xa4: {  	s23 =	simm.s32 $0x1B8B  }
0xa5: {  	_ =	swait.ge [sflag:s23], $0x1  }
0xa6: {  	[sflag:s23] =	ssyncset.done $0x0  }
0xa7: {  	s25 =	simm.s32 $0x1B8E;
	s24 =	sld [smem:$0x3FFE];
	[sflag:s23] =	ssyncadd.s32 $0xFFFFFFFF  }
0xa8: {  	s26 =	simm.s32 $execute0_lowered;
	[smem:$0x3FD2] =	sst s25  }
0xa9: {  	s8 =	sshll.u32 s26, $0x1;
	_ =	strace $0x80000046;
	[dreg:$0x1] =	wrdreg $0xFFFFFFFF  }
0xaa: {  	s28 =	simm.s32 $_size_execute0_lowered;
	s6 =	sadd.s32 s6, s8;
	[dreg:$0x0] =	wrdreg $0x0  }
0xab: {  	s8 =	sshll.u32 s28, $0x1;
	[dreg:$0x2] =	wrdreg s6  }
0xac: {  	[dreg:$0x3] =	wrdreg s8  }
0xad: {  	[dreg:$0x4] =	wrdreg $0xC0  }
0xae: {  	_ =	task [dreg:s10], $0x5FFFF  }
0xaf: {  	[dreg:$0x1] =	wrdreg $0xFFFFFFFF  }
0xb0: {  	[dreg:$0x0] =	wrdreg $0x60  }
0xb1: {  	[dreg:$0x2] =	wrdreg s24  }
0xb2: {  	[dreg:$0x3] =	wrdreg s2  }
0xb3: {  	[dreg:$0x4] =	wrdreg s18  }
0xb4: {  	[dreg:$0x5] =	wrdreg s4  }
0xb5: {  	[dreg:$0x6] =	wrdreg s5  }
0xb6: {  	[dreg:$0x7] =	wrdreg $0x9  }
0xb7: {  	_ =	task.clear_ibuf [dreg:s10], $0x8FFFF;
	_ =	strace $0x90000046  }
0xb8: {  	s29 =	simm.s32 $0x9;
	_ =	strace $0x80000048  }
0xb9: {  	_ =	swait.ge [sflag:s29], $0x1  }
0xba: {  	[sflag:s29] =	ssyncadd.s32 $0xFFFFFFFF  }
0xbb: {  	_ =	strace $0x90000048  }
0xbc: {  	_ =	sfence  }
0xbd: {  	s30 =	sld [smem:$0x0];
	_ =	sdelay $0x2  }
0xbe: {  	s31 =	sshll.u32 s1, $0xD;
	s1 =	sshrl.u32 s1, $0x2  }
0xbf: {  	s3 =	sand.u32 $0x4000, s31;
	s1 =	sadd.s32 s1, s30  }
0xc0: {  	s0 =	sor.u32 s3, s0;
	s1 =	sshll.u32 s1, $0x11  }
0xc1: {  	s0 =	sor.u32 s1, s0  }
0xc2: {  	s0 =	sadd.s32 $0x8F2B, s0  }
0xc3: {  	[sflag:s0] =	ssyncadd.remote.s32 $0x1  }
0xc4: {  	_ =	sfence.sel $0xFFFF  }
0xc5: {  	[dreg:$0x0] =	wrdreg $0xFFFFFFFF;
	(pc) =	sbr.abs _section_cstart, $3  }
0xc6: {  	[dreg:$0x1] =	wrdreg $0xFFFFFFFF  }
0xc7: {  	_ =	task.clear_ibuf [dreg:s10], $0x2FFFF;
	_ =	strace $0x9FFFFFFF  }
0xc8: {  	(tm) =	ssettm $0x7FFFFFFF  }
0xc9: {  	_ =	shalt  }
tec
execute0_lowered:
.L_overlay_start_1:
0x0: {  	(tag) =	ssettag $0x1  }
0x1: {  	s0 =	rddreg [dreg:$0x0]  }
0x2: {  	s1 =	rddreg [dreg:$0x1]  }
0x3: {  	s4 =	rddreg [dreg:$0x3]  }
0x4: {  	s2 =	srdreg.scid;
	s5 =	stileid.u32  }
0x5: {  	s3 =	rddreg [dreg:$0x4];
	s20 =	simm.s32 $0x9;
	s21 =	simm.s32 $0x1CB00  }
0x6: {  	s12 =	simm.s32 $0x1DB00;
	s13 =	simm.s32 $0x1;
	s14 =	simm.s32 $0x4  }
0x7: {  	s15 =	simm.s32 $0xC300;
	s16 =	simm.s32 $0x2;
	s17 =	simm.s32 $0x5  }
0x8: {  	s18 =	simm.s32 $0x6;
	s19 =	simm.s32 $0x3;
	s28 =	simm.s32 $0x0  }
0x9: {  	s2 =	sand.u32 $0x1, s2;
	s6 =	sshll.u32 s5, $0x1;
	s5 =	simm.s32 $0x0  }
0xa: {  	s9 =	sadd.s32 $0x100, s4;
	s11 =	sadd.s32 $0x200, s4;
	s6 =	sor.u32 s2, s6  }
0xb: {  	[smem:$0x7FF] =	sst s5;
	s2 =	ssub.s32 $0x2, s2;
	s10 =	smul.u32 $0x6000, s6  }
0xc: {  	s7 =	smul.u32 $0x60, s6;
	_ =	strace $0x80000047;
	s8 =	sshrl.u32 s2, $0x1  }
0xd: {  	s6 =	smul.u32 $0x30000, s6;
	s2 =	ssub.s32 s2, s8;
	s10 =	sadd.s32 s3, s10  }
0xe: {  	s0 =	sadd.s32 s7, s0;
	s31 =	smax.u32 s2, $0x1;
	[dreg:$0x7] =	wrdreg s10  }
0xf: {  	s8 =	sadd.s32 $0x200, s1;
	s0 =	sadd.s32 $0x400, s0;
	[dreg:$0xf] =	wrdreg s31  }
0x10: {  	s22 =	sshrl.u32 s6, $0x3;
	s23 =	sadd.s32 $0xC00, s10;
	[dreg:$0x6] =	wrdreg s0  }
0x11: {  	s24 =	sadd.s32 $0x1800, s10;
	[dreg:$0x8] =	wrdreg s23;
	s0 =	sadd.s32 s3, s22  }
0x12: {  	s7 =	sadd.s32 $0x100, s1;
	[dreg:$0x9] =	wrdreg s24;
	s25 =	sadd.s32 $0x2400, s0  }
0x13: {  	s6 =	simm.s32 $0x1D300;
	s26 =	sadd.s32 $0x3000, s0;
	[dreg:$0xa] =	wrdreg s25  }
0x14: {  	s10 =	simm.s32 $0x7;
	s29 =	sadd.s32 $0x3C00, s0;
	[dreg:$0xb] =	wrdreg s26  }
0x15: {  	v2 =	vlaneseq.u32;
	s22 =	simm.s32 $0x300;
	s30 =	sadd.s32 $0x4800, s0;
	[dreg:$0xc] =	wrdreg s29  }
0x16: {  	vm0 =	vmmov $0xffff;
	v1 =	vshrl.u32 v2, $0x3;
	s24 =	simm.s32 $0x6300;
	s0 =	sadd.s32 $0x5400, s0;
	[dreg:$0xd] =	wrdreg s30  }
0x17: {  	v0 =	vand.u32 $0x7, v2;
	v2 =	vor.u32 $0x8, v2;
	v1 =	vmul.u32 $0x8, v1;
	s23 =	simm.s32 $0x8;
	[dreg:$0xe] =	wrdreg s0;
	s26 =	simm.s32 $0x1C300  }
.LBB2_1:
0x18: {  	s0 =	rddreg [dreg:$0x6]  }
0x19: {  	[tilespmem:s5], [sflag:$0x9] =	stream.linear.gather [hbm4b:s0+s5], $0x300, $0x38;
	[tilespmem:$0x1E900] =	vst v63  }
0x1a: {  	_ =	swait.ge [sflag:s20], $0x300  }
0x1b: {  	[sflag:s20] =	ssyncset.done $0x0  }
0x1c: {  	[sflag:s20] =	ssyncadd.s32 $0xFFFFFD00  }
0x1d: {  	s2 =	simm.s32 $0x1E300;
	s3 =	rddreg [dreg:$0x2]  }
0x1e: {  	[tilespmem:s2], [sflag:$0x9] =	stream.linear.gather [hbm4b:s3+s5], $0x600, $0x38;
	[tilespmem:$0x1E900] =	vst v63  }
0x1f: {  	_ =	swait.ge [sflag:s20], $0x600  }
0x20: {  	[sflag:s20] =	ssyncset.done $0x0  }
0x21: {  	[sflag:s20] =	ssyncadd.s32 $0xFFFFFA00  }
0x22: {  	v3 =	vld [tilespmem:$0x0];
	_ =	sdelay $0x4  }
0x23: {  	v4 =	vshrl.u32 v3, $0x3  }
0x24: {  	v4 =	vmul.u32 $0x30, v4  }
0x25: {  	v3 =	vand.u32 $0x7, v3  }
0x26: {  	v3 =	vor.u32 v3, v4  }
0x27: {  	v4 =	vperm.xlane v3, v0;
	_ =	sdelay $0x1  }
0x28: {  	v4 =	vadd.s32 v1, v4;
	_ =	sdelay $0x3  }
0x29: {  	v3 =	vperm.xlane v3, v2  }
0x2a: {  	[tilespmem:s22], [sflag:$0x1] =	stream.indirect_vreg.gather [hbm4b:s1+s5], $0x80, v4, vm0, $0xb8;
	[tilespmem:$0x1E900] =	vst v63  }
0x2b: {  	s25 =	simm.s32 $0xB00;
	v3 =	vadd.s32 v1, v3  }
0x2c: {  	[tilespmem:s25], [sflag:$0x1] =	stream.indirect_vreg.gather [hbm4b:s7+s5], $0x80, v4, vm0, $0xb8;
	[tilespmem:$0x1E900] =	vst v63  }
0x2d: {  	s31 =	simm.s32 $0x1300  }
0x2e: {  	[tilespmem:s31], [sflag:$0x1] =	stream.indirect_vreg.gather [hbm4b:s8+s5], $0x80, v4, vm0, $0xb8;
	[tilespmem:$0x1E900] =	vst v63  }
0x2f: {  	s2 =	simm.s32 $0x1B00  }
0x30: {  	[tilespmem:s2], [sflag:$0x1] =	stream.indirect_vreg.gather [hbm4b:s1+s5], $0x80, v3, vm0, $0xb8;
	[tilespmem:$0x1E900] =	vst v63  }
0x31: {  	s3 =	simm.s32 $0x2300  }
0x32: {  	[tilespmem:s3], [sflag:$0x1] =	stream.indirect_vreg.gather [hbm4b:s7+s5], $0x80, v3, vm0, $0xb8;
	[tilespmem:$0x1E900] =	vst v63  }
0x33: {  	s25 =	simm.s32 $0x2B00  }
0x34: {  	[tilespmem:s25], [sflag:$0x1] =	stream.indirect_vreg.gather [hbm4b:s8+s5], $0x80, v3, vm0, $0xb8;
	[tilespmem:$0x1E900] =	vst v63  }
0x35: {  	v3 =	vld [tilespmem:$0x10];
	_ =	sdelay $0x4  }
0x36: {  	v57 =	vshrl.u32 v3, $0x3  }
0x37: {  	v4 =	vmul.u32 $0x30, v57  }
0x38: {  	v3 =	vand.u32 $0x7, v3  }
0x39: {  	v3 =	vor.u32 v3, v4  }
0x3a: {  	v4 =	vperm.xlane v3, v0;
	_ =	sdelay $0x1  }
0x3b: {  	v4 =	vadd.s32 v1, v4;
	_ =	sdelay $0x3  }
0x3c: {  	s31 =	simm.s32 $0x3300;
	v3 =	vperm.xlane v3, v2  }
0x3d: {  	[tilespmem:s31], [sflag:$0x1] =	stream.indirect_vreg.gather [hbm4b:s1+s5], $0x80, v4, vm0, $0xb8;
	[tilespmem:$0x1E900] =	vst v63  }
0x3e: {  	s2 =	simm.s32 $0x3B00;
	v3 =	vadd.s32 v1, v3  }
0x3f: {  	[tilespmem:s2], [sflag:$0x1] =	stream.indirect_vreg.gather [hbm4b:s7+s5], $0x80, v4, vm0, $0xb8;
	[tilespmem:$0x1E900] =	vst v63  }
0x40: {  	s3 =	simm.s32 $0x4300  }
0x41: {  	[tilespmem:s3], [sflag:$0x1] =	stream.indirect_vreg.gather [hbm4b:s8+s5], $0x80, v4, vm0, $0xb8;
	[tilespmem:$0x1E900] =	vst v63  }
0x42: {  	s25 =	simm.s32 $0x4B00  }
0x43: {  	[tilespmem:s25], [sflag:$0x1] =	stream.indirect_vreg.gather [hbm4b:s1+s5], $0x80, v3, vm0, $0xb8;
	[tilespmem:$0x1E900] =	vst v63  }
0x44: {  	s31 =	simm.s32 $0x5300  }
0x45: {  	[tilespmem:s31], [sflag:$0x1] =	stream.indirect_vreg.gather [hbm4b:s7+s5], $0x80, v3, vm0, $0xb8;
	[tilespmem:$0x1E900] =	vst v63  }
0x46: {  	s2 =	simm.s32 $0x5B00  }
0x47: {  	[tilespmem:s2], [sflag:$0x1] =	stream.indirect_vreg.gather [hbm4b:s8+s5], $0x80, v3, vm0, $0xb8;
	[tilespmem:$0x1E900] =	vst v63  }
0x48: {  	v3 =	vld [tilespmem:$0x100];
	_ =	sdelay $0x4  }
0x49: {  	v58 =	vshrl.u32 v3, $0x3  }
0x4a: {  	v4 =	vmul.u32 $0x30, v58  }
0x4b: {  	v3 =	vand.u32 $0x7, v3  }
0x4c: {  	v3 =	vor.u32 v3, v4  }
0x4d: {  	v4 =	vperm.xlane v3, v0;
	_ =	sdelay $0x1  }
0x4e: {  	v4 =	vadd.s32 v1, v4;
	_ =	sdelay $0x3  }
0x4f: {  	s3 =	simm.s32 $0x12300;
	v3 =	vperm.xlane v3, v2  }
0x50: {  	[tilespmem:s3], [sflag:$0x4] =	stream.indirect_vreg.gather [hbm4b:s4+s5], $0x80, v4, vm0, $0xb8;
	[tilespmem:$0x1E900] =	vst v63  }
0x51: {  	s25 =	simm.s32 $0x12B00;
	v3 =	vadd.s32 v1, v3  }
0x52: {  	[tilespmem:s25], [sflag:$0x4] =	stream.indirect_vreg.gather [hbm4b:s9+s5], $0x80, v4, vm0, $0xb8;
	[tilespmem:$0x1E900] =	vst v63  }
0x53: {  	s31 =	simm.s32 $0x13300  }
0x54: {  	[tilespmem:s31], [sflag:$0x4] =	stream.indirect_vreg.gather [hbm4b:s11+s5], $0x80, v4, vm0, $0xb8;
	[tilespmem:$0x1E900] =	vst v63  }
0x55: {  	s2 =	simm.s32 $0x13B00  }
0x56: {  	[tilespmem:s2], [sflag:$0x4] =	stream.indirect_vreg.gather [hbm4b:s4+s5], $0x80, v3, vm0, $0xb8;
	[tilespmem:$0x1E900] =	vst v63  }
0x57: {  	s3 =	simm.s32 $0x14300  }
0x58: {  	[tilespmem:s3], [sflag:$0x4] =	stream.indirect_vreg.gather [hbm4b:s9+s5], $0x80, v3, vm0, $0xb8;
	[tilespmem:$0x1E900] =	vst v63  }
0x59: {  	s25 =	simm.s32 $0x14B00  }
0x5a: {  	[tilespmem:s25], [sflag:$0x4] =	stream.indirect_vreg.gather [hbm4b:s11+s5], $0x80, v3, vm0, $0xb8;
	[tilespmem:$0x1E900] =	vst v63  }
0x5b: {  	v3 =	vld [tilespmem:$0x110];
	_ =	sdelay $0x4  }
0x5c: {  	v59 =	vshrl.u32 v3, $0x3  }
0x5d: {  	v4 =	vmul.u32 $0x30, v59  }
0x5e: {  	v3 =	vand.u32 $0x7, v3  }
0x5f: {  	v3 =	vor.u32 v3, v4  }
0x60: {  	v4 =	vperm.xlane v3, v0;
	_ =	sdelay $0x1  }
0x61: {  	v4 =	vadd.s32 v1, v4;
	_ =	sdelay $0x3  }
0x62: {  	s31 =	simm.s32 $0x15300;
	v3 =	vperm.xlane v3, v2  }
0x63: {  	[tilespmem:s31], [sflag:$0x4] =	stream.indirect_vreg.gather [hbm4b:s4+s5], $0x80, v4, vm0, $0xb8;
	[tilespmem:$0x1E900] =	vst v63  }
0x64: {  	s2 =	simm.s32 $0x15B00;
	v3 =	vadd.s32 v1, v3  }
0x65: {  	[tilespmem:s2], [sflag:$0x4] =	stream.indirect_vreg.gather [hbm4b:s9+s5], $0x80, v4, vm0, $0xb8;
	[tilespmem:$0x1E900] =	vst v63  }
0x66: {  	s3 =	simm.s32 $0x16300  }
0x67: {  	[tilespmem:s3], [sflag:$0x4] =	stream.indirect_vreg.gather [hbm4b:s11+s5], $0x80, v4, vm0, $0xb8;
	[tilespmem:$0x1E900] =	vst v63  }
0x68: {  	s25 =	simm.s32 $0x16B00  }
0x69: {  	[tilespmem:s25], [sflag:$0x4] =	stream.indirect_vreg.gather [hbm4b:s4+s5], $0x80, v3, vm0, $0xb8;
	[tilespmem:$0x1E900] =	vst v63  }
0x6a: {  	s31 =	simm.s32 $0x17300  }
0x6b: {  	[tilespmem:s31], [sflag:$0x4] =	stream.indirect_vreg.gather [hbm4b:s9+s5], $0x80, v3, vm0, $0xb8;
	[tilespmem:$0x1E900] =	vst v63  }
0x6c: {  	s2 =	simm.s32 $0x17B00  }
0x6d: {  	[tilespmem:s2], [sflag:$0x4] =	stream.indirect_vreg.gather [hbm4b:s11+s5], $0x80, v3, vm0, $0xb8;
	[tilespmem:$0x1E900] =	vst v63  }
0x6e: {  	v3 =	vld [tilespmem:$0x20];
	_ =	sdelay $0x4  }
0x6f: {  	v60 =	vshrl.u32 v3, $0x3  }
0x70: {  	v4 =	vmul.u32 $0x30, v60  }
0x71: {  	v3 =	vand.u32 $0x7, v3  }
0x72: {  	v3 =	vor.u32 v3, v4  }
0x73: {  	v4 =	vperm.xlane v3, v0;
	_ =	sdelay $0x1  }
0x74: {  	v4 =	vadd.s32 v1, v4;
	_ =	sdelay $0x3  }
0x75: {  	v3 =	vperm.xlane v3, v2  }
0x76: {  	[tilespmem:s24], [sflag:$0x2] =	stream.indirect_vreg.gather [hbm4b:s1+s5], $0x80, v4, vm0, $0xb8;
	[tilespmem:$0x1E900] =	vst v63  }
0x77: {  	s3 =	simm.s32 $0x6B00;
	v3 =	vadd.s32 v1, v3  }
0x78: {  	[tilespmem:s3], [sflag:$0x2] =	stream.indirect_vreg.gather [hbm4b:s7+s5], $0x80, v4, vm0, $0xb8;
	[tilespmem:$0x1E900] =	vst v63  }
0x79: {  	s25 =	simm.s32 $0x7300  }
0x7a: {  	[tilespmem:s25], [sflag:$0x2] =	stream.indirect_vreg.gather [hbm4b:s8+s5], $0x80, v4, vm0, $0xb8;
	[tilespmem:$0x1E900] =	vst v63  }
0x7b: {  	s31 =	simm.s32 $0x7B00  }
0x7c: {  	[tilespmem:s31], [sflag:$0x2] =	stream.indirect_vreg.gather [hbm4b:s1+s5], $0x80, v3, vm0, $0xb8;
	[tilespmem:$0x1E900] =	vst v63  }
0x7d: {  	s2 =	simm.s32 $0x8300  }
0x7e: {  	[tilespmem:s2], [sflag:$0x2] =	stream.indirect_vreg.gather [hbm4b:s7+s5], $0x80, v3, vm0, $0xb8;
	[tilespmem:$0x1E900] =	vst v63  }
0x7f: {  	s3 =	simm.s32 $0x8B00  }
0x80: {  	[tilespmem:s3], [sflag:$0x2] =	stream.indirect_vreg.gather [hbm4b:s8+s5], $0x80, v3, vm0, $0xb8;
	[tilespmem:$0x1E900] =	vst v63  }
0x81: {  	v3 =	vld [tilespmem:$0x30];
	_ =	sdelay $0x4  }
0x82: {  	v61 =	vshrl.u32 v3, $0x3  }
0x83: {  	v4 =	vmul.u32 $0x30, v61  }
0x84: {  	v3 =	vand.u32 $0x7, v3  }
0x85: {  	v3 =	vor.u32 v3, v4  }
0x86: {  	v4 =	vperm.xlane v3, v0;
	_ =	sdelay $0x1  }
0x87: {  	v4 =	vadd.s32 v1, v4;
	_ =	sdelay $0x3  }
0x88: {  	s25 =	simm.s32 $0x9300;
	v3 =	vperm.xlane v3, v2  }
0x89: {  	[tilespmem:s25], [sflag:$0x2] =	stream.indirect_vreg.gather [hbm4b:s1+s5], $0x80, v4, vm0, $0xb8;
	[tilespmem:$0x1E900] =	vst v63  }
0x8a: {  	s31 =	simm.s32 $0x9B00;
	v3 =	vadd.s32 v1, v3  }
0x8b: {  	[tilespmem:s31], [sflag:$0x2] =	stream.indirect_vreg.gather [hbm4b:s7+s5], $0x80, v4, vm0, $0xb8;
	[tilespmem:$0x1E900] =	vst v63  }
0x8c: {  	s2 =	simm.s32 $0xA300  }
0x8d: {  	[tilespmem:s2], [sflag:$0x2] =	stream.indirect_vreg.gather [hbm4b:s8+s5], $0x80, v4, vm0, $0xb8;
	[tilespmem:$0x1E900] =	vst v63  }
0x8e: {  	s3 =	simm.s32 $0xAB00  }
0x8f: {  	[tilespmem:s3], [sflag:$0x2] =	stream.indirect_vreg.gather [hbm4b:s1+s5], $0x80, v3, vm0, $0xb8;
	[tilespmem:$0x1E900] =	vst v63  }
0x90: {  	s25 =	simm.s32 $0xB300  }
0x91: {  	[tilespmem:s25], [sflag:$0x2] =	stream.indirect_vreg.gather [hbm4b:s7+s5], $0x80, v3, vm0, $0xb8;
	[tilespmem:$0x1E900] =	vst v63  }
0x92: {  	s31 =	simm.s32 $0xBB00  }
0x93: {  	[tilespmem:s31], [sflag:$0x2] =	stream.indirect_vreg.gather [hbm4b:s8+s5], $0x80, v3, vm0, $0xb8;
	[tilespmem:$0x1E900] =	vst v63  }
0x94: {  	v3 =	vld [tilespmem:$0x120];
	_ =	sdelay $0x4  }
0x95: {  	v62 =	vshrl.u32 v3, $0x3  }
0x96: {  	v4 =	vmul.u32 $0x30, v62  }
0x97: {  	v3 =	vand.u32 $0x7, v3  }
0x98: {  	v3 =	vor.u32 v3, v4  }
0x99: {  	v4 =	vperm.xlane v3, v0;
	_ =	sdelay $0x1  }
0x9a: {  	v4 =	vadd.s32 v1, v4;
	_ =	sdelay $0x3  }
0x9b: {  	s2 =	simm.s32 $0x18300;
	v3 =	vperm.xlane v3, v2  }
0x9c: {  	[tilespmem:s2], [sflag:$0x5] =	stream.indirect_vreg.gather [hbm4b:s4+s5], $0x80, v4, vm0, $0xb8;
	[tilespmem:$0x1E900] =	vst v63  }
0x9d: {  	s3 =	simm.s32 $0x18B00;
	v3 =	vadd.s32 v1, v3  }
0x9e: {  	[tilespmem:s3], [sflag:$0x5] =	stream.indirect_vreg.gather [hbm4b:s9+s5], $0x80, v4, vm0, $0xb8;
	[tilespmem:$0x1E900] =	vst v63  }
0x9f: {  	s25 =	simm.s32 $0x19300  }
0xa0: {  	[tilespmem:s25], [sflag:$0x5] =	stream.indirect_vreg.gather [hbm4b:s11+s5], $0x80, v4, vm0, $0xb8;
	[tilespmem:$0x1E900] =	vst v63  }
0xa1: {  	s31 =	simm.s32 $0x19B00  }
0xa2: {  	[tilespmem:s31], [sflag:$0x5] =	stream.indirect_vreg.gather [hbm4b:s4+s5], $0x80, v3, vm0, $0xb8;
	[tilespmem:$0x1E900] =	vst v63  }
0xa3: {  	s2 =	simm.s32 $0x1A300  }
0xa4: {  	[tilespmem:s2], [sflag:$0x5] =	stream.indirect_vreg.gather [hbm4b:s9+s5], $0x80, v3, vm0, $0xb8;
	[tilespmem:$0x1E900] =	vst v63  }
0xa5: {  	s3 =	simm.s32 $0x1AB00  }
0xa6: {  	[tilespmem:s3], [sflag:$0x5] =	stream.indirect_vreg.gather [hbm4b:s11+s5], $0x80, v3, vm0, $0xb8;
	[tilespmem:$0x1E900] =	vst v63  }
0xa7: {  	v3 =	vld [tilespmem:$0x130];
	_ =	sdelay $0x4  }
0xa8: {  	v63 =	vshrl.u32 v3, $0x3  }
0xa9: {  	v4 =	vmul.u32 $0x30, v63  }
0xaa: {  	v3 =	vand.u32 $0x7, v3  }
0xab: {  	v3 =	vor.u32 v3, v4  }
0xac: {  	v4 =	vperm.xlane v3, v0;
	_ =	sdelay $0x1  }
0xad: {  	v4 =	vadd.s32 v1, v4;
	_ =	sdelay $0x3  }
0xae: {  	s25 =	simm.s32 $0x1B300;
	v3 =	vperm.xlane v3, v2  }
0xaf: {  	[tilespmem:s25], [sflag:$0x5] =	stream.indirect_vreg.gather [hbm4b:s4+s5], $0x80, v4, vm0, $0xb8;
	[tilespmem:$0x1E900] =	vst v63  }
0xb0: {  	s31 =	simm.s32 $0x1BB00;
	v3 =	vadd.s32 v1, v3  }
0xb1: {  	[tilespmem:s31], [sflag:$0x5] =	stream.indirect_vreg.gather [hbm4b:s9+s5], $0x80, v4, vm0, $0xb8;
	[tilespmem:$0x1E900] =	vst v63  }
0xb2: {  	_ = 	snop  }
0xb3: {  	[tilespmem:s26], [sflag:$0x5] =	stream.indirect_vreg.gather [hbm4b:s11+s5], $0x80, v4, vm0, $0xb8;
	[tilespmem:$0x1E900] =	vst v63  }
0xb4: {  	_ = 	snop  }
0xb5: {  	[tilespmem:s21], [sflag:$0x5] =	stream.indirect_vreg.gather [hbm4b:s4+s5], $0x80, v3, vm0, $0xb8;
	[tilespmem:$0x1E900] =	vst v63  }
0xb6: {  	_ = 	snop  }
0xb7: {  	[tilespmem:s6], [sflag:$0x5] =	stream.indirect_vreg.gather [hbm4b:s9+s5], $0x80, v3, vm0, $0xb8;
	[tilespmem:$0x1E900] =	vst v63  }
0xb8: {  	_ = 	snop  }
0xb9: {  	[tilespmem:s12], [sflag:$0x5] =	stream.indirect_vreg.gather [hbm4b:s11+s5], $0x80, v3, vm0, $0xb8;
	[tilespmem:$0x1E900] =	vst v63  }
0xba: {  	_ =	swait.ge [sflag:s13], $0x6000  }
0xbb: {  	[sflag:s13] =	ssyncset.done $0x0  }
0xbc: {  	[sflag:s13] =	ssyncadd.s32 $0xFFFFA000  }
0xbd: {  	_ =	swait.ge [sflag:s14], $0x6000  }
0xbe: {  	[sflag:s14] =	ssyncset.done $0x0  }
0xbf: {  	s29 =	simm.s32 $0x0;
	s30 =	simm.s32 $0x0;
	[sflag:s14] =	ssyncadd.s32 $0xFFFFA000  }
.LBB2_2:
0xc0: {  	s25 =	sand.u32 $0x10, s30  }
0xc1: {  	v4 =	vld [tilespmem:s25+$0x200];
	s25 =	simm.s32 $0x1E380  }
0xc2: {  	v5 =	vld [tilespmem:s25+$0xFFFFFFF0]  }
0xc3: {  	v8 =	vld [tilespmem:s25+$0x70]  }
0xc4: {  	v3 =	vld [tilespmem:s25+$0x0]  }
0xc5: {  	v10 =	vld [tilespmem:s25+$0xFFFFFF90]  }
0xc6: {  	v14 =	vld [tilespmem:s25+$0x10]  }
0xc7: {  	s0 =	sshrl.u32 s30, $0x3;
	v15 =	vld [tilespmem:s25+$0xFFFFFFA0]  }
0xc8: {  	s2 =	sand.u32 $0x7, s29;
	s0 =	smul.u32 $0x6000, s0;
	v18 =	vld [tilespmem:s25+$0x20]  }
0xc9: {  	s2 =	sshll.u32 s2, $0x9;
	v19 =	vld [tilespmem:s25+$0xFFFFFFB0]  }
0xca: {  	v55 =	vld [tilespmem:s25+$0xFFFFFFC0];
	s0 =	sor.u32 s2, s0  }
0xcb: {  	v23 =	vld [tilespmem:s25+$0x40];
	s3 =	sshra.s32 s0, $0x2  }
0xcc: {  	v60 =	vld [tilespmem:s25+$0x50];
	s31 =	sadd.s32 $0x340, s3  }
0xcd: {  	s3 =	sadd.s32 $0x12340, s3;
	v6 =	vld [tilespmem:s31+$0x30]  }
0xce: {  	v7 =	vld [tilespmem:s3+$0x30]  }
0xcf: {  	v9 =	vld [tilespmem:s31+$0xFFFFFFC0]  }
0xd0: {  	v12 =	vld [tilespmem:s31+$0xFFFFFFD0]  }
0xd1: {  	v13 =	vld [tilespmem:s3+$0xFFFFFFD0]  }
0xd2: {  	v16 =	vld [tilespmem:s31+$0xFFFFFFE0]  }
0xd3: {  	v17 =	vld [tilespmem:s3+$0xFFFFFFE0]  }
0xd4: {  	v4 =	vcvt.s32.f32 v4;
	v20 =	vld [tilespmem:s31+$0xFFFFFFF0]  }
0xd5: {  	v21 =	vmov s30;
	v22 =	vld [tilespmem:s3+$0xFFFFFFF0]  }
0xd6: {  	v4 =	vperm.xlane v4, v21;
	v6 =	vadd.f32 v7, v6;
	v7 =	vsub.f32 v8, v5;
	v8 =	vld [tilespmem:s25+$0x30]  }
0xd7: {  	v12 =	vadd.f32 v13, v12;
	v13 =	vsub.f32 v14, v10;
	v14 =	vld [tilespmem:s3+$0x0]  }
0xd8: {  	v56 =	vsub.f32 v18, v15;
	v5 =	vadd.f32 v6, v5;
	v6 =	vmul.f32 v7, v4;
	v7 =	vld [tilespmem:s31+$0x0]  }
0xd9: {  	v11 =	vld [tilespmem:s3+$0xFFFFFFC0];
	v62 =	vsub.f32 v23, v55;
	v10 =	vadd.f32 v12, v10;
	v12 =	vmul.f32 v13, v4  }
0xda: {  	v58 =	vld [tilespmem:s31+$0x10];
	v57 =	vadd.f32 v22, v20;
	v13 =	vadd.f32 v17, v16  }
0xdb: {  	v10 =	vadd.f32 v12, v10;
	v12 =	vld [tilespmem:s3+$0x10];
	v8 =	vsub.f32 v8, v19  }
0xdc: {  	v5 =	vadd.f32 v6, v5;
	v6 =	vld [tilespmem:s25+$0xFFFFFFD0];
	v13 =	vadd.f32 v13, v15;
	v15 =	vmul.f32 v56, v4  }
0xdd: {  	v59 =	vadd.f32 v57, v19;
	[tilespmem:s31+$0xFFFFFFD0] =	vst v10;
	v10 =	vld [tilespmem:s3+$0x20];
	v61 =	vmul.f32 v8, v4;
	v14 =	vadd.f32 v14, v7  }
0xde: {  	[tilespmem:s31+$0x30] =	vst v5;
	v13 =	vadd.f32 v15, v13;
	v5 =	vadd.f32 v11, v9;
	v11 =	vld [tilespmem:s25+$0x60]  }
0xdf: {  	v63 =	vmul.f32 v62, v4;
	v8 =	vld [tilespmem:s31+$0x20];
	v15 =	vadd.f32 v61, v59;
	v14 =	vadd.f32 v14, v55  }
0xe0: {  	v7 =	vld [tilespmem:s25+$0xFFFFFFE0];
	[tilespmem:s31+$0xFFFFFFE0] =	vst v13;
	v13 =	vadd.f32 v12, v58  }
0xe1: {  	s2 =	simm.s32 $0x0;
	s0 =	smov.u32 s31;
	v9 =	vld [tilespmem:s25+$0xFFFFFF80];
	s25 =	simm.s32 $0x1E480;
	[tilespmem:s31+$0xFFFFFFF0] =	vst v15;
	v12 =	vadd.f32 v63, v14;
	v14 =	vsub.f32 v60, v6  }
.LBB2_3:
0xe2: {  	v15 =	vld [tilespmem:s25+$0xFFFFFFF0];
	v6 =	vadd.f32 v13, v6;
	s31 =	sadd.s32 $0x400, s31  }
0xe3: {  	s3 =	sadd.s32 $0x400, s3;
	v13 =	vld [tilespmem:s31+$0x30];
	[tilespmem:s0+$0x0] =	vst v12;
	v12 =	vmul.f32 v14, v4  }
0xe4: {  	v14 =	vld [tilespmem:s3+$0x30];
	v8 =	vadd.f32 v10, v8  }
0xe5: {  	s2 =	sadd.s32 $0x8, s2;
	v10 =	vld [tilespmem:s25+$0x70];
	v6 =	vadd.f32 v12, v6;
	v11 =	vsub.f32 v11, v7  }
0xe6: {  	p0 =	slt.u32 s2, $0x28;
	v12 =	vld [tilespmem:s31+$0xFFFFFFC0];
	v5 =	vadd.f32 v5, v9;
	v9 =	vsub.f32 v3, v9  }
0xe7: {  	v16 =	vld [tilespmem:s3+$0xFFFFFFC0];
	[tilespmem:s0+$0x10] =	vst v6;
	v6 =	vadd.f32 v8, v7;
	v7 =	vmul.f32 v11, v4  }
0xe8: {  	v3 =	vld [tilespmem:s25+$0x0];
	v8 =	vmul.f32 v9, v4  }
0xe9: {  	v9 =	vld [tilespmem:s25+$0xFFFFFF90];
	v6 =	vadd.f32 v7, v6  }
0xea: {  	v11 =	vadd.f32 v14, v13;
	v7 =	vld [tilespmem:s31+$0xFFFFFFD0];
	v10 =	vsub.f32 v10, v15  }
0xeb: {  	v8 =	vadd.f32 v8, v5;
	v13 =	vld [tilespmem:s3+$0xFFFFFFD0];
	[tilespmem:s0+$0x20] =	vst v6  }
0xec: {  	v11 =	vadd.f32 v11, v15;
	v5 =	vadd.f32 v16, v12;
	v6 =	vld [tilespmem:s25+$0x10];
	v10 =	vmul.f32 v10, v4  }
0xed: {  	v12 =	vld [tilespmem:s25+$0xFFFFFFA0];
	[tilespmem:s0+$0xFFFFFFC0] =	vst v8;
	s0 =	smov.u32 s31  }
0xee: {  	v8 =	vld [tilespmem:s31+$0xFFFFFFE0];
	v10 =	vadd.f32 v10, v11  }
0xef: {  	v11 =	vld [tilespmem:s3+$0xFFFFFFE0]  }
0xf0: {  	v7 =	vadd.f32 v13, v7;
	v13 =	vld [tilespmem:s25+$0x20];
	[tilespmem:s31+$0x30] =	vst v10  }
0xf1: {  	v6 =	vsub.f32 v6, v9;
	v10 =	vld [tilespmem:s25+$0xFFFFFFB0]  }
0xf2: {  	v7 =	vadd.f32 v7, v9;
	v9 =	vld [tilespmem:s31+$0xFFFFFFF0]  }
0xf3: {  	v6 =	vmul.f32 v6, v4;
	v14 =	vld [tilespmem:s3+$0xFFFFFFF0]  }
0xf4: {  	v8 =	vadd.f32 v11, v8;
	v11 =	vld [tilespmem:s25+$0x30]  }
0xf5: {  	v6 =	vadd.f32 v6, v7;
	v7 =	vsub.f32 v13, v12;
	v13 =	vld [tilespmem:s25+$0xFFFFFFC0]  }
0xf6: {  	v8 =	vadd.f32 v8, v12;
	v12 =	vld [tilespmem:s31+$0x0]  }
0xf7: {  	[tilespmem:s31+$0xFFFFFFD0] =	vst v6;
	v6 =	vmul.f32 v7, v4;
	v7 =	vld [tilespmem:s3+$0x0]  }
0xf8: {  	v9 =	vadd.f32 v14, v9;
	v14 =	vld [tilespmem:s25+$0x40]  }
0xf9: {  	v8 =	vadd.f32 v6, v8;
	v11 =	vsub.f32 v11, v10;
	v6 =	vld [tilespmem:s25+$0xFFFFFFD0]  }
0xfa: {  	v9 =	vadd.f32 v9, v10;
	v15 =	vld [tilespmem:s31+$0x10]  }
0xfb: {  	[tilespmem:s31+$0xFFFFFFE0] =	vst v8;
	v8 =	vmul.f32 v11, v4;
	v11 =	vld [tilespmem:s3+$0x10]  }
0xfc: {  	v10 =	vadd.f32 v7, v12;
	v16 =	vld [tilespmem:s25+$0x50]  }
.Ltmp0:
0xfd: {  	v9 =	vadd.f32 v8, v9;
	v12 =	vsub.f32 v14, v13;
	v7 =	vld [tilespmem:s25+$0xFFFFFFE0];
	(pc) =	sbr.rel @p0 .LBB2_3-.Ltmp0, $4  }
0xfe: {  	v14 =	vadd.f32 v10, v13;
	v8 =	vld [tilespmem:s31+$0x20]  }
0xff: {  	[tilespmem:s31+$0xFFFFFFF0] =	vst v9;
	v12 =	vmul.f32 v12, v4;
	v10 =	vld [tilespmem:s3+$0x20]  }
0x100: {  	v13 =	vadd.f32 v11, v15;
	v11 =	vld [tilespmem:s25+$0x60]  }
0x101: {  	v9 =	vld [tilespmem:s25+$0xFFFFFF80];
	v12 =	vadd.f32 v12, v14;
	v14 =	vsub.f32 v16, v6;
	s25 =	sadd.s32 $0x100, s25  }
0x102: {  	_ =	sdelay $0x2  }
0x103: {  	v8 =	vadd.f32 v10, v8;
	v59 =	vsub.f32 v11, v7  }
0x104: {  	v6 =	vadd.f32 v13, v6;
	s30 =	sadd.s32 $0x1, s30;
	v60 =	vmul.f32 v14, v4;
	v3 =	vsub.f32 v3, v9  }
0x105: {  	p0 =	sne.s32 s30, $0x20;
	v61 =	vadd.f32 v8, v7;
	v62 =	vmul.f32 v59, v4  }
.Ltmp1:
0x106: {  	v6 =	vadd.f32 v60, v6;
	v5 =	vadd.f32 v5, v9;
	v3 =	vmul.f32 v3, v4;
	(pc) =	sbr.rel @p0 .LBB2_2-.Ltmp1, $4  }
0x107: {  	[tilespmem:s0+$0x0] =	vst v12;
	v63 =	vadd.f32 v62, v61  }
0x108: {  	[tilespmem:s0+$0x10] =	vst v6;
	v3 =	vadd.f32 v3, v5  }
0x109: {  	[tilespmem:s0+$0x20] =	vst v63  }
0x10a: {  	s29 =	sadd.s32 $0x1, s29;
	[tilespmem:s0+$0xFFFFFFC0] =	vst v3  }
0x10b: {  	s29 =	simm.s32 $0x0;
	s0 =	rddreg [dreg:$0x7]  }
0x10c: {  	[hbm4b:s0+s29] =	stream.linear.scatter [tilespmem:s22], [sflag:$0x6], $0x6000, $0x38;
	[tilespmem:$0x1E900] =	vst v63  }
0x10d: {  	v3 =	vld [tilespmem:$0x140];
	_ =	sdelay $0x4  }
0x10e: {  	v4 =	vshrl.u32 v3, $0x3  }
0x10f: {  	v4 =	vmul.u32 $0x30, v4  }
0x110: {  	v3 =	vand.u32 $0x7, v3  }
0x111: {  	v3 =	vor.u32 v3, v4  }
0x112: {  	v4 =	vperm.xlane v3, v0;
	_ =	sdelay $0x1  }
0x113: {  	v4 =	vadd.s32 v1, v4;
	_ =	sdelay $0x3  }
0x114: {  	s3 =	simm.s32 $0x12300;
	v3 =	vperm.xlane v3, v2  }
0x115: {  	[tilespmem:s3], [sflag:$0x4] =	stream.indirect_vreg.gather [hbm4b:s4+s29], $0x80, v4, vm0, $0xb8;
	[tilespmem:$0x1E900] =	vst v63  }
0x116: {  	s25 =	simm.s32 $0x12B00;
	v3 =	vadd.s32 v1, v3  }
0x117: {  	[tilespmem:s25], [sflag:$0x4] =	stream.indirect_vreg.gather [hbm4b:s9+s29], $0x80, v4, vm0, $0xb8;
	[tilespmem:$0x1E900] =	vst v63  }
0x118: {  	s31 =	simm.s32 $0x13300  }
0x119: {  	[tilespmem:s31], [sflag:$0x4] =	stream.indirect_vreg.gather [hbm4b:s11+s29], $0x80, v4, vm0, $0xb8;
	[tilespmem:$0x1E900] =	vst v63  }
0x11a: {  	s2 =	simm.s32 $0x13B00  }
0x11b: {  	[tilespmem:s2], [sflag:$0x4] =	stream.indirect_vreg.gather [hbm4b:s4+s29], $0x80, v3, vm0, $0xb8;
	[tilespmem:$0x1E900] =	vst v63  }
0x11c: {  	s3 =	simm.s32 $0x14300  }
0x11d: {  	[tilespmem:s3], [sflag:$0x4] =	stream.indirect_vreg.gather [hbm4b:s9+s29], $0x80, v3, vm0, $0xb8;
	[tilespmem:$0x1E900] =	vst v63  }
0x11e: {  	s25 =	simm.s32 $0x14B00  }
0x11f: {  	[tilespmem:s25], [sflag:$0x4] =	stream.indirect_vreg.gather [hbm4b:s11+s29], $0x80, v3, vm0, $0xb8;
	[tilespmem:$0x1E900] =	vst v63  }
0x120: {  	v3 =	vld [tilespmem:$0x150];
	_ =	sdelay $0x4  }
0x121: {  	v61 =	vshrl.u32 v3, $0x3  }
0x122: {  	v4 =	vmul.u32 $0x30, v61  }
0x123: {  	v3 =	vand.u32 $0x7, v3  }
0x124: {  	v3 =	vor.u32 v3, v4  }
0x125: {  	v4 =	vperm.xlane v3, v0;
	_ =	sdelay $0x1  }
0x126: {  	v4 =	vadd.s32 v1, v4;
	_ =	sdelay $0x3  }
0x127: {  	s31 =	simm.s32 $0x15300;
	v3 =	vperm.xlane v3, v2  }
0x128: {  	[tilespmem:s31], [sflag:$0x4] =	stream.indirect_vreg.gather [hbm4b:s4+s29], $0x80, v4, vm0, $0xb8;
	[tilespmem:$0x1E900] =	vst v63  }
0x129: {  	s2 =	simm.s32 $0x15B00;
	v3 =	vadd.s32 v1, v3  }
0x12a: {  	[tilespmem:s2], [sflag:$0x4] =	stream.indirect_vreg.gather [hbm4b:s9+s29], $0x80, v4, vm0, $0xb8;
	[tilespmem:$0x1E900] =	vst v63  }
0x12b: {  	s3 =	simm.s32 $0x16300  }
0x12c: {  	[tilespmem:s3], [sflag:$0x4] =	stream.indirect_vreg.gather [hbm4b:s11+s29], $0x80, v4, vm0, $0xb8;
	[tilespmem:$0x1E900] =	vst v63  }
0x12d: {  	s25 =	simm.s32 $0x16B00  }
0x12e: {  	[tilespmem:s25], [sflag:$0x4] =	stream.indirect_vreg.gather [hbm4b:s4+s29], $0x80, v3, vm0, $0xb8;
	[tilespmem:$0x1E900] =	vst v63  }
0x12f: {  	s31 =	simm.s32 $0x17300  }
0x130: {  	[tilespmem:s31], [sflag:$0x4] =	stream.indirect_vreg.gather [hbm4b:s9+s29], $0x80, v3, vm0, $0xb8;
	[tilespmem:$0x1E900] =	vst v63  }
0x131: {  	s2 =	simm.s32 $0x17B00  }
0x132: {  	[tilespmem:s2], [sflag:$0x4] =	stream.indirect_vreg.gather [hbm4b:s11+s29], $0x80, v3, vm0, $0xb8;
	[tilespmem:$0x1E900] =	vst v63  }
0x133: {  	v3 =	vld [tilespmem:$0x40];
	_ =	sdelay $0x4  }
0x134: {  	v62 =	vshrl.u32 v3, $0x3  }
0x135: {  	v4 =	vmul.u32 $0x30, v62  }
0x136: {  	v3 =	vand.u32 $0x7, v3  }
0x137: {  	v3 =	vor.u32 v3, v4  }
0x138: {  	v4 =	vperm.xlane v3, v0;
	_ =	sdelay $0x1  }
0x139: {  	v4 =	vadd.s32 v1, v4;
	_ =	sdelay $0x3  }
0x13a: {  	v3 =	vperm.xlane v3, v2  }
0x13b: {  	[tilespmem:s15], [sflag:$0x3] =	stream.indirect_vreg.gather [hbm4b:s1+s29], $0x80, v4, vm0, $0xb8;
	[tilespmem:$0x1E900] =	vst v63  }
0x13c: {  	s3 =	simm.s32 $0xCB00;
	v3 =	vadd.s32 v1, v3  }
0x13d: {  	[tilespmem:s3], [sflag:$0x3] =	stream.indirect_vreg.gather [hbm4b:s7+s29], $0x80, v4, vm0, $0xb8;
	[tilespmem:$0x1E900] =	vst v63  }
0x13e: {  	s25 =	simm.s32 $0xD300  }
0x13f: {  	[tilespmem:s25], [sflag:$0x3] =	stream.indirect_vreg.gather [hbm4b:s8+s29], $0x80, v4, vm0, $0xb8;
	[tilespmem:$0x1E900] =	vst v63  }
0x140: {  	s31 =	simm.s32 $0xDB00  }
0x141: {  	[tilespmem:s31], [sflag:$0x3] =	stream.indirect_vreg.gather [hbm4b:s1+s29], $0x80, v3, vm0, $0xb8;
	[tilespmem:$0x1E900] =	vst v63  }
0x142: {  	s2 =	simm.s32 $0xE300  }
0x143: {  	[tilespmem:s2], [sflag:$0x3] =	stream.indirect_vreg.gather [hbm4b:s7+s29], $0x80, v3, vm0, $0xb8;
	[tilespmem:$0x1E900] =	vst v63  }
0x144: {  	s3 =	simm.s32 $0xEB00  }
0x145: {  	[tilespmem:s3], [sflag:$0x3] =	stream.indirect_vreg.gather [hbm4b:s8+s29], $0x80, v3, vm0, $0xb8;
	[tilespmem:$0x1E900] =	vst v63  }
0x146: {  	v3 =	vld [tilespmem:$0x50];
	_ =	sdelay $0x4  }
0x147: {  	v63 =	vshrl.u32 v3, $0x3  }
0x148: {  	v4 =	vmul.u32 $0x30, v63  }
0x149: {  	v3 =	vand.u32 $0x7, v3  }
0x14a: {  	v3 =	vor.u32 v3, v4  }
0x14b: {  	v4 =	vperm.xlane v3, v0;
	_ =	sdelay $0x1  }
0x14c: {  	v4 =	vadd.s32 v1, v4;
	_ =	sdelay $0x3  }
0x14d: {  	s25 =	simm.s32 $0xF300;
	v3 =	vperm.xlane v3, v2  }
0x14e: {  	[tilespmem:s25], [sflag:$0x3] =	stream.indirect_vreg.gather [hbm4b:s1+s29], $0x80, v4, vm0, $0xb8;
	[tilespmem:$0x1E900] =	vst v63  }
0x14f: {  	s31 =	simm.s32 $0xFB00;
	v3 =	vadd.s32 v1, v3  }
0x150: {  	[tilespmem:s31], [sflag:$0x3] =	stream.indirect_vreg.gather [hbm4b:s7+s29], $0x80, v4, vm0, $0xb8;
	[tilespmem:$0x1E900] =	vst v63  }
0x151: {  	s2 =	simm.s32 $0x10300  }
0x152: {  	[tilespmem:s2], [sflag:$0x3] =	stream.indirect_vreg.gather [hbm4b:s8+s29], $0x80, v4, vm0, $0xb8;
	[tilespmem:$0x1E900] =	vst v63  }
0x153: {  	s3 =	simm.s32 $0x10B00  }
0x154: {  	[tilespmem:s3], [sflag:$0x3] =	stream.indirect_vreg.gather [hbm4b:s1+s29], $0x80, v3, vm0, $0xb8;
	[tilespmem:$0x1E900] =	vst v63  }
0x155: {  	s25 =	simm.s32 $0x11300  }
0x156: {  	[tilespmem:s25], [sflag:$0x3] =	stream.indirect_vreg.gather [hbm4b:s7+s29], $0x80, v3, vm0, $0xb8;
	[tilespmem:$0x1E900] =	vst v63  }
0x157: {  	s31 =	simm.s32 $0x11B00  }
0x158: {  	[tilespmem:s31], [sflag:$0x3] =	stream.indirect_vreg.gather [hbm4b:s8+s29], $0x80, v3, vm0, $0xb8;
	[tilespmem:$0x1E900] =	vst v63  }
0x159: {  	_ =	swait.ge [sflag:s16], $0x6000  }
0x15a: {  	[sflag:s16] =	ssyncset.done $0x0  }
0x15b: {  	[sflag:s16] =	ssyncadd.s32 $0xFFFFA000  }
0x15c: {  	_ =	swait.ge [sflag:s17], $0x6000  }
0x15d: {  	[sflag:s17] =	ssyncset.done $0x0  }
0x15e: {  	s30 =	simm.s32 $0x0;
	[sflag:s17] =	ssyncadd.s32 $0xFFFFA000  }
.LBB2_6:
0x15f: {  	s25 =	sand.u32 $0x10, s30  }
0x160: {  	v4 =	vld [tilespmem:s25+$0x220];
	s25 =	simm.s32 $0x1E380  }
0x161: {  	v5 =	vld [tilespmem:s25+$0xFFFFFFF0]  }
0x162: {  	v8 =	vld [tilespmem:s25+$0x70]  }
0x163: {  	v3 =	vld [tilespmem:s25+$0x0]  }
0x164: {  	v10 =	vld [tilespmem:s25+$0xFFFFFF90]  }
0x165: {  	v14 =	vld [tilespmem:s25+$0x10]  }
0x166: {  	s0 =	sshrl.u32 s30, $0x3;
	v15 =	vld [tilespmem:s25+$0xFFFFFFA0]  }
0x167: {  	s2 =	sand.u32 $0x7, s29;
	s0 =	smul.u32 $0x6000, s0;
	v18 =	vld [tilespmem:s25+$0x20]  }
0x168: {  	s2 =	sshll.u32 s2, $0x9;
	v19 =	vld [tilespmem:s25+$0xFFFFFFB0]  }
0x169: {  	v55 =	vld [tilespmem:s25+$0xFFFFFFC0];
	s0 =	sor.u32 s2, s0  }
0x16a: {  	v23 =	vld [tilespmem:s25+$0x40];
	s3 =	sshra.s32 s0, $0x2  }
0x16b: {  	v60 =	vld [tilespmem:s25+$0x50];
	s31 =	sadd.s32 $0x6340, s3  }
0x16c: {  	s3 =	sadd.s32 $0x18340, s3;
	v6 =	vld [tilespmem:s31+$0x30]  }
0x16d: {  	v7 =	vld [tilespmem:s3+$0x30]  }
0x16e: {  	v9 =	vld [tilespmem:s31+$0xFFFFFFC0]  }
0x16f: {  	v12 =	vld [tilespmem:s31+$0xFFFFFFD0]  }
0x170: {  	v13 =	vld [tilespmem:s3+$0xFFFFFFD0]  }
0x171: {  	v16 =	vld [tilespmem:s31+$0xFFFFFFE0]  }
0x172: {  	v17 =	vld [tilespmem:s3+$0xFFFFFFE0]  }
0x173: {  	v4 =	vcvt.s32.f32 v4;
	v20 =	vld [tilespmem:s31+$0xFFFFFFF0]  }
0x174: {  	v21 =	vmov s30;
	v22 =	vld [tilespmem:s3+$0xFFFFFFF0]  }
0x175: {  	v4 =	vperm.xlane v4, v21;
	v6 =	vadd.f32 v7, v6;
	v7 =	vsub.f32 v8, v5;
	v8 =	vld [tilespmem:s25+$0x30]  }
0x176: {  	v12 =	vadd.f32 v13, v12;
	v13 =	vsub.f32 v14, v10;
	v14 =	vld [tilespmem:s3+$0x0]  }
0x177: {  	v56 =	vsub.f32 v18, v15;
	v5 =	vadd.f32 v6, v5;
	v6 =	vmul.f32 v7, v4;
	v7 =	vld [tilespmem:s31+$0x0]  }
0x178: {  	v11 =	vld [tilespmem:s3+$0xFFFFFFC0];
	v62 =	vsub.f32 v23, v55;
	v10 =	vadd.f32 v12, v10;
	v12 =	vmul.f32 v13, v4  }
0x179: {  	v58 =	vld [tilespmem:s31+$0x10];
	v57 =	vadd.f32 v22, v20;
	v13 =	vadd.f32 v17, v16  }
0x17a: {  	v10 =	vadd.f32 v12, v10;
	v12 =	vld [tilespmem:s3+$0x10];
	v8 =	vsub.f32 v8, v19  }
0x17b: {  	v5 =	vadd.f32 v6, v5;
	v6 =	vld [tilespmem:s25+$0xFFFFFFD0];
	v13 =	vadd.f32 v13, v15;
	v15 =	vmul.f32 v56, v4  }
0x17c: {  	v59 =	vadd.f32 v57, v19;
	[tilespmem:s31+$0xFFFFFFD0] =	vst v10;
	v10 =	vld [tilespmem:s3+$0x20];
	v61 =	vmul.f32 v8, v4;
	v14 =	vadd.f32 v14, v7  }
0x17d: {  	[tilespmem:s31+$0x30] =	vst v5;
	v13 =	vadd.f32 v15, v13;
	v5 =	vadd.f32 v11, v9;
	v11 =	vld [tilespmem:s25+$0x60]  }
0x17e: {  	v63 =	vmul.f32 v62, v4;
	v8 =	vld [tilespmem:s31+$0x20];
	v15 =	vadd.f32 v61, v59;
	v14 =	vadd.f32 v14, v55  }
0x17f: {  	v7 =	vld [tilespmem:s25+$0xFFFFFFE0];
	[tilespmem:s31+$0xFFFFFFE0] =	vst v13;
	v13 =	vadd.f32 v12, v58  }
0x180: {  	s2 =	simm.s32 $0x0;
	s0 =	smov.u32 s31;
	v9 =	vld [tilespmem:s25+$0xFFFFFF80];
	s25 =	simm.s32 $0x1E480;
	[tilespmem:s31+$0xFFFFFFF0] =	vst v15;
	v12 =	vadd.f32 v63, v14;
	v14 =	vsub.f32 v60, v6  }
.LBB2_7:
0x181: {  	v15 =	vld [tilespmem:s25+$0xFFFFFFF0];
	v6 =	vadd.f32 v13, v6;
	s31 =	sadd.s32 $0x400, s31  }
0x182: {  	s3 =	sadd.s32 $0x400, s3;
	v13 =	vld [tilespmem:s31+$0x30];
	[tilespmem:s0+$0x0] =	vst v12;
	v12 =	vmul.f32 v14, v4  }
0x183: {  	v14 =	vld [tilespmem:s3+$0x30];
	v8 =	vadd.f32 v10, v8  }
0x184: {  	s2 =	sadd.s32 $0x8, s2;
	v10 =	vld [tilespmem:s25+$0x70];
	v6 =	vadd.f32 v12, v6;
	v11 =	vsub.f32 v11, v7  }
0x185: {  	p0 =	slt.u32 s2, $0x28;
	v12 =	vld [tilespmem:s31+$0xFFFFFFC0];
	v5 =	vadd.f32 v5, v9;
	v9 =	vsub.f32 v3, v9  }
0x186: {  	v16 =	vld [tilespmem:s3+$0xFFFFFFC0];
	[tilespmem:s0+$0x10] =	vst v6;
	v6 =	vadd.f32 v8, v7;
	v7 =	vmul.f32 v11, v4  }
0x187: {  	v3 =	vld [tilespmem:s25+$0x0];
	v8 =	vmul.f32 v9, v4  }
0x188: {  	v9 =	vld [tilespmem:s25+$0xFFFFFF90];
	v6 =	vadd.f32 v7, v6  }
0x189: {  	v11 =	vadd.f32 v14, v13;
	v7 =	vld [tilespmem:s31+$0xFFFFFFD0];
	v10 =	vsub.f32 v10, v15  }
0x18a: {  	v8 =	vadd.f32 v8, v5;
	v13 =	vld [tilespmem:s3+$0xFFFFFFD0];
	[tilespmem:s0+$0x20] =	vst v6  }
0x18b: {  	v11 =	vadd.f32 v11, v15;
	v5 =	vadd.f32 v16, v12;
	v6 =	vld [tilespmem:s25+$0x10];
	v10 =	vmul.f32 v10, v4  }
0x18c: {  	v12 =	vld [tilespmem:s25+$0xFFFFFFA0];
	[tilespmem:s0+$0xFFFFFFC0] =	vst v8;
	s0 =	smov.u32 s31  }
0x18d: {  	v8 =	vld [tilespmem:s31+$0xFFFFFFE0];
	v10 =	vadd.f32 v10, v11  }
0x18e: {  	v11 =	vld [tilespmem:s3+$0xFFFFFFE0]  }
0x18f: {  	v7 =	vadd.f32 v13, v7;
	v13 =	vld [tilespmem:s25+$0x20];
	[tilespmem:s31+$0x30] =	vst v10  }
0x190: {  	v6 =	vsub.f32 v6, v9;
	v10 =	vld [tilespmem:s25+$0xFFFFFFB0]  }
0x191: {  	v7 =	vadd.f32 v7, v9;
	v9 =	vld [tilespmem:s31+$0xFFFFFFF0]  }
0x192: {  	v6 =	vmul.f32 v6, v4;
	v14 =	vld [tilespmem:s3+$0xFFFFFFF0]  }
0x193: {  	v8 =	vadd.f32 v11, v8;
	v11 =	vld [tilespmem:s25+$0x30]  }
0x194: {  	v6 =	vadd.f32 v6, v7;
	v7 =	vsub.f32 v13, v12;
	v13 =	vld [tilespmem:s25+$0xFFFFFFC0]  }
0x195: {  	v8 =	vadd.f32 v8, v12;
	v12 =	vld [tilespmem:s31+$0x0]  }
0x196: {  	[tilespmem:s31+$0xFFFFFFD0] =	vst v6;
	v6 =	vmul.f32 v7, v4;
	v7 =	vld [tilespmem:s3+$0x0]  }
0x197: {  	v9 =	vadd.f32 v14, v9;
	v14 =	vld [tilespmem:s25+$0x40]  }
0x198: {  	v8 =	vadd.f32 v6, v8;
	v11 =	vsub.f32 v11, v10;
	v6 =	vld [tilespmem:s25+$0xFFFFFFD0]  }
0x199: {  	v9 =	vadd.f32 v9, v10;
	v15 =	vld [tilespmem:s31+$0x10]  }
0x19a: {  	[tilespmem:s31+$0xFFFFFFE0] =	vst v8;
	v8 =	vmul.f32 v11, v4;
	v11 =	vld [tilespmem:s3+$0x10]  }
0x19b: {  	v10 =	vadd.f32 v7, v12;
	v16 =	vld [tilespmem:s25+$0x50]  }
.Ltmp2:
0x19c: {  	v9 =	vadd.f32 v8, v9;
	v12 =	vsub.f32 v14, v13;
	v7 =	vld [tilespmem:s25+$0xFFFFFFE0];
	(pc) =	sbr.rel @p0 .LBB2_7-.Ltmp2, $4  }
0x19d: {  	v14 =	vadd.f32 v10, v13;
	v8 =	vld [tilespmem:s31+$0x20]  }
0x19e: {  	[tilespmem:s31+$0xFFFFFFF0] =	vst v9;
	v12 =	vmul.f32 v12, v4;
	v10 =	vld [tilespmem:s3+$0x20]  }
0x19f: {  	v13 =	vadd.f32 v11, v15;
	v11 =	vld [tilespmem:s25+$0x60]  }
0x1a0: {  	v9 =	vld [tilespmem:s25+$0xFFFFFF80];
	v12 =	vadd.f32 v12, v14;
	v14 =	vsub.f32 v16, v6;
	s25 =	sadd.s32 $0x100, s25  }
0x1a1: {  	_ =	sdelay $0x2  }
0x1a2: {  	v8 =	vadd.f32 v10, v8;
	v59 =	vsub.f32 v11, v7  }
0x1a3: {  	v6 =	vadd.f32 v13, v6;
	s30 =	sadd.s32 $0x1, s30;
	v60 =	vmul.f32 v14, v4;
	v3 =	vsub.f32 v3, v9  }
0x1a4: {  	p0 =	sne.s32 s30, $0x20;
	v61 =	vadd.f32 v8, v7;
	v62 =	vmul.f32 v59, v4  }
.Ltmp3:
0x1a5: {  	v6 =	vadd.f32 v60, v6;
	v5 =	vadd.f32 v5, v9;
	v3 =	vmul.f32 v3, v4;
	(pc) =	sbr.rel @p0 .LBB2_6-.Ltmp3, $4  }
0x1a6: {  	[tilespmem:s0+$0x0] =	vst v12;
	v63 =	vadd.f32 v62, v61  }
0x1a7: {  	[tilespmem:s0+$0x10] =	vst v6;
	v3 =	vadd.f32 v3, v5  }
0x1a8: {  	[tilespmem:s0+$0x20] =	vst v63  }
0x1a9: {  	s29 =	sadd.s32 $0x1, s29;
	[tilespmem:s0+$0xFFFFFFC0] =	vst v3  }
0x1aa: {  	s29 =	simm.s32 $0x0;
	s0 =	rddreg [dreg:$0x8]  }
0x1ab: {  	[hbm4b:s0+s29] =	stream.linear.scatter [tilespmem:s24], [sflag:$0x7], $0x6000, $0x38;
	[tilespmem:$0x1E900] =	vst v63  }
0x1ac: {  	v3 =	vld [tilespmem:$0x160];
	_ =	sdelay $0x4  }
0x1ad: {  	v4 =	vshrl.u32 v3, $0x3  }
0x1ae: {  	v4 =	vmul.u32 $0x30, v4  }
0x1af: {  	v3 =	vand.u32 $0x7, v3  }
0x1b0: {  	v3 =	vor.u32 v3, v4  }
0x1b1: {  	v4 =	vperm.xlane v3, v0;
	_ =	sdelay $0x1  }
0x1b2: {  	v4 =	vadd.s32 v1, v4;
	_ =	sdelay $0x3  }
0x1b3: {  	s3 =	simm.s32 $0x18300;
	v3 =	vperm.xlane v3, v2  }
0x1b4: {  	[tilespmem:s3], [sflag:$0x5] =	stream.indirect_vreg.gather [hbm4b:s4+s29], $0x80, v4, vm0, $0xb8;
	[tilespmem:$0x1E900] =	vst v63  }
0x1b5: {  	s25 =	simm.s32 $0x18B00;
	v3 =	vadd.s32 v1, v3  }
0x1b6: {  	[tilespmem:s25], [sflag:$0x5] =	stream.indirect_vreg.gather [hbm4b:s9+s29], $0x80, v4, vm0, $0xb8;
	[tilespmem:$0x1E900] =	vst v63  }
0x1b7: {  	s31 =	simm.s32 $0x19300  }
0x1b8: {  	[tilespmem:s31], [sflag:$0x5] =	stream.indirect_vreg.gather [hbm4b:s11+s29], $0x80, v4, vm0, $0xb8;
	[tilespmem:$0x1E900] =	vst v63  }
0x1b9: {  	s2 =	simm.s32 $0x19B00  }
0x1ba: {  	[tilespmem:s2], [sflag:$0x5] =	stream.indirect_vreg.gather [hbm4b:s4+s29], $0x80, v3, vm0, $0xb8;
	[tilespmem:$0x1E900] =	vst v63  }
0x1bb: {  	s3 =	simm.s32 $0x1A300  }
0x1bc: {  	[tilespmem:s3], [sflag:$0x5] =	stream.indirect_vreg.gather [hbm4b:s9+s29], $0x80, v3, vm0, $0xb8;
	[tilespmem:$0x1E900] =	vst v63  }
0x1bd: {  	s25 =	simm.s32 $0x1AB00  }
0x1be: {  	[tilespmem:s25], [sflag:$0x5] =	stream.indirect_vreg.gather [hbm4b:s11+s29], $0x80, v3, vm0, $0xb8;
	[tilespmem:$0x1E900] =	vst v63  }
0x1bf: {  	v3 =	vld [tilespmem:$0x170];
	_ =	sdelay $0x4  }
0x1c0: {  	v61 =	vshrl.u32 v3, $0x3  }
0x1c1: {  	v4 =	vmul.u32 $0x30, v61  }
0x1c2: {  	v3 =	vand.u32 $0x7, v3  }
0x1c3: {  	v3 =	vor.u32 v3, v4  }
0x1c4: {  	v4 =	vperm.xlane v3, v0;
	_ =	sdelay $0x1  }
0x1c5: {  	v4 =	vadd.s32 v1, v4;
	_ =	sdelay $0x3  }
0x1c6: {  	s31 =	simm.s32 $0x1B300;
	v3 =	vperm.xlane v3, v2  }
0x1c7: {  	[tilespmem:s31], [sflag:$0x5] =	stream.indirect_vreg.gather [hbm4b:s4+s29], $0x80, v4, vm0, $0xb8;
	[tilespmem:$0x1E900] =	vst v63  }
0x1c8: {  	s2 =	simm.s32 $0x1BB00;
	v3 =	vadd.s32 v1, v3  }
0x1c9: {  	[tilespmem:s2], [sflag:$0x5] =	stream.indirect_vreg.gather [hbm4b:s9+s29], $0x80, v4, vm0, $0xb8;
	[tilespmem:$0x1E900] =	vst v63  }
0x1ca: {  	_ = 	snop  }
0x1cb: {  	[tilespmem:s26], [sflag:$0x5] =	stream.indirect_vreg.gather [hbm4b:s11+s29], $0x80, v4, vm0, $0xb8;
	[tilespmem:$0x1E900] =	vst v63  }
0x1cc: {  	_ = 	snop  }
0x1cd: {  	[tilespmem:s21], [sflag:$0x5] =	stream.indirect_vreg.gather [hbm4b:s4+s29], $0x80, v3, vm0, $0xb8;
	[tilespmem:$0x1E900] =	vst v63  }
0x1ce: {  	_ = 	snop  }
0x1cf: {  	[tilespmem:s6], [sflag:$0x5] =	stream.indirect_vreg.gather [hbm4b:s9+s29], $0x80, v3, vm0, $0xb8;
	[tilespmem:$0x1E900] =	vst v63  }
0x1d0: {  	_ = 	snop  }
0x1d1: {  	[tilespmem:s12], [sflag:$0x5] =	stream.indirect_vreg.gather [hbm4b:s11+s29], $0x80, v3, vm0, $0xb8;
	[tilespmem:$0x1E900] =	vst v63  }
0x1d2: {  	_ =	swait.ge [sflag:s18], $0x6000  }
0x1d3: {  	[sflag:s18] =	ssyncset.done $0x0  }
0x1d4: {  	[sflag:s18] =	ssyncadd.s32 $0xFFFFA000  }
0x1d5: {  	v3 =	vld [tilespmem:$0x60];
	_ =	sdelay $0x4  }
0x1d6: {  	v62 =	vshrl.u32 v3, $0x3  }
0x1d7: {  	v4 =	vmul.u32 $0x30, v62  }
0x1d8: {  	v3 =	vand.u32 $0x7, v3  }
0x1d9: {  	v3 =	vor.u32 v3, v4  }
0x1da: {  	v4 =	vperm.xlane v3, v0;
	_ =	sdelay $0x1  }
0x1db: {  	v4 =	vadd.s32 v1, v4;
	_ =	sdelay $0x3  }
0x1dc: {  	v3 =	vperm.xlane v3, v2  }
0x1dd: {  	[tilespmem:s22], [sflag:$0x1] =	stream.indirect_vreg.gather [hbm4b:s1+s29], $0x80, v4, vm0, $0xb8;
	[tilespmem:$0x1E900] =	vst v63  }
0x1de: {  	s3 =	simm.s32 $0xB00;
	v3 =	vadd.s32 v1, v3  }
0x1df: {  	[tilespmem:s3], [sflag:$0x1] =	stream.indirect_vreg.gather [hbm4b:s7+s29], $0x80, v4, vm0, $0xb8;
	[tilespmem:$0x1E900] =	vst v63  }
0x1e0: {  	s25 =	simm.s32 $0x1300  }
0x1e1: {  	[tilespmem:s25], [sflag:$0x1] =	stream.indirect_vreg.gather [hbm4b:s8+s29], $0x80, v4, vm0, $0xb8;
	[tilespmem:$0x1E900] =	vst v63  }
0x1e2: {  	s31 =	simm.s32 $0x1B00  }
0x1e3: {  	[tilespmem:s31], [sflag:$0x1] =	stream.indirect_vreg.gather [hbm4b:s1+s29], $0x80, v3, vm0, $0xb8;
	[tilespmem:$0x1E900] =	vst v63  }
0x1e4: {  	s2 =	simm.s32 $0x2300  }
0x1e5: {  	[tilespmem:s2], [sflag:$0x1] =	stream.indirect_vreg.gather [hbm4b:s7+s29], $0x80, v3, vm0, $0xb8;
	[tilespmem:$0x1E900] =	vst v63  }
0x1e6: {  	s3 =	simm.s32 $0x2B00  }
0x1e7: {  	[tilespmem:s3], [sflag:$0x1] =	stream.indirect_vreg.gather [hbm4b:s8+s29], $0x80, v3, vm0, $0xb8;
	[tilespmem:$0x1E900] =	vst v63  }
0x1e8: {  	v3 =	vld [tilespmem:$0x70];
	_ =	sdelay $0x4  }
0x1e9: {  	v63 =	vshrl.u32 v3, $0x3  }
0x1ea: {  	v4 =	vmul.u32 $0x30, v63  }
0x1eb: {  	v3 =	vand.u32 $0x7, v3  }
0x1ec: {  	v3 =	vor.u32 v3, v4  }
0x1ed: {  	v4 =	vperm.xlane v3, v0;
	_ =	sdelay $0x1  }
0x1ee: {  	v4 =	vadd.s32 v1, v4;
	_ =	sdelay $0x3  }
0x1ef: {  	s25 =	simm.s32 $0x3300;
	v3 =	vperm.xlane v3, v2  }
0x1f0: {  	[tilespmem:s25], [sflag:$0x1] =	stream.indirect_vreg.gather [hbm4b:s1+s29], $0x80, v4, vm0, $0xb8;
	[tilespmem:$0x1E900] =	vst v63  }
0x1f1: {  	s31 =	simm.s32 $0x3B00;
	v3 =	vadd.s32 v1, v3  }
0x1f2: {  	[tilespmem:s31], [sflag:$0x1] =	stream.indirect_vreg.gather [hbm4b:s7+s29], $0x80, v4, vm0, $0xb8;
	[tilespmem:$0x1E900] =	vst v63  }
0x1f3: {  	s2 =	simm.s32 $0x4300  }
0x1f4: {  	[tilespmem:s2], [sflag:$0x1] =	stream.indirect_vreg.gather [hbm4b:s8+s29], $0x80, v4, vm0, $0xb8;
	[tilespmem:$0x1E900] =	vst v63  }
0x1f5: {  	s3 =	simm.s32 $0x4B00  }
0x1f6: {  	[tilespmem:s3], [sflag:$0x1] =	stream.indirect_vreg.gather [hbm4b:s1+s29], $0x80, v3, vm0, $0xb8;
	[tilespmem:$0x1E900] =	vst v63  }
0x1f7: {  	s25 =	simm.s32 $0x5300  }
0x1f8: {  	[tilespmem:s25], [sflag:$0x1] =	stream.indirect_vreg.gather [hbm4b:s7+s29], $0x80, v3, vm0, $0xb8;
	[tilespmem:$0x1E900] =	vst v63  }
0x1f9: {  	s31 =	simm.s32 $0x5B00  }
0x1fa: {  	[tilespmem:s31], [sflag:$0x1] =	stream.indirect_vreg.gather [hbm4b:s8+s29], $0x80, v3, vm0, $0xb8;
	[tilespmem:$0x1E900] =	vst v63  }
0x1fb: {  	_ =	swait.ge [sflag:s19], $0x6000  }
0x1fc: {  	[sflag:s19] =	ssyncset.done $0x0  }
0x1fd: {  	[sflag:s19] =	ssyncadd.s32 $0xFFFFA000  }
0x1fe: {  	_ =	swait.ge [sflag:s14], $0x6000  }
0x1ff: {  	[sflag:s14] =	ssyncset.done $0x0  }
0x200: {  	s30 =	simm.s32 $0x0;
	[sflag:s14] =	ssyncadd.s32 $0xFFFFA000  }
.LBB2_10:
0x201: {  	s25 =	sand.u32 $0x10, s30  }
0x202: {  	v4 =	vld [tilespmem:s25+$0x240];
	s25 =	simm.s32 $0x1E380  }
0x203: {  	v5 =	vld [tilespmem:s25+$0xFFFFFFF0]  }
0x204: {  	v8 =	vld [tilespmem:s25+$0x70]  }
0x205: {  	v3 =	vld [tilespmem:s25+$0x0]  }
0x206: {  	v10 =	vld [tilespmem:s25+$0xFFFFFF90]  }
0x207: {  	v14 =	vld [tilespmem:s25+$0x10]  }
0x208: {  	s0 =	sshrl.u32 s30, $0x3;
	v15 =	vld [tilespmem:s25+$0xFFFFFFA0]  }
0x209: {  	s2 =	sand.u32 $0x7, s29;
	s0 =	smul.u32 $0x6000, s0;
	v18 =	vld [tilespmem:s25+$0x20]  }
0x20a: {  	s2 =	sshll.u32 s2, $0x9;
	v19 =	vld [tilespmem:s25+$0xFFFFFFB0]  }
0x20b: {  	v55 =	vld [tilespmem:s25+$0xFFFFFFC0];
	s0 =	sor.u32 s2, s0  }
0x20c: {  	v23 =	vld [tilespmem:s25+$0x40];
	s3 =	sshra.s32 s0, $0x2  }
0x20d: {  	v60 =	vld [tilespmem:s25+$0x50];
	s31 =	sadd.s32 $0xC340, s3  }
0x20e: {  	s3 =	sadd.s32 $0x12340, s3;
	v6 =	vld [tilespmem:s31+$0x30]  }
0x20f: {  	v7 =	vld [tilespmem:s3+$0x30]  }
0x210: {  	v9 =	vld [tilespmem:s31+$0xFFFFFFC0]  }
0x211: {  	v12 =	vld [tilespmem:s31+$0xFFFFFFD0]  }
0x212: {  	v13 =	vld [tilespmem:s3+$0xFFFFFFD0]  }
0x213: {  	v16 =	vld [tilespmem:s31+$0xFFFFFFE0]  }
0x214: {  	v17 =	vld [tilespmem:s3+$0xFFFFFFE0]  }
0x215: {  	v4 =	vcvt.s32.f32 v4;
	v20 =	vld [tilespmem:s31+$0xFFFFFFF0]  }
0x216: {  	v21 =	vmov s30;
	v22 =	vld [tilespmem:s3+$0xFFFFFFF0]  }
0x217: {  	v4 =	vperm.xlane v4, v21;
	v6 =	vadd.f32 v7, v6;
	v7 =	vsub.f32 v8, v5;
	v8 =	vld [tilespmem:s25+$0x30]  }
0x218: {  	v12 =	vadd.f32 v13, v12;
	v13 =	vsub.f32 v14, v10;
	v14 =	vld [tilespmem:s3+$0x0]  }
0x219: {  	v56 =	vsub.f32 v18, v15;
	v5 =	vadd.f32 v6, v5;
	v6 =	vmul.f32 v7, v4;
	v7 =	vld [tilespmem:s31+$0x0]  }
0x21a: {  	v11 =	vld [tilespmem:s3+$0xFFFFFFC0];
	v62 =	vsub.f32 v23, v55;
	v10 =	vadd.f32 v12, v10;
	v12 =	vmul.f32 v13, v4  }
0x21b: {  	v58 =	vld [tilespmem:s31+$0x10];
	v57 =	vadd.f32 v22, v20;
	v13 =	vadd.f32 v17, v16  }
0x21c: {  	v10 =	vadd.f32 v12, v10;
	v12 =	vld [tilespmem:s3+$0x10];
	v8 =	vsub.f32 v8, v19  }
0x21d: {  	v5 =	vadd.f32 v6, v5;
	v6 =	vld [tilespmem:s25+$0xFFFFFFD0];
	v13 =	vadd.f32 v13, v15;
	v15 =	vmul.f32 v56, v4  }
0x21e: {  	v59 =	vadd.f32 v57, v19;
	[tilespmem:s31+$0xFFFFFFD0] =	vst v10;
	v10 =	vld [tilespmem:s3+$0x20];
	v61 =	vmul.f32 v8, v4;
	v14 =	vadd.f32 v14, v7  }
0x21f: {  	[tilespmem:s31+$0x30] =	vst v5;
	v13 =	vadd.f32 v15, v13;
	v5 =	vadd.f32 v11, v9;
	v11 =	vld [tilespmem:s25+$0x60]  }
0x220: {  	v63 =	vmul.f32 v62, v4;
	v8 =	vld [tilespmem:s31+$0x20];
	v15 =	vadd.f32 v61, v59;
	v14 =	vadd.f32 v14, v55  }
0x221: {  	v7 =	vld [tilespmem:s25+$0xFFFFFFE0];
	[tilespmem:s31+$0xFFFFFFE0] =	vst v13;
	v13 =	vadd.f32 v12, v58  }
0x222: {  	s2 =	simm.s32 $0x0;
	s0 =	smov.u32 s31;
	v9 =	vld [tilespmem:s25+$0xFFFFFF80];
	s25 =	simm.s32 $0x1E480;
	[tilespmem:s31+$0xFFFFFFF0] =	vst v15;
	v12 =	vadd.f32 v63, v14;
	v14 =	vsub.f32 v60, v6  }
.LBB2_11:
0x223: {  	v15 =	vld [tilespmem:s25+$0xFFFFFFF0];
	v6 =	vadd.f32 v13, v6;
	s31 =	sadd.s32 $0x400, s31  }
0x224: {  	s3 =	sadd.s32 $0x400, s3;
	v13 =	vld [tilespmem:s31+$0x30];
	[tilespmem:s0+$0x0] =	vst v12;
	v12 =	vmul.f32 v14, v4  }
0x225: {  	v14 =	vld [tilespmem:s3+$0x30];
	v8 =	vadd.f32 v10, v8  }
0x226: {  	s2 =	sadd.s32 $0x8, s2;
	v10 =	vld [tilespmem:s25+$0x70];
	v6 =	vadd.f32 v12, v6;
	v11 =	vsub.f32 v11, v7  }
0x227: {  	p0 =	slt.u32 s2, $0x28;
	v12 =	vld [tilespmem:s31+$0xFFFFFFC0];
	v5 =	vadd.f32 v5, v9;
	v9 =	vsub.f32 v3, v9  }
0x228: {  	v16 =	vld [tilespmem:s3+$0xFFFFFFC0];
	[tilespmem:s0+$0x10] =	vst v6;
	v6 =	vadd.f32 v8, v7;
	v7 =	vmul.f32 v11, v4  }
0x229: {  	v3 =	vld [tilespmem:s25+$0x0];
	v8 =	vmul.f32 v9, v4  }
0x22a: {  	v9 =	vld [tilespmem:s25+$0xFFFFFF90];
	v6 =	vadd.f32 v7, v6  }
0x22b: {  	v11 =	vadd.f32 v14, v13;
	v7 =	vld [tilespmem:s31+$0xFFFFFFD0];
	v10 =	vsub.f32 v10, v15  }
0x22c: {  	v8 =	vadd.f32 v8, v5;
	v13 =	vld [tilespmem:s3+$0xFFFFFFD0];
	[tilespmem:s0+$0x20] =	vst v6  }
0x22d: {  	v11 =	vadd.f32 v11, v15;
	v5 =	vadd.f32 v16, v12;
	v6 =	vld [tilespmem:s25+$0x10];
	v10 =	vmul.f32 v10, v4  }
0x22e: {  	v12 =	vld [tilespmem:s25+$0xFFFFFFA0];
	[tilespmem:s0+$0xFFFFFFC0] =	vst v8;
	s0 =	smov.u32 s31  }
0x22f: {  	v8 =	vld [tilespmem:s31+$0xFFFFFFE0];
	v10 =	vadd.f32 v10, v11  }
0x230: {  	v11 =	vld [tilespmem:s3+$0xFFFFFFE0]  }
0x231: {  	v7 =	vadd.f32 v13, v7;
	v13 =	vld [tilespmem:s25+$0x20];
	[tilespmem:s31+$0x30] =	vst v10  }
0x232: {  	v6 =	vsub.f32 v6, v9;
	v10 =	vld [tilespmem:s25+$0xFFFFFFB0]  }
0x233: {  	v7 =	vadd.f32 v7, v9;
	v9 =	vld [tilespmem:s31+$0xFFFFFFF0]  }
0x234: {  	v6 =	vmul.f32 v6, v4;
	v14 =	vld [tilespmem:s3+$0xFFFFFFF0]  }
0x235: {  	v8 =	vadd.f32 v11, v8;
	v11 =	vld [tilespmem:s25+$0x30]  }
0x236: {  	v6 =	vadd.f32 v6, v7;
	v7 =	vsub.f32 v13, v12;
	v13 =	vld [tilespmem:s25+$0xFFFFFFC0]  }
0x237: {  	v8 =	vadd.f32 v8, v12;
	v12 =	vld [tilespmem:s31+$0x0]  }
0x238: {  	[tilespmem:s31+$0xFFFFFFD0] =	vst v6;
	v6 =	vmul.f32 v7, v4;
	v7 =	vld [tilespmem:s3+$0x0]  }
0x239: {  	v9 =	vadd.f32 v14, v9;
	v14 =	vld [tilespmem:s25+$0x40]  }
0x23a: {  	v8 =	vadd.f32 v6, v8;
	v11 =	vsub.f32 v11, v10;
	v6 =	vld [tilespmem:s25+$0xFFFFFFD0]  }
0x23b: {  	v9 =	vadd.f32 v9, v10;
	v15 =	vld [tilespmem:s31+$0x10]  }
0x23c: {  	[tilespmem:s31+$0xFFFFFFE0] =	vst v8;
	v8 =	vmul.f32 v11, v4;
	v11 =	vld [tilespmem:s3+$0x10]  }
0x23d: {  	v10 =	vadd.f32 v7, v12;
	v16 =	vld [tilespmem:s25+$0x50]  }
.Ltmp4:
0x23e: {  	v9 =	vadd.f32 v8, v9;
	v12 =	vsub.f32 v14, v13;
	v7 =	vld [tilespmem:s25+$0xFFFFFFE0];
	(pc) =	sbr.rel @p0 .LBB2_11-.Ltmp4, $4  }
0x23f: {  	v14 =	vadd.f32 v10, v13;
	v8 =	vld [tilespmem:s31+$0x20]  }
0x240: {  	[tilespmem:s31+$0xFFFFFFF0] =	vst v9;
	v12 =	vmul.f32 v12, v4;
	v10 =	vld [tilespmem:s3+$0x20]  }
0x241: {  	v13 =	vadd.f32 v11, v15;
	v11 =	vld [tilespmem:s25+$0x60]  }
0x242: {  	v9 =	vld [tilespmem:s25+$0xFFFFFF80];
	v12 =	vadd.f32 v12, v14;
	v14 =	vsub.f32 v16, v6;
	s25 =	sadd.s32 $0x100, s25  }
0x243: {  	_ =	sdelay $0x2  }
0x244: {  	v8 =	vadd.f32 v10, v8;
	v59 =	vsub.f32 v11, v7  }
0x245: {  	v6 =	vadd.f32 v13, v6;
	s30 =	sadd.s32 $0x1, s30;
	v60 =	vmul.f32 v14, v4;
	v3 =	vsub.f32 v3, v9  }
0x246: {  	p0 =	sne.s32 s30, $0x20;
	v61 =	vadd.f32 v8, v7;
	v62 =	vmul.f32 v59, v4  }
.Ltmp5:
0x247: {  	v6 =	vadd.f32 v60, v6;
	v5 =	vadd.f32 v5, v9;
	v3 =	vmul.f32 v3, v4;
	(pc) =	sbr.rel @p0 .LBB2_10-.Ltmp5, $4  }
0x248: {  	[tilespmem:s0+$0x0] =	vst v12;
	v63 =	vadd.f32 v62, v61  }
0x249: {  	[tilespmem:s0+$0x10] =	vst v6;
	v3 =	vadd.f32 v3, v5  }
0x24a: {  	[tilespmem:s0+$0x20] =	vst v63  }
0x24b: {  	s29 =	sadd.s32 $0x1, s29;
	[tilespmem:s0+$0xFFFFFFC0] =	vst v3  }
0x24c: {  	s29 =	simm.s32 $0x0;
	s0 =	rddreg [dreg:$0x9]  }
0x24d: {  	[hbm4b:s0+s29] =	stream.linear.scatter [tilespmem:s15], [sflag:$0x8], $0x6000, $0x38;
	[tilespmem:$0x1E900] =	vst v63  }
0x24e: {  	v3 =	vld [tilespmem:$0x180];
	_ =	sdelay $0x4  }
0x24f: {  	v4 =	vshrl.u32 v3, $0x3  }
0x250: {  	v4 =	vmul.u32 $0x30, v4  }
0x251: {  	v3 =	vand.u32 $0x7, v3  }
0x252: {  	v3 =	vor.u32 v3, v4  }
0x253: {  	v4 =	vperm.xlane v3, v0;
	_ =	sdelay $0x1  }
0x254: {  	v4 =	vadd.s32 v1, v4;
	_ =	sdelay $0x3  }
0x255: {  	s3 =	simm.s32 $0x12300;
	v3 =	vperm.xlane v3, v2  }
0x256: {  	[tilespmem:s3], [sflag:$0x4] =	stream.indirect_vreg.gather [hbm4b:s4+s29], $0x80, v4, vm0, $0xb8;
	[tilespmem:$0x1E900] =	vst v63  }
0x257: {  	s25 =	simm.s32 $0x12B00;
	v3 =	vadd.s32 v1, v3  }
0x258: {  	[tilespmem:s25], [sflag:$0x4] =	stream.indirect_vreg.gather [hbm4b:s9+s29], $0x80, v4, vm0, $0xb8;
	[tilespmem:$0x1E900] =	vst v63  }
0x259: {  	s31 =	simm.s32 $0x13300  }
0x25a: {  	[tilespmem:s31], [sflag:$0x4] =	stream.indirect_vreg.gather [hbm4b:s11+s29], $0x80, v4, vm0, $0xb8;
	[tilespmem:$0x1E900] =	vst v63  }
0x25b: {  	s2 =	simm.s32 $0x13B00  }
0x25c: {  	[tilespmem:s2], [sflag:$0x4] =	stream.indirect_vreg.gather [hbm4b:s4+s29], $0x80, v3, vm0, $0xb8;
	[tilespmem:$0x1E900] =	vst v63  }
0x25d: {  	s3 =	simm.s32 $0x14300  }
0x25e: {  	[tilespmem:s3], [sflag:$0x4] =	stream.indirect_vreg.gather [hbm4b:s9+s29], $0x80, v3, vm0, $0xb8;
	[tilespmem:$0x1E900] =	vst v63  }
0x25f: {  	s25 =	simm.s32 $0x14B00  }
0x260: {  	[tilespmem:s25], [sflag:$0x4] =	stream.indirect_vreg.gather [hbm4b:s11+s29], $0x80, v3, vm0, $0xb8;
	[tilespmem:$0x1E900] =	vst v63  }
0x261: {  	v3 =	vld [tilespmem:$0x190];
	_ =	sdelay $0x4  }
0x262: {  	v61 =	vshrl.u32 v3, $0x3  }
0x263: {  	v4 =	vmul.u32 $0x30, v61  }
0x264: {  	v3 =	vand.u32 $0x7, v3  }
0x265: {  	v3 =	vor.u32 v3, v4  }
0x266: {  	v4 =	vperm.xlane v3, v0;
	_ =	sdelay $0x1  }
0x267: {  	v4 =	vadd.s32 v1, v4;
	_ =	sdelay $0x3  }
0x268: {  	s31 =	simm.s32 $0x15300;
	v3 =	vperm.xlane v3, v2  }
0x269: {  	[tilespmem:s31], [sflag:$0x4] =	stream.indirect_vreg.gather [hbm4b:s4+s29], $0x80, v4, vm0, $0xb8;
	[tilespmem:$0x1E900] =	vst v63  }
0x26a: {  	s2 =	simm.s32 $0x15B00;
	v3 =	vadd.s32 v1, v3  }
0x26b: {  	[tilespmem:s2], [sflag:$0x4] =	stream.indirect_vreg.gather [hbm4b:s9+s29], $0x80, v4, vm0, $0xb8;
	[tilespmem:$0x1E900] =	vst v63  }
0x26c: {  	s3 =	simm.s32 $0x16300  }
0x26d: {  	[tilespmem:s3], [sflag:$0x4] =	stream.indirect_vreg.gather [hbm4b:s11+s29], $0x80, v4, vm0, $0xb8;
	[tilespmem:$0x1E900] =	vst v63  }
0x26e: {  	s25 =	simm.s32 $0x16B00  }
0x26f: {  	[tilespmem:s25], [sflag:$0x4] =	stream.indirect_vreg.gather [hbm4b:s4+s29], $0x80, v3, vm0, $0xb8;
	[tilespmem:$0x1E900] =	vst v63  }
0x270: {  	s31 =	simm.s32 $0x17300  }
0x271: {  	[tilespmem:s31], [sflag:$0x4] =	stream.indirect_vreg.gather [hbm4b:s9+s29], $0x80, v3, vm0, $0xb8;
	[tilespmem:$0x1E900] =	vst v63  }
0x272: {  	s2 =	simm.s32 $0x17B00  }
0x273: {  	[tilespmem:s2], [sflag:$0x4] =	stream.indirect_vreg.gather [hbm4b:s11+s29], $0x80, v3, vm0, $0xb8;
	[tilespmem:$0x1E900] =	vst v63  }
0x274: {  	_ =	swait.ge [sflag:s10], $0x6000  }
0x275: {  	[sflag:s10] =	ssyncset.done $0x0  }
0x276: {  	[sflag:s10] =	ssyncadd.s32 $0xFFFFA000  }
0x277: {  	v3 =	vld [tilespmem:$0x80];
	_ =	sdelay $0x4  }
0x278: {  	v62 =	vshrl.u32 v3, $0x3  }
0x279: {  	v4 =	vmul.u32 $0x30, v62  }
0x27a: {  	v3 =	vand.u32 $0x7, v3  }
0x27b: {  	v3 =	vor.u32 v3, v4  }
0x27c: {  	v4 =	vperm.xlane v3, v0;
	_ =	sdelay $0x1  }
0x27d: {  	v4 =	vadd.s32 v1, v4;
	_ =	sdelay $0x3  }
0x27e: {  	v3 =	vperm.xlane v3, v2  }
0x27f: {  	[tilespmem:s24], [sflag:$0x2] =	stream.indirect_vreg.gather [hbm4b:s1+s29], $0x80, v4, vm0, $0xb8;
	[tilespmem:$0x1E900] =	vst v63  }
0x280: {  	s3 =	simm.s32 $0x6B00;
	v3 =	vadd.s32 v1, v3  }
0x281: {  	[tilespmem:s3], [sflag:$0x2] =	stream.indirect_vreg.gather [hbm4b:s7+s29], $0x80, v4, vm0, $0xb8;
	[tilespmem:$0x1E900] =	vst v63  }
0x282: {  	s25 =	simm.s32 $0x7300  }
0x283: {  	[tilespmem:s25], [sflag:$0x2] =	stream.indirect_vreg.gather [hbm4b:s8+s29], $0x80, v4, vm0, $0xb8;
	[tilespmem:$0x1E900] =	vst v63  }
0x284: {  	s31 =	simm.s32 $0x7B00  }
0x285: {  	[tilespmem:s31], [sflag:$0x2] =	stream.indirect_vreg.gather [hbm4b:s1+s29], $0x80, v3, vm0, $0xb8;
	[tilespmem:$0x1E900] =	vst v63  }
0x286: {  	s2 =	simm.s32 $0x8300  }
0x287: {  	[tilespmem:s2], [sflag:$0x2] =	stream.indirect_vreg.gather [hbm4b:s7+s29], $0x80, v3, vm0, $0xb8;
	[tilespmem:$0x1E900] =	vst v63  }
0x288: {  	s3 =	simm.s32 $0x8B00  }
0x289: {  	[tilespmem:s3], [sflag:$0x2] =	stream.indirect_vreg.gather [hbm4b:s8+s29], $0x80, v3, vm0, $0xb8;
	[tilespmem:$0x1E900] =	vst v63  }
0x28a: {  	v3 =	vld [tilespmem:$0x90];
	_ =	sdelay $0x4  }
0x28b: {  	v63 =	vshrl.u32 v3, $0x3  }
0x28c: {  	v4 =	vmul.u32 $0x30, v63  }
0x28d: {  	v3 =	vand.u32 $0x7, v3  }
0x28e: {  	v3 =	vor.u32 v3, v4  }
0x28f: {  	v4 =	vperm.xlane v3, v0;
	_ =	sdelay $0x1  }
0x290: {  	v4 =	vadd.s32 v1, v4;
	_ =	sdelay $0x3  }
0x291: {  	s25 =	simm.s32 $0x9300;
	v3 =	vperm.xlane v3, v2  }
0x292: {  	[tilespmem:s25], [sflag:$0x2] =	stream.indirect_vreg.gather [hbm4b:s1+s29], $0x80, v4, vm0, $0xb8;
	[tilespmem:$0x1E900] =	vst v63  }
0x293: {  	s31 =	simm.s32 $0x9B00;
	v3 =	vadd.s32 v1, v3  }
0x294: {  	[tilespmem:s31], [sflag:$0x2] =	stream.indirect_vreg.gather [hbm4b:s7+s29], $0x80, v4, vm0, $0xb8;
	[tilespmem:$0x1E900] =	vst v63  }
0x295: {  	s2 =	simm.s32 $0xA300  }
0x296: {  	[tilespmem:s2], [sflag:$0x2] =	stream.indirect_vreg.gather [hbm4b:s8+s29], $0x80, v4, vm0, $0xb8;
	[tilespmem:$0x1E900] =	vst v63  }
0x297: {  	s3 =	simm.s32 $0xAB00  }
0x298: {  	[tilespmem:s3], [sflag:$0x2] =	stream.indirect_vreg.gather [hbm4b:s1+s29], $0x80, v3, vm0, $0xb8;
	[tilespmem:$0x1E900] =	vst v63  }
0x299: {  	s25 =	simm.s32 $0xB300  }
0x29a: {  	[tilespmem:s25], [sflag:$0x2] =	stream.indirect_vreg.gather [hbm4b:s7+s29], $0x80, v3, vm0, $0xb8;
	[tilespmem:$0x1E900] =	vst v63  }
0x29b: {  	s31 =	simm.s32 $0xBB00  }
0x29c: {  	[tilespmem:s31], [sflag:$0x2] =	stream.indirect_vreg.gather [hbm4b:s8+s29], $0x80, v3, vm0, $0xb8;
	[tilespmem:$0x1E900] =	vst v63  }
0x29d: {  	_ =	swait.ge [sflag:s13], $0x6000  }
0x29e: {  	[sflag:s13] =	ssyncset.done $0x0  }
0x29f: {  	[sflag:s13] =	ssyncadd.s32 $0xFFFFA000  }
0x2a0: {  	_ =	swait.ge [sflag:s17], $0x6000  }
0x2a1: {  	[sflag:s17] =	ssyncset.done $0x0  }
0x2a2: {  	s30 =	simm.s32 $0x0;
	[sflag:s17] =	ssyncadd.s32 $0xFFFFA000  }
.LBB2_14:
0x2a3: {  	s25 =	sand.u32 $0x10, s30  }
0x2a4: {  	v4 =	vld [tilespmem:s25+$0x260];
	s25 =	simm.s32 $0x1E380  }
0x2a5: {  	v5 =	vld [tilespmem:s25+$0xFFFFFFF0]  }
0x2a6: {  	v8 =	vld [tilespmem:s25+$0x70]  }
0x2a7: {  	v3 =	vld [tilespmem:s25+$0x0]  }
0x2a8: {  	v10 =	vld [tilespmem:s25+$0xFFFFFF90]  }
0x2a9: {  	v14 =	vld [tilespmem:s25+$0x10]  }
0x2aa: {  	s0 =	sshrl.u32 s30, $0x3;
	v15 =	vld [tilespmem:s25+$0xFFFFFFA0]  }
0x2ab: {  	s2 =	sand.u32 $0x7, s29;
	s0 =	smul.u32 $0x6000, s0;
	v18 =	vld [tilespmem:s25+$0x20]  }
0x2ac: {  	s2 =	sshll.u32 s2, $0x9;
	v19 =	vld [tilespmem:s25+$0xFFFFFFB0]  }
0x2ad: {  	v55 =	vld [tilespmem:s25+$0xFFFFFFC0];
	s0 =	sor.u32 s2, s0  }
0x2ae: {  	v23 =	vld [tilespmem:s25+$0x40];
	s3 =	sshra.s32 s0, $0x2  }
0x2af: {  	v60 =	vld [tilespmem:s25+$0x50];
	s31 =	sadd.s32 $0x340, s3  }
0x2b0: {  	s3 =	sadd.s32 $0x18340, s3;
	v6 =	vld [tilespmem:s31+$0x30]  }
0x2b1: {  	v7 =	vld [tilespmem:s3+$0x30]  }
0x2b2: {  	v9 =	vld [tilespmem:s31+$0xFFFFFFC0]  }
0x2b3: {  	v12 =	vld [tilespmem:s31+$0xFFFFFFD0]  }
0x2b4: {  	v13 =	vld [tilespmem:s3+$0xFFFFFFD0]  }
0x2b5: {  	v16 =	vld [tilespmem:s31+$0xFFFFFFE0]  }
0x2b6: {  	v17 =	vld [tilespmem:s3+$0xFFFFFFE0]  }
0x2b7: {  	v4 =	vcvt.s32.f32 v4;
	v20 =	vld [tilespmem:s31+$0xFFFFFFF0]  }
0x2b8: {  	v21 =	vmov s30;
	v22 =	vld [tilespmem:s3+$0xFFFFFFF0]  }
0x2b9: {  	v4 =	vperm.xlane v4, v21;
	v6 =	vadd.f32 v7, v6;
	v7 =	vsub.f32 v8, v5;
	v8 =	vld [tilespmem:s25+$0x30]  }
0x2ba: {  	v12 =	vadd.f32 v13, v12;
	v13 =	vsub.f32 v14, v10;
	v14 =	vld [tilespmem:s3+$0x0]  }
0x2bb: {  	v56 =	vsub.f32 v18, v15;
	v5 =	vadd.f32 v6, v5;
	v6 =	vmul.f32 v7, v4;
	v7 =	vld [tilespmem:s31+$0x0]  }
0x2bc: {  	v11 =	vld [tilespmem:s3+$0xFFFFFFC0];
	v62 =	vsub.f32 v23, v55;
	v10 =	vadd.f32 v12, v10;
	v12 =	vmul.f32 v13, v4  }
0x2bd: {  	v58 =	vld [tilespmem:s31+$0x10];
	v57 =	vadd.f32 v22, v20;
	v13 =	vadd.f32 v17, v16  }
0x2be: {  	v10 =	vadd.f32 v12, v10;
	v12 =	vld [tilespmem:s3+$0x10];
	v8 =	vsub.f32 v8, v19  }
0x2bf: {  	v5 =	vadd.f32 v6, v5;
	v6 =	vld [tilespmem:s25+$0xFFFFFFD0];
	v13 =	vadd.f32 v13, v15;
	v15 =	vmul.f32 v56, v4  }
0x2c0: {  	v59 =	vadd.f32 v57, v19;
	[tilespmem:s31+$0xFFFFFFD0] =	vst v10;
	v10 =	vld [tilespmem:s3+$0x20];
	v61 =	vmul.f32 v8, v4;
	v14 =	vadd.f32 v14, v7  }
0x2c1: {  	[tilespmem:s31+$0x30] =	vst v5;
	v13 =	vadd.f32 v15, v13;
	v5 =	vadd.f32 v11, v9;
	v11 =	vld [tilespmem:s25+$0x60]  }
0x2c2: {  	v63 =	vmul.f32 v62, v4;
	v8 =	vld [tilespmem:s31+$0x20];
	v15 =	vadd.f32 v61, v59;
	v14 =	vadd.f32 v14, v55  }
0x2c3: {  	v7 =	vld [tilespmem:s25+$0xFFFFFFE0];
	[tilespmem:s31+$0xFFFFFFE0] =	vst v13;
	v13 =	vadd.f32 v12, v58  }
0x2c4: {  	s2 =	simm.s32 $0x0;
	s0 =	smov.u32 s31;
	v9 =	vld [tilespmem:s25+$0xFFFFFF80];
	s25 =	simm.s32 $0x1E480;
	[tilespmem:s31+$0xFFFFFFF0] =	vst v15;
	v12 =	vadd.f32 v63, v14;
	v14 =	vsub.f32 v60, v6  }
.LBB2_15:
0x2c5: {  	v15 =	vld [tilespmem:s25+$0xFFFFFFF0];
	v6 =	vadd.f32 v13, v6;
	s31 =	sadd.s32 $0x400, s31  }
0x2c6: {  	s3 =	sadd.s32 $0x400, s3;
	v13 =	vld [tilespmem:s31+$0x30];
	[tilespmem:s0+$0x0] =	vst v12;
	v12 =	vmul.f32 v14, v4  }
0x2c7: {  	v14 =	vld [tilespmem:s3+$0x30];
	v8 =	vadd.f32 v10, v8  }
0x2c8: {  	s2 =	sadd.s32 $0x8, s2;
	v10 =	vld [tilespmem:s25+$0x70];
	v6 =	vadd.f32 v12, v6;
	v11 =	vsub.f32 v11, v7  }
0x2c9: {  	p0 =	slt.u32 s2, $0x28;
	v12 =	vld [tilespmem:s31+$0xFFFFFFC0];
	v5 =	vadd.f32 v5, v9;
	v9 =	vsub.f32 v3, v9  }
0x2ca: {  	v16 =	vld [tilespmem:s3+$0xFFFFFFC0];
	[tilespmem:s0+$0x10] =	vst v6;
	v6 =	vadd.f32 v8, v7;
	v7 =	vmul.f32 v11, v4  }
0x2cb: {  	v3 =	vld [tilespmem:s25+$0x0];
	v8 =	vmul.f32 v9, v4  }
0x2cc: {  	v9 =	vld [tilespmem:s25+$0xFFFFFF90];
	v6 =	vadd.f32 v7, v6  }
0x2cd: {  	v11 =	vadd.f32 v14, v13;
	v7 =	vld [tilespmem:s31+$0xFFFFFFD0];
	v10 =	vsub.f32 v10, v15  }
0x2ce: {  	v8 =	vadd.f32 v8, v5;
	v13 =	vld [tilespmem:s3+$0xFFFFFFD0];
	[tilespmem:s0+$0x20] =	vst v6  }
0x2cf: {  	v11 =	vadd.f32 v11, v15;
	v5 =	vadd.f32 v16, v12;
	v6 =	vld [tilespmem:s25+$0x10];
	v10 =	vmul.f32 v10, v4  }
0x2d0: {  	v12 =	vld [tilespmem:s25+$0xFFFFFFA0];
	[tilespmem:s0+$0xFFFFFFC0] =	vst v8;
	s0 =	smov.u32 s31  }
0x2d1: {  	v8 =	vld [tilespmem:s31+$0xFFFFFFE0];
	v10 =	vadd.f32 v10, v11  }
0x2d2: {  	v11 =	vld [tilespmem:s3+$0xFFFFFFE0]  }
0x2d3: {  	v7 =	vadd.f32 v13, v7;
	v13 =	vld [tilespmem:s25+$0x20];
	[tilespmem:s31+$0x30] =	vst v10  }
0x2d4: {  	v6 =	vsub.f32 v6, v9;
	v10 =	vld [tilespmem:s25+$0xFFFFFFB0]  }
0x2d5: {  	v7 =	vadd.f32 v7, v9;
	v9 =	vld [tilespmem:s31+$0xFFFFFFF0]  }
0x2d6: {  	v6 =	vmul.f32 v6, v4;
	v14 =	vld [tilespmem:s3+$0xFFFFFFF0]  }
0x2d7: {  	v8 =	vadd.f32 v11, v8;
	v11 =	vld [tilespmem:s25+$0x30]  }
0x2d8: {  	v6 =	vadd.f32 v6, v7;
	v7 =	vsub.f32 v13, v12;
	v13 =	vld [tilespmem:s25+$0xFFFFFFC0]  }
0x2d9: {  	v8 =	vadd.f32 v8, v12;
	v12 =	vld [tilespmem:s31+$0x0]  }
0x2da: {  	[tilespmem:s31+$0xFFFFFFD0] =	vst v6;
	v6 =	vmul.f32 v7, v4;
	v7 =	vld [tilespmem:s3+$0x0]  }
0x2db: {  	v9 =	vadd.f32 v14, v9;
	v14 =	vld [tilespmem:s25+$0x40]  }
0x2dc: {  	v8 =	vadd.f32 v6, v8;
	v11 =	vsub.f32 v11, v10;
	v6 =	vld [tilespmem:s25+$0xFFFFFFD0]  }
0x2dd: {  	v9 =	vadd.f32 v9, v10;
	v15 =	vld [tilespmem:s31+$0x10]  }
0x2de: {  	[tilespmem:s31+$0xFFFFFFE0] =	vst v8;
	v8 =	vmul.f32 v11, v4;
	v11 =	vld [tilespmem:s3+$0x10]  }
0x2df: {  	v10 =	vadd.f32 v7, v12;
	v16 =	vld [tilespmem:s25+$0x50]  }
.Ltmp6:
0x2e0: {  	v9 =	vadd.f32 v8, v9;
	v12 =	vsub.f32 v14, v13;
	v7 =	vld [tilespmem:s25+$0xFFFFFFE0];
	(pc) =	sbr.rel @p0 .LBB2_15-.Ltmp6, $4  }
0x2e1: {  	v14 =	vadd.f32 v10, v13;
	v8 =	vld [tilespmem:s31+$0x20]  }
0x2e2: {  	[tilespmem:s31+$0xFFFFFFF0] =	vst v9;
	v12 =	vmul.f32 v12, v4;
	v10 =	vld [tilespmem:s3+$0x20]  }
0x2e3: {  	v13 =	vadd.f32 v11, v15;
	v11 =	vld [tilespmem:s25+$0x60]  }
0x2e4: {  	v9 =	vld [tilespmem:s25+$0xFFFFFF80];
	v12 =	vadd.f32 v12, v14;
	v14 =	vsub.f32 v16, v6;
	s25 =	sadd.s32 $0x100, s25  }
0x2e5: {  	_ =	sdelay $0x2  }
0x2e6: {  	v8 =	vadd.f32 v10, v8;
	v59 =	vsub.f32 v11, v7  }
0x2e7: {  	v6 =	vadd.f32 v13, v6;
	s30 =	sadd.s32 $0x1, s30;
	v60 =	vmul.f32 v14, v4;
	v3 =	vsub.f32 v3, v9  }
0x2e8: {  	p0 =	sne.s32 s30, $0x20;
	v61 =	vadd.f32 v8, v7;
	v62 =	vmul.f32 v59, v4  }
.Ltmp7:
0x2e9: {  	v6 =	vadd.f32 v60, v6;
	v5 =	vadd.f32 v5, v9;
	v3 =	vmul.f32 v3, v4;
	(pc) =	sbr.rel @p0 .LBB2_14-.Ltmp7, $4  }
0x2ea: {  	[tilespmem:s0+$0x0] =	vst v12;
	v63 =	vadd.f32 v62, v61  }
0x2eb: {  	[tilespmem:s0+$0x10] =	vst v6;
	v3 =	vadd.f32 v3, v5  }
0x2ec: {  	[tilespmem:s0+$0x20] =	vst v63  }
0x2ed: {  	s29 =	sadd.s32 $0x1, s29;
	[tilespmem:s0+$0xFFFFFFC0] =	vst v3  }
0x2ee: {  	s29 =	simm.s32 $0x0;
	s0 =	rddreg [dreg:$0xa]  }
0x2ef: {  	[hbm4b:s0+s29] =	stream.linear.scatter [tilespmem:s22], [sflag:$0x6], $0x6000, $0x38;
	[tilespmem:$0x1E900] =	vst v63  }
0x2f0: {  	v3 =	vld [tilespmem:$0x1A0];
	_ =	sdelay $0x4  }
0x2f1: {  	v4 =	vshrl.u32 v3, $0x3  }
0x2f2: {  	v4 =	vmul.u32 $0x30, v4  }
0x2f3: {  	v3 =	vand.u32 $0x7, v3  }
0x2f4: {  	v3 =	vor.u32 v3, v4  }
0x2f5: {  	v4 =	vperm.xlane v3, v0;
	_ =	sdelay $0x1  }
0x2f6: {  	v4 =	vadd.s32 v1, v4;
	_ =	sdelay $0x3  }
0x2f7: {  	s3 =	simm.s32 $0x18300;
	v3 =	vperm.xlane v3, v2  }
0x2f8: {  	[tilespmem:s3], [sflag:$0x5] =	stream.indirect_vreg.gather [hbm4b:s4+s29], $0x80, v4, vm0, $0xb8;
	[tilespmem:$0x1E900] =	vst v63  }
0x2f9: {  	s25 =	simm.s32 $0x18B00;
	v3 =	vadd.s32 v1, v3  }
0x2fa: {  	[tilespmem:s25], [sflag:$0x5] =	stream.indirect_vreg.gather [hbm4b:s9+s29], $0x80, v4, vm0, $0xb8;
	[tilespmem:$0x1E900] =	vst v63  }
0x2fb: {  	s31 =	simm.s32 $0x19300  }
0x2fc: {  	[tilespmem:s31], [sflag:$0x5] =	stream.indirect_vreg.gather [hbm4b:s11+s29], $0x80, v4, vm0, $0xb8;
	[tilespmem:$0x1E900] =	vst v63  }
0x2fd: {  	s2 =	simm.s32 $0x19B00  }
0x2fe: {  	[tilespmem:s2], [sflag:$0x5] =	stream.indirect_vreg.gather [hbm4b:s4+s29], $0x80, v3, vm0, $0xb8;
	[tilespmem:$0x1E900] =	vst v63  }
0x2ff: {  	s3 =	simm.s32 $0x1A300  }
0x300: {  	[tilespmem:s3], [sflag:$0x5] =	stream.indirect_vreg.gather [hbm4b:s9+s29], $0x80, v3, vm0, $0xb8;
	[tilespmem:$0x1E900] =	vst v63  }
0x301: {  	s25 =	simm.s32 $0x1AB00  }
0x302: {  	[tilespmem:s25], [sflag:$0x5] =	stream.indirect_vreg.gather [hbm4b:s11+s29], $0x80, v3, vm0, $0xb8;
	[tilespmem:$0x1E900] =	vst v63  }
0x303: {  	v3 =	vld [tilespmem:$0x1B0];
	_ =	sdelay $0x4  }
0x304: {  	v61 =	vshrl.u32 v3, $0x3  }
0x305: {  	v4 =	vmul.u32 $0x30, v61  }
0x306: {  	v3 =	vand.u32 $0x7, v3  }
0x307: {  	v3 =	vor.u32 v3, v4  }
0x308: {  	v4 =	vperm.xlane v3, v0;
	_ =	sdelay $0x1  }
0x309: {  	v4 =	vadd.s32 v1, v4;
	_ =	sdelay $0x3  }
0x30a: {  	s31 =	simm.s32 $0x1B300;
	v3 =	vperm.xlane v3, v2  }
0x30b: {  	[tilespmem:s31], [sflag:$0x5] =	stream.indirect_vreg.gather [hbm4b:s4+s29], $0x80, v4, vm0, $0xb8;
	[tilespmem:$0x1E900] =	vst v63  }
0x30c: {  	s2 =	simm.s32 $0x1BB00;
	v3 =	vadd.s32 v1, v3  }
0x30d: {  	[tilespmem:s2], [sflag:$0x5] =	stream.indirect_vreg.gather [hbm4b:s9+s29], $0x80, v4, vm0, $0xb8;
	[tilespmem:$0x1E900] =	vst v63  }
0x30e: {  	_ = 	snop  }
0x30f: {  	[tilespmem:s26], [sflag:$0x5] =	stream.indirect_vreg.gather [hbm4b:s11+s29], $0x80, v4, vm0, $0xb8;
	[tilespmem:$0x1E900] =	vst v63  }
0x310: {  	_ = 	snop  }
0x311: {  	[tilespmem:s21], [sflag:$0x5] =	stream.indirect_vreg.gather [hbm4b:s4+s29], $0x80, v3, vm0, $0xb8;
	[tilespmem:$0x1E900] =	vst v63  }
0x312: {  	_ = 	snop  }
0x313: {  	[tilespmem:s6], [sflag:$0x5] =	stream.indirect_vreg.gather [hbm4b:s9+s29], $0x80, v3, vm0, $0xb8;
	[tilespmem:$0x1E900] =	vst v63  }
0x314: {  	_ = 	snop  }
0x315: {  	[tilespmem:s12], [sflag:$0x5] =	stream.indirect_vreg.gather [hbm4b:s11+s29], $0x80, v3, vm0, $0xb8;
	[tilespmem:$0x1E900] =	vst v63  }
0x316: {  	_ =	swait.ge [sflag:s23], $0x6000  }
0x317: {  	[sflag:s23] =	ssyncset.done $0x0  }
0x318: {  	[sflag:s23] =	ssyncadd.s32 $0xFFFFA000  }
0x319: {  	v3 =	vld [tilespmem:$0xA0];
	_ =	sdelay $0x4  }
0x31a: {  	v62 =	vshrl.u32 v3, $0x3  }
0x31b: {  	v4 =	vmul.u32 $0x30, v62  }
0x31c: {  	v3 =	vand.u32 $0x7, v3  }
0x31d: {  	v3 =	vor.u32 v3, v4  }
0x31e: {  	v4 =	vperm.xlane v3, v0;
	_ =	sdelay $0x1  }
0x31f: {  	v4 =	vadd.s32 v1, v4;
	_ =	sdelay $0x3  }
0x320: {  	v3 =	vperm.xlane v3, v2  }
0x321: {  	[tilespmem:s15], [sflag:$0x3] =	stream.indirect_vreg.gather [hbm4b:s1+s29], $0x80, v4, vm0, $0xb8;
	[tilespmem:$0x1E900] =	vst v63  }
0x322: {  	s3 =	simm.s32 $0xCB00;
	v3 =	vadd.s32 v1, v3  }
0x323: {  	[tilespmem:s3], [sflag:$0x3] =	stream.indirect_vreg.gather [hbm4b:s7+s29], $0x80, v4, vm0, $0xb8;
	[tilespmem:$0x1E900] =	vst v63  }
0x324: {  	s25 =	simm.s32 $0xD300  }
0x325: {  	[tilespmem:s25], [sflag:$0x3] =	stream.indirect_vreg.gather [hbm4b:s8+s29], $0x80, v4, vm0, $0xb8;
	[tilespmem:$0x1E900] =	vst v63  }
0x326: {  	s31 =	simm.s32 $0xDB00  }
0x327: {  	[tilespmem:s31], [sflag:$0x3] =	stream.indirect_vreg.gather [hbm4b:s1+s29], $0x80, v3, vm0, $0xb8;
	[tilespmem:$0x1E900] =	vst v63  }
0x328: {  	s2 =	simm.s32 $0xE300  }
0x329: {  	[tilespmem:s2], [sflag:$0x3] =	stream.indirect_vreg.gather [hbm4b:s7+s29], $0x80, v3, vm0, $0xb8;
	[tilespmem:$0x1E900] =	vst v63  }
0x32a: {  	s3 =	simm.s32 $0xEB00  }
0x32b: {  	[tilespmem:s3], [sflag:$0x3] =	stream.indirect_vreg.gather [hbm4b:s8+s29], $0x80, v3, vm0, $0xb8;
	[tilespmem:$0x1E900] =	vst v63  }
0x32c: {  	v3 =	vld [tilespmem:$0xB0];
	_ =	sdelay $0x4  }
0x32d: {  	v63 =	vshrl.u32 v3, $0x3  }
0x32e: {  	v4 =	vmul.u32 $0x30, v63  }
0x32f: {  	v3 =	vand.u32 $0x7, v3  }
0x330: {  	v3 =	vor.u32 v3, v4  }
0x331: {  	v4 =	vperm.xlane v3, v0;
	_ =	sdelay $0x1  }
0x332: {  	v4 =	vadd.s32 v1, v4;
	_ =	sdelay $0x3  }
0x333: {  	s25 =	simm.s32 $0xF300;
	v3 =	vperm.xlane v3, v2  }
0x334: {  	[tilespmem:s25], [sflag:$0x3] =	stream.indirect_vreg.gather [hbm4b:s1+s29], $0x80, v4, vm0, $0xb8;
	[tilespmem:$0x1E900] =	vst v63  }
0x335: {  	s31 =	simm.s32 $0xFB00;
	v3 =	vadd.s32 v1, v3  }
0x336: {  	[tilespmem:s31], [sflag:$0x3] =	stream.indirect_vreg.gather [hbm4b:s7+s29], $0x80, v4, vm0, $0xb8;
	[tilespmem:$0x1E900] =	vst v63  }
0x337: {  	s2 =	simm.s32 $0x10300  }
0x338: {  	[tilespmem:s2], [sflag:$0x3] =	stream.indirect_vreg.gather [hbm4b:s8+s29], $0x80, v4, vm0, $0xb8;
	[tilespmem:$0x1E900] =	vst v63  }
0x339: {  	s3 =	simm.s32 $0x10B00  }
0x33a: {  	[tilespmem:s3], [sflag:$0x3] =	stream.indirect_vreg.gather [hbm4b:s1+s29], $0x80, v3, vm0, $0xb8;
	[tilespmem:$0x1E900] =	vst v63  }
0x33b: {  	s25 =	simm.s32 $0x11300  }
0x33c: {  	[tilespmem:s25], [sflag:$0x3] =	stream.indirect_vreg.gather [hbm4b:s7+s29], $0x80, v3, vm0, $0xb8;
	[tilespmem:$0x1E900] =	vst v63  }
0x33d: {  	s31 =	simm.s32 $0x11B00  }
0x33e: {  	[tilespmem:s31], [sflag:$0x3] =	stream.indirect_vreg.gather [hbm4b:s8+s29], $0x80, v3, vm0, $0xb8;
	[tilespmem:$0x1E900] =	vst v63  }
0x33f: {  	_ =	swait.ge [sflag:s16], $0x6000  }
0x340: {  	[sflag:s16] =	ssyncset.done $0x0  }
0x341: {  	[sflag:s16] =	ssyncadd.s32 $0xFFFFA000  }
0x342: {  	_ =	swait.ge [sflag:s14], $0x6000  }
0x343: {  	[sflag:s14] =	ssyncset.done $0x0  }
0x344: {  	s30 =	simm.s32 $0x0;
	[sflag:s14] =	ssyncadd.s32 $0xFFFFA000  }
.LBB2_18:
0x345: {  	s25 =	sand.u32 $0x10, s30  }
0x346: {  	v4 =	vld [tilespmem:s25+$0x280];
	s25 =	simm.s32 $0x1E380  }
0x347: {  	v5 =	vld [tilespmem:s25+$0xFFFFFFF0]  }
0x348: {  	v8 =	vld [tilespmem:s25+$0x70]  }
0x349: {  	v3 =	vld [tilespmem:s25+$0x0]  }
0x34a: {  	v10 =	vld [tilespmem:s25+$0xFFFFFF90]  }
0x34b: {  	v14 =	vld [tilespmem:s25+$0x10]  }
0x34c: {  	s0 =	sshrl.u32 s30, $0x3;
	v15 =	vld [tilespmem:s25+$0xFFFFFFA0]  }
0x34d: {  	s2 =	sand.u32 $0x7, s29;
	s0 =	smul.u32 $0x6000, s0;
	v18 =	vld [tilespmem:s25+$0x20]  }
0x34e: {  	s2 =	sshll.u32 s2, $0x9;
	v19 =	vld [tilespmem:s25+$0xFFFFFFB0]  }
0x34f: {  	v55 =	vld [tilespmem:s25+$0xFFFFFFC0];
	s0 =	sor.u32 s2, s0  }
0x350: {  	v23 =	vld [tilespmem:s25+$0x40];
	s3 =	sshra.s32 s0, $0x2  }
0x351: {  	v60 =	vld [tilespmem:s25+$0x50];
	s31 =	sadd.s32 $0x6340, s3  }
0x352: {  	s3 =	sadd.s32 $0x12340, s3;
	v6 =	vld [tilespmem:s31+$0x30]  }
0x353: {  	v7 =	vld [tilespmem:s3+$0x30]  }
0x354: {  	v9 =	vld [tilespmem:s31+$0xFFFFFFC0]  }
0x355: {  	v12 =	vld [tilespmem:s31+$0xFFFFFFD0]  }
0x356: {  	v13 =	vld [tilespmem:s3+$0xFFFFFFD0]  }
0x357: {  	v16 =	vld [tilespmem:s31+$0xFFFFFFE0]  }
0x358: {  	v17 =	vld [tilespmem:s3+$0xFFFFFFE0]  }
0x359: {  	v4 =	vcvt.s32.f32 v4;
	v20 =	vld [tilespmem:s31+$0xFFFFFFF0]  }
0x35a: {  	v21 =	vmov s30;
	v22 =	vld [tilespmem:s3+$0xFFFFFFF0]  }
0x35b: {  	v4 =	vperm.xlane v4, v21;
	v6 =	vadd.f32 v7, v6;
	v7 =	vsub.f32 v8, v5;
	v8 =	vld [tilespmem:s25+$0x30]  }
0x35c: {  	v12 =	vadd.f32 v13, v12;
	v13 =	vsub.f32 v14, v10;
	v14 =	vld [tilespmem:s3+$0x0]  }
0x35d: {  	v56 =	vsub.f32 v18, v15;
	v5 =	vadd.f32 v6, v5;
	v6 =	vmul.f32 v7, v4;
	v7 =	vld [tilespmem:s31+$0x0]  }
0x35e: {  	v11 =	vld [tilespmem:s3+$0xFFFFFFC0];
	v62 =	vsub.f32 v23, v55;
	v10 =	vadd.f32 v12, v10;
	v12 =	vmul.f32 v13, v4  }
0x35f: {  	v58 =	vld [tilespmem:s31+$0x10];
	v57 =	vadd.f32 v22, v20;
	v13 =	vadd.f32 v17, v16  }
0x360: {  	v10 =	vadd.f32 v12, v10;
	v12 =	vld [tilespmem:s3+$0x10];
	v8 =	vsub.f32 v8, v19  }
0x361: {  	v5 =	vadd.f32 v6, v5;
	v6 =	vld [tilespmem:s25+$0xFFFFFFD0];
	v13 =	vadd.f32 v13, v15;
	v15 =	vmul.f32 v56, v4  }
0x362: {  	v59 =	vadd.f32 v57, v19;
	[tilespmem:s31+$0xFFFFFFD0] =	vst v10;
	v10 =	vld [tilespmem:s3+$0x20];
	v61 =	vmul.f32 v8, v4;
	v14 =	vadd.f32 v14, v7  }
0x363: {  	[tilespmem:s31+$0x30] =	vst v5;
	v13 =	vadd.f32 v15, v13;
	v5 =	vadd.f32 v11, v9;
	v11 =	vld [tilespmem:s25+$0x60]  }
0x364: {  	v63 =	vmul.f32 v62, v4;
	v8 =	vld [tilespmem:s31+$0x20];
	v15 =	vadd.f32 v61, v59;
	v14 =	vadd.f32 v14, v55  }
0x365: {  	v7 =	vld [tilespmem:s25+$0xFFFFFFE0];
	[tilespmem:s31+$0xFFFFFFE0] =	vst v13;
	v13 =	vadd.f32 v12, v58  }
0x366: {  	s2 =	simm.s32 $0x0;
	s0 =	smov.u32 s31;
	v9 =	vld [tilespmem:s25+$0xFFFFFF80];
	s25 =	simm.s32 $0x1E480;
	[tilespmem:s31+$0xFFFFFFF0] =	vst v15;
	v12 =	vadd.f32 v63, v14;
	v14 =	vsub.f32 v60, v6  }
.LBB2_19:
0x367: {  	v15 =	vld [tilespmem:s25+$0xFFFFFFF0];
	v6 =	vadd.f32 v13, v6;
	s31 =	sadd.s32 $0x400, s31  }
0x368: {  	s3 =	sadd.s32 $0x400, s3;
	v13 =	vld [tilespmem:s31+$0x30];
	[tilespmem:s0+$0x0] =	vst v12;
	v12 =	vmul.f32 v14, v4  }
0x369: {  	v14 =	vld [tilespmem:s3+$0x30];
	v8 =	vadd.f32 v10, v8  }
0x36a: {  	s2 =	sadd.s32 $0x8, s2;
	v10 =	vld [tilespmem:s25+$0x70];
	v6 =	vadd.f32 v12, v6;
	v11 =	vsub.f32 v11, v7  }
0x36b: {  	p0 =	slt.u32 s2, $0x28;
	v12 =	vld [tilespmem:s31+$0xFFFFFFC0];
	v5 =	vadd.f32 v5, v9;
	v9 =	vsub.f32 v3, v9  }
0x36c: {  	v16 =	vld [tilespmem:s3+$0xFFFFFFC0];
	[tilespmem:s0+$0x10] =	vst v6;
	v6 =	vadd.f32 v8, v7;
	v7 =	vmul.f32 v11, v4  }
0x36d: {  	v3 =	vld [tilespmem:s25+$0x0];
	v8 =	vmul.f32 v9, v4  }
0x36e: {  	v9 =	vld [tilespmem:s25+$0xFFFFFF90];
	v6 =	vadd.f32 v7, v6  }
0x36f: {  	v11 =	vadd.f32 v14, v13;
	v7 =	vld [tilespmem:s31+$0xFFFFFFD0];
	v10 =	vsub.f32 v10, v15  }
0x370: {  	v8 =	vadd.f32 v8, v5;
	v13 =	vld [tilespmem:s3+$0xFFFFFFD0];
	[tilespmem:s0+$0x20] =	vst v6  }
0x371: {  	v11 =	vadd.f32 v11, v15;
	v5 =	vadd.f32 v16, v12;
	v6 =	vld [tilespmem:s25+$0x10];
	v10 =	vmul.f32 v10, v4  }
0x372: {  	v12 =	vld [tilespmem:s25+$0xFFFFFFA0];
	[tilespmem:s0+$0xFFFFFFC0] =	vst v8;
	s0 =	smov.u32 s31  }
0x373: {  	v8 =	vld [tilespmem:s31+$0xFFFFFFE0];
	v10 =	vadd.f32 v10, v11  }
0x374: {  	v11 =	vld [tilespmem:s3+$0xFFFFFFE0]  }
0x375: {  	v7 =	vadd.f32 v13, v7;
	v13 =	vld [tilespmem:s25+$0x20];
	[tilespmem:s31+$0x30] =	vst v10  }
0x376: {  	v6 =	vsub.f32 v6, v9;
	v10 =	vld [tilespmem:s25+$0xFFFFFFB0]  }
0x377: {  	v7 =	vadd.f32 v7, v9;
	v9 =	vld [tilespmem:s31+$0xFFFFFFF0]  }
0x378: {  	v6 =	vmul.f32 v6, v4;
	v14 =	vld [tilespmem:s3+$0xFFFFFFF0]  }
0x379: {  	v8 =	vadd.f32 v11, v8;
	v11 =	vld [tilespmem:s25+$0x30]  }
0x37a: {  	v6 =	vadd.f32 v6, v7;
	v7 =	vsub.f32 v13, v12;
	v13 =	vld [tilespmem:s25+$0xFFFFFFC0]  }
0x37b: {  	v8 =	vadd.f32 v8, v12;
	v12 =	vld [tilespmem:s31+$0x0]  }
0x37c: {  	[tilespmem:s31+$0xFFFFFFD0] =	vst v6;
	v6 =	vmul.f32 v7, v4;
	v7 =	vld [tilespmem:s3+$0x0]  }
0x37d: {  	v9 =	vadd.f32 v14, v9;
	v14 =	vld [tilespmem:s25+$0x40]  }
0x37e: {  	v8 =	vadd.f32 v6, v8;
	v11 =	vsub.f32 v11, v10;
	v6 =	vld [tilespmem:s25+$0xFFFFFFD0]  }
0x37f: {  	v9 =	vadd.f32 v9, v10;
	v15 =	vld [tilespmem:s31+$0x10]  }
0x380: {  	[tilespmem:s31+$0xFFFFFFE0] =	vst v8;
	v8 =	vmul.f32 v11, v4;
	v11 =	vld [tilespmem:s3+$0x10]  }
0x381: {  	v10 =	vadd.f32 v7, v12;
	v16 =	vld [tilespmem:s25+$0x50]  }
.Ltmp8:
0x382: {  	v9 =	vadd.f32 v8, v9;
	v12 =	vsub.f32 v14, v13;
	v7 =	vld [tilespmem:s25+$0xFFFFFFE0];
	(pc) =	sbr.rel @p0 .LBB2_19-.Ltmp8, $4  }
0x383: {  	v14 =	vadd.f32 v10, v13;
	v8 =	vld [tilespmem:s31+$0x20]  }
0x384: {  	[tilespmem:s31+$0xFFFFFFF0] =	vst v9;
	v12 =	vmul.f32 v12, v4;
	v10 =	vld [tilespmem:s3+$0x20]  }
0x385: {  	v13 =	vadd.f32 v11, v15;
	v11 =	vld [tilespmem:s25+$0x60]  }
0x386: {  	v9 =	vld [tilespmem:s25+$0xFFFFFF80];
	v12 =	vadd.f32 v12, v14;
	v14 =	vsub.f32 v16, v6;
	s25 =	sadd.s32 $0x100, s25  }
0x387: {  	_ =	sdelay $0x2  }
0x388: {  	v8 =	vadd.f32 v10, v8;
	v59 =	vsub.f32 v11, v7  }
0x389: {  	v6 =	vadd.f32 v13, v6;
	s30 =	sadd.s32 $0x1, s30;
	v60 =	vmul.f32 v14, v4;
	v3 =	vsub.f32 v3, v9  }
0x38a: {  	p0 =	sne.s32 s30, $0x20;
	v61 =	vadd.f32 v8, v7;
	v62 =	vmul.f32 v59, v4  }
.Ltmp9:
0x38b: {  	v6 =	vadd.f32 v60, v6;
	v5 =	vadd.f32 v5, v9;
	v3 =	vmul.f32 v3, v4;
	(pc) =	sbr.rel @p0 .LBB2_18-.Ltmp9, $4  }
0x38c: {  	[tilespmem:s0+$0x0] =	vst v12;
	v63 =	vadd.f32 v62, v61  }
0x38d: {  	[tilespmem:s0+$0x10] =	vst v6;
	v3 =	vadd.f32 v3, v5  }
0x38e: {  	[tilespmem:s0+$0x20] =	vst v63  }
0x38f: {  	s29 =	sadd.s32 $0x1, s29;
	[tilespmem:s0+$0xFFFFFFC0] =	vst v3  }
0x390: {  	s29 =	simm.s32 $0x0;
	s0 =	rddreg [dreg:$0xb]  }
0x391: {  	[hbm4b:s0+s29] =	stream.linear.scatter [tilespmem:s24], [sflag:$0x7], $0x6000, $0x38;
	[tilespmem:$0x1E900] =	vst v63  }
0x392: {  	v3 =	vld [tilespmem:$0x1C0];
	_ =	sdelay $0x4  }
0x393: {  	v4 =	vshrl.u32 v3, $0x3  }
0x394: {  	v4 =	vmul.u32 $0x30, v4  }
0x395: {  	v3 =	vand.u32 $0x7, v3  }
0x396: {  	v3 =	vor.u32 v3, v4  }
0x397: {  	v4 =	vperm.xlane v3, v0;
	_ =	sdelay $0x1  }
0x398: {  	v4 =	vadd.s32 v1, v4;
	_ =	sdelay $0x3  }
0x399: {  	s3 =	simm.s32 $0x12300;
	v3 =	vperm.xlane v3, v2  }
0x39a: {  	[tilespmem:s3], [sflag:$0x4] =	stream.indirect_vreg.gather [hbm4b:s4+s29], $0x80, v4, vm0, $0xb8;
	[tilespmem:$0x1E900] =	vst v63  }
0x39b: {  	s25 =	simm.s32 $0x12B00;
	v3 =	vadd.s32 v1, v3  }
0x39c: {  	[tilespmem:s25], [sflag:$0x4] =	stream.indirect_vreg.gather [hbm4b:s9+s29], $0x80, v4, vm0, $0xb8;
	[tilespmem:$0x1E900] =	vst v63  }
0x39d: {  	s31 =	simm.s32 $0x13300  }
0x39e: {  	[tilespmem:s31], [sflag:$0x4] =	stream.indirect_vreg.gather [hbm4b:s11+s29], $0x80, v4, vm0, $0xb8;
	[tilespmem:$0x1E900] =	vst v63  }
0x39f: {  	s2 =	simm.s32 $0x13B00  }
0x3a0: {  	[tilespmem:s2], [sflag:$0x4] =	stream.indirect_vreg.gather [hbm4b:s4+s29], $0x80, v3, vm0, $0xb8;
	[tilespmem:$0x1E900] =	vst v63  }
0x3a1: {  	s3 =	simm.s32 $0x14300  }
0x3a2: {  	[tilespmem:s3], [sflag:$0x4] =	stream.indirect_vreg.gather [hbm4b:s9+s29], $0x80, v3, vm0, $0xb8;
	[tilespmem:$0x1E900] =	vst v63  }
0x3a3: {  	s25 =	simm.s32 $0x14B00  }
0x3a4: {  	[tilespmem:s25], [sflag:$0x4] =	stream.indirect_vreg.gather [hbm4b:s11+s29], $0x80, v3, vm0, $0xb8;
	[tilespmem:$0x1E900] =	vst v63  }
0x3a5: {  	v3 =	vld [tilespmem:$0x1D0];
	_ =	sdelay $0x4  }
0x3a6: {  	v61 =	vshrl.u32 v3, $0x3  }
0x3a7: {  	v4 =	vmul.u32 $0x30, v61  }
0x3a8: {  	v3 =	vand.u32 $0x7, v3  }
0x3a9: {  	v3 =	vor.u32 v3, v4  }
0x3aa: {  	v4 =	vperm.xlane v3, v0;
	_ =	sdelay $0x1  }
0x3ab: {  	v4 =	vadd.s32 v1, v4;
	_ =	sdelay $0x3  }
0x3ac: {  	s31 =	simm.s32 $0x15300;
	v3 =	vperm.xlane v3, v2  }
0x3ad: {  	[tilespmem:s31], [sflag:$0x4] =	stream.indirect_vreg.gather [hbm4b:s4+s29], $0x80, v4, vm0, $0xb8;
	[tilespmem:$0x1E900] =	vst v63  }
0x3ae: {  	s2 =	simm.s32 $0x15B00;
	v3 =	vadd.s32 v1, v3  }
0x3af: {  	[tilespmem:s2], [sflag:$0x4] =	stream.indirect_vreg.gather [hbm4b:s9+s29], $0x80, v4, vm0, $0xb8;
	[tilespmem:$0x1E900] =	vst v63  }
0x3b0: {  	s3 =	simm.s32 $0x16300  }
0x3b1: {  	[tilespmem:s3], [sflag:$0x4] =	stream.indirect_vreg.gather [hbm4b:s11+s29], $0x80, v4, vm0, $0xb8;
	[tilespmem:$0x1E900] =	vst v63  }
0x3b2: {  	s25 =	simm.s32 $0x16B00  }
0x3b3: {  	[tilespmem:s25], [sflag:$0x4] =	stream.indirect_vreg.gather [hbm4b:s4+s29], $0x80, v3, vm0, $0xb8;
	[tilespmem:$0x1E900] =	vst v63  }
0x3b4: {  	s31 =	simm.s32 $0x17300  }
0x3b5: {  	[tilespmem:s31], [sflag:$0x4] =	stream.indirect_vreg.gather [hbm4b:s9+s29], $0x80, v3, vm0, $0xb8;
	[tilespmem:$0x1E900] =	vst v63  }
0x3b6: {  	s2 =	simm.s32 $0x17B00  }
0x3b7: {  	[tilespmem:s2], [sflag:$0x4] =	stream.indirect_vreg.gather [hbm4b:s11+s29], $0x80, v3, vm0, $0xb8;
	[tilespmem:$0x1E900] =	vst v63  }
0x3b8: {  	_ =	swait.ge [sflag:s18], $0x6000  }
0x3b9: {  	[sflag:s18] =	ssyncset.done $0x0  }
0x3ba: {  	[sflag:s18] =	ssyncadd.s32 $0xFFFFA000  }
0x3bb: {  	v3 =	vld [tilespmem:$0xC0];
	_ =	sdelay $0x4  }
0x3bc: {  	v62 =	vshrl.u32 v3, $0x3  }
0x3bd: {  	v4 =	vmul.u32 $0x30, v62  }
0x3be: {  	v3 =	vand.u32 $0x7, v3  }
0x3bf: {  	v3 =	vor.u32 v3, v4  }
0x3c0: {  	v4 =	vperm.xlane v3, v0;
	_ =	sdelay $0x1  }
0x3c1: {  	v4 =	vadd.s32 v1, v4;
	_ =	sdelay $0x3  }
0x3c2: {  	v3 =	vperm.xlane v3, v2  }
0x3c3: {  	[tilespmem:s22], [sflag:$0x1] =	stream.indirect_vreg.gather [hbm4b:s1+s29], $0x80, v4, vm0, $0xb8;
	[tilespmem:$0x1E900] =	vst v63  }
0x3c4: {  	s3 =	simm.s32 $0xB00;
	v3 =	vadd.s32 v1, v3  }
0x3c5: {  	[tilespmem:s3], [sflag:$0x1] =	stream.indirect_vreg.gather [hbm4b:s7+s29], $0x80, v4, vm0, $0xb8;
	[tilespmem:$0x1E900] =	vst v63  }
0x3c6: {  	s25 =	simm.s32 $0x1300  }
0x3c7: {  	[tilespmem:s25], [sflag:$0x1] =	stream.indirect_vreg.gather [hbm4b:s8+s29], $0x80, v4, vm0, $0xb8;
	[tilespmem:$0x1E900] =	vst v63  }
0x3c8: {  	s31 =	simm.s32 $0x1B00  }
0x3c9: {  	[tilespmem:s31], [sflag:$0x1] =	stream.indirect_vreg.gather [hbm4b:s1+s29], $0x80, v3, vm0, $0xb8;
	[tilespmem:$0x1E900] =	vst v63  }
0x3ca: {  	s2 =	simm.s32 $0x2300  }
0x3cb: {  	[tilespmem:s2], [sflag:$0x1] =	stream.indirect_vreg.gather [hbm4b:s7+s29], $0x80, v3, vm0, $0xb8;
	[tilespmem:$0x1E900] =	vst v63  }
0x3cc: {  	s3 =	simm.s32 $0x2B00  }
0x3cd: {  	[tilespmem:s3], [sflag:$0x1] =	stream.indirect_vreg.gather [hbm4b:s8+s29], $0x80, v3, vm0, $0xb8;
	[tilespmem:$0x1E900] =	vst v63  }
0x3ce: {  	v3 =	vld [tilespmem:$0xD0];
	_ =	sdelay $0x4  }
0x3cf: {  	v63 =	vshrl.u32 v3, $0x3  }
0x3d0: {  	v4 =	vmul.u32 $0x30, v63  }
0x3d1: {  	v3 =	vand.u32 $0x7, v3  }
0x3d2: {  	v3 =	vor.u32 v3, v4  }
0x3d3: {  	v4 =	vperm.xlane v3, v0;
	_ =	sdelay $0x1  }
0x3d4: {  	v4 =	vadd.s32 v1, v4;
	_ =	sdelay $0x3  }
0x3d5: {  	s25 =	simm.s32 $0x3300;
	v3 =	vperm.xlane v3, v2  }
0x3d6: {  	[tilespmem:s25], [sflag:$0x1] =	stream.indirect_vreg.gather [hbm4b:s1+s29], $0x80, v4, vm0, $0xb8;
	[tilespmem:$0x1E900] =	vst v63  }
0x3d7: {  	s31 =	simm.s32 $0x3B00;
	v3 =	vadd.s32 v1, v3  }
0x3d8: {  	[tilespmem:s31], [sflag:$0x1] =	stream.indirect_vreg.gather [hbm4b:s7+s29], $0x80, v4, vm0, $0xb8;
	[tilespmem:$0x1E900] =	vst v63  }
0x3d9: {  	s2 =	simm.s32 $0x4300  }
0x3da: {  	[tilespmem:s2], [sflag:$0x1] =	stream.indirect_vreg.gather [hbm4b:s8+s29], $0x80, v4, vm0, $0xb8;
	[tilespmem:$0x1E900] =	vst v63  }
0x3db: {  	s3 =	simm.s32 $0x4B00  }
0x3dc: {  	[tilespmem:s3], [sflag:$0x1] =	stream.indirect_vreg.gather [hbm4b:s1+s29], $0x80, v3, vm0, $0xb8;
	[tilespmem:$0x1E900] =	vst v63  }
0x3dd: {  	s25 =	simm.s32 $0x5300  }
0x3de: {  	[tilespmem:s25], [sflag:$0x1] =	stream.indirect_vreg.gather [hbm4b:s7+s29], $0x80, v3, vm0, $0xb8;
	[tilespmem:$0x1E900] =	vst v63  }
0x3df: {  	s31 =	simm.s32 $0x5B00  }
0x3e0: {  	[tilespmem:s31], [sflag:$0x1] =	stream.indirect_vreg.gather [hbm4b:s8+s29], $0x80, v3, vm0, $0xb8;
	[tilespmem:$0x1E900] =	vst v63  }
0x3e1: {  	_ =	swait.ge [sflag:s19], $0x6000  }
0x3e2: {  	[sflag:s19] =	ssyncset.done $0x0  }
0x3e3: {  	[sflag:s19] =	ssyncadd.s32 $0xFFFFA000  }
0x3e4: {  	_ =	swait.ge [sflag:s17], $0x6000  }
0x3e5: {  	[sflag:s17] =	ssyncset.done $0x0  }
0x3e6: {  	s30 =	simm.s32 $0x0;
	[sflag:s17] =	ssyncadd.s32 $0xFFFFA000  }
.LBB2_22:
0x3e7: {  	s25 =	sand.u32 $0x10, s30  }
0x3e8: {  	v4 =	vld [tilespmem:s25+$0x2A0];
	s25 =	simm.s32 $0x1E380  }
0x3e9: {  	v5 =	vld [tilespmem:s25+$0xFFFFFFF0]  }
0x3ea: {  	v8 =	vld [tilespmem:s25+$0x70]  }
0x3eb: {  	v3 =	vld [tilespmem:s25+$0x0]  }
0x3ec: {  	v10 =	vld [tilespmem:s25+$0xFFFFFF90]  }
0x3ed: {  	v14 =	vld [tilespmem:s25+$0x10]  }
0x3ee: {  	s0 =	sshrl.u32 s30, $0x3;
	v15 =	vld [tilespmem:s25+$0xFFFFFFA0]  }
0x3ef: {  	s2 =	sand.u32 $0x7, s29;
	s0 =	smul.u32 $0x6000, s0;
	v18 =	vld [tilespmem:s25+$0x20]  }
0x3f0: {  	s2 =	sshll.u32 s2, $0x9;
	v19 =	vld [tilespmem:s25+$0xFFFFFFB0]  }
0x3f1: {  	v55 =	vld [tilespmem:s25+$0xFFFFFFC0];
	s0 =	sor.u32 s2, s0  }
0x3f2: {  	v23 =	vld [tilespmem:s25+$0x40];
	s3 =	sshra.s32 s0, $0x2  }
0x3f3: {  	v60 =	vld [tilespmem:s25+$0x50];
	s31 =	sadd.s32 $0xC340, s3  }
0x3f4: {  	s3 =	sadd.s32 $0x18340, s3;
	v6 =	vld [tilespmem:s31+$0x30]  }
0x3f5: {  	v7 =	vld [tilespmem:s3+$0x30]  }
0x3f6: {  	v9 =	vld [tilespmem:s31+$0xFFFFFFC0]  }
0x3f7: {  	v12 =	vld [tilespmem:s31+$0xFFFFFFD0]  }
0x3f8: {  	v13 =	vld [tilespmem:s3+$0xFFFFFFD0]  }
0x3f9: {  	v16 =	vld [tilespmem:s31+$0xFFFFFFE0]  }
0x3fa: {  	v17 =	vld [tilespmem:s3+$0xFFFFFFE0]  }
0x3fb: {  	v4 =	vcvt.s32.f32 v4;
	v20 =	vld [tilespmem:s31+$0xFFFFFFF0]  }
0x3fc: {  	v21 =	vmov s30;
	v22 =	vld [tilespmem:s3+$0xFFFFFFF0]  }
0x3fd: {  	v4 =	vperm.xlane v4, v21;
	v6 =	vadd.f32 v7, v6;
	v7 =	vsub.f32 v8, v5;
	v8 =	vld [tilespmem:s25+$0x30]  }
0x3fe: {  	v12 =	vadd.f32 v13, v12;
	v13 =	vsub.f32 v14, v10;
	v14 =	vld [tilespmem:s3+$0x0]  }
0x3ff: {  	v56 =	vsub.f32 v18, v15;
	v5 =	vadd.f32 v6, v5;
	v6 =	vmul.f32 v7, v4;
	v7 =	vld [tilespmem:s31+$0x0]  }
0x400: {  	v11 =	vld [tilespmem:s3+$0xFFFFFFC0];
	v62 =	vsub.f32 v23, v55;
	v10 =	vadd.f32 v12, v10;
	v12 =	vmul.f32 v13, v4  }
0x401: {  	v58 =	vld [tilespmem:s31+$0x10];
	v57 =	vadd.f32 v22, v20;
	v13 =	vadd.f32 v17, v16  }
0x402: {  	v10 =	vadd.f32 v12, v10;
	v12 =	vld [tilespmem:s3+$0x10];
	v8 =	vsub.f32 v8, v19  }
0x403: {  	v5 =	vadd.f32 v6, v5;
	v6 =	vld [tilespmem:s25+$0xFFFFFFD0];
	v13 =	vadd.f32 v13, v15;
	v15 =	vmul.f32 v56, v4  }
0x404: {  	v59 =	vadd.f32 v57, v19;
	[tilespmem:s31+$0xFFFFFFD0] =	vst v10;
	v10 =	vld [tilespmem:s3+$0x20];
	v61 =	vmul.f32 v8, v4;
	v14 =	vadd.f32 v14, v7  }
0x405: {  	[tilespmem:s31+$0x30] =	vst v5;
	v13 =	vadd.f32 v15, v13;
	v5 =	vadd.f32 v11, v9;
	v11 =	vld [tilespmem:s25+$0x60]  }
0x406: {  	v63 =	vmul.f32 v62, v4;
	v8 =	vld [tilespmem:s31+$0x20];
	v15 =	vadd.f32 v61, v59;
	v14 =	vadd.f32 v14, v55  }
0x407: {  	v7 =	vld [tilespmem:s25+$0xFFFFFFE0];
	[tilespmem:s31+$0xFFFFFFE0] =	vst v13;
	v13 =	vadd.f32 v12, v58  }
0x408: {  	s2 =	simm.s32 $0x0;
	s0 =	smov.u32 s31;
	v9 =	vld [tilespmem:s25+$0xFFFFFF80];
	s25 =	simm.s32 $0x1E480;
	[tilespmem:s31+$0xFFFFFFF0] =	vst v15;
	v12 =	vadd.f32 v63, v14;
	v14 =	vsub.f32 v60, v6  }
.LBB2_23:
0x409: {  	v15 =	vld [tilespmem:s25+$0xFFFFFFF0];
	v6 =	vadd.f32 v13, v6;
	s31 =	sadd.s32 $0x400, s31  }
0x40a: {  	s3 =	sadd.s32 $0x400, s3;
	v13 =	vld [tilespmem:s31+$0x30];
	[tilespmem:s0+$0x0] =	vst v12;
	v12 =	vmul.f32 v14, v4  }
0x40b: {  	v14 =	vld [tilespmem:s3+$0x30];
	v8 =	vadd.f32 v10, v8  }
0x40c: {  	s2 =	sadd.s32 $0x8, s2;
	v10 =	vld [tilespmem:s25+$0x70];
	v6 =	vadd.f32 v12, v6;
	v11 =	vsub.f32 v11, v7  }
0x40d: {  	p0 =	slt.u32 s2, $0x28;
	v12 =	vld [tilespmem:s31+$0xFFFFFFC0];
	v5 =	vadd.f32 v5, v9;
	v9 =	vsub.f32 v3, v9  }
0x40e: {  	v16 =	vld [tilespmem:s3+$0xFFFFFFC0];
	[tilespmem:s0+$0x10] =	vst v6;
	v6 =	vadd.f32 v8, v7;
	v7 =	vmul.f32 v11, v4  }
0x40f: {  	v3 =	vld [tilespmem:s25+$0x0];
	v8 =	vmul.f32 v9, v4  }
0x410: {  	v9 =	vld [tilespmem:s25+$0xFFFFFF90];
	v6 =	vadd.f32 v7, v6  }
0x411: {  	v11 =	vadd.f32 v14, v13;
	v7 =	vld [tilespmem:s31+$0xFFFFFFD0];
	v10 =	vsub.f32 v10, v15  }
0x412: {  	v8 =	vadd.f32 v8, v5;
	v13 =	vld [tilespmem:s3+$0xFFFFFFD0];
	[tilespmem:s0+$0x20] =	vst v6  }
0x413: {  	v11 =	vadd.f32 v11, v15;
	v5 =	vadd.f32 v16, v12;
	v6 =	vld [tilespmem:s25+$0x10];
	v10 =	vmul.f32 v10, v4  }
0x414: {  	v12 =	vld [tilespmem:s25+$0xFFFFFFA0];
	[tilespmem:s0+$0xFFFFFFC0] =	vst v8;
	s0 =	smov.u32 s31  }
0x415: {  	v8 =	vld [tilespmem:s31+$0xFFFFFFE0];
	v10 =	vadd.f32 v10, v11  }
0x416: {  	v11 =	vld [tilespmem:s3+$0xFFFFFFE0]  }
0x417: {  	v7 =	vadd.f32 v13, v7;
	v13 =	vld [tilespmem:s25+$0x20];
	[tilespmem:s31+$0x30] =	vst v10  }
0x418: {  	v6 =	vsub.f32 v6, v9;
	v10 =	vld [tilespmem:s25+$0xFFFFFFB0]  }
0x419: {  	v7 =	vadd.f32 v7, v9;
	v9 =	vld [tilespmem:s31+$0xFFFFFFF0]  }
0x41a: {  	v6 =	vmul.f32 v6, v4;
	v14 =	vld [tilespmem:s3+$0xFFFFFFF0]  }
0x41b: {  	v8 =	vadd.f32 v11, v8;
	v11 =	vld [tilespmem:s25+$0x30]  }
0x41c: {  	v6 =	vadd.f32 v6, v7;
	v7 =	vsub.f32 v13, v12;
	v13 =	vld [tilespmem:s25+$0xFFFFFFC0]  }
0x41d: {  	v8 =	vadd.f32 v8, v12;
	v12 =	vld [tilespmem:s31+$0x0]  }
0x41e: {  	[tilespmem:s31+$0xFFFFFFD0] =	vst v6;
	v6 =	vmul.f32 v7, v4;
	v7 =	vld [tilespmem:s3+$0x0]  }
0x41f: {  	v9 =	vadd.f32 v14, v9;
	v14 =	vld [tilespmem:s25+$0x40]  }
0x420: {  	v8 =	vadd.f32 v6, v8;
	v11 =	vsub.f32 v11, v10;
	v6 =	vld [tilespmem:s25+$0xFFFFFFD0]  }
0x421: {  	v9 =	vadd.f32 v9, v10;
	v15 =	vld [tilespmem:s31+$0x10]  }
0x422: {  	[tilespmem:s31+$0xFFFFFFE0] =	vst v8;
	v8 =	vmul.f32 v11, v4;
	v11 =	vld [tilespmem:s3+$0x10]  }
0x423: {  	v10 =	vadd.f32 v7, v12;
	v16 =	vld [tilespmem:s25+$0x50]  }
.Ltmp10:
0x424: {  	v9 =	vadd.f32 v8, v9;
	v12 =	vsub.f32 v14, v13;
	v7 =	vld [tilespmem:s25+$0xFFFFFFE0];
	(pc) =	sbr.rel @p0 .LBB2_23-.Ltmp10, $4  }
0x425: {  	v14 =	vadd.f32 v10, v13;
	v8 =	vld [tilespmem:s31+$0x20]  }
0x426: {  	[tilespmem:s31+$0xFFFFFFF0] =	vst v9;
	v12 =	vmul.f32 v12, v4;
	v10 =	vld [tilespmem:s3+$0x20]  }
0x427: {  	v13 =	vadd.f32 v11, v15;
	v11 =	vld [tilespmem:s25+$0x60]  }
0x428: {  	v9 =	vld [tilespmem:s25+$0xFFFFFF80];
	v12 =	vadd.f32 v12, v14;
	v14 =	vsub.f32 v16, v6;
	s25 =	sadd.s32 $0x100, s25  }
0x429: {  	_ =	sdelay $0x2  }
0x42a: {  	v8 =	vadd.f32 v10, v8;
	v59 =	vsub.f32 v11, v7  }
0x42b: {  	v6 =	vadd.f32 v13, v6;
	s30 =	sadd.s32 $0x1, s30;
	v60 =	vmul.f32 v14, v4;
	v3 =	vsub.f32 v3, v9  }
0x42c: {  	p0 =	sne.s32 s30, $0x20;
	v61 =	vadd.f32 v8, v7;
	v62 =	vmul.f32 v59, v4  }
.Ltmp11:
0x42d: {  	v6 =	vadd.f32 v60, v6;
	v5 =	vadd.f32 v5, v9;
	v3 =	vmul.f32 v3, v4;
	(pc) =	sbr.rel @p0 .LBB2_22-.Ltmp11, $4  }
0x42e: {  	[tilespmem:s0+$0x0] =	vst v12;
	v63 =	vadd.f32 v62, v61  }
0x42f: {  	[tilespmem:s0+$0x10] =	vst v6;
	v3 =	vadd.f32 v3, v5  }
0x430: {  	[tilespmem:s0+$0x20] =	vst v63  }
0x431: {  	s29 =	sadd.s32 $0x1, s29;
	[tilespmem:s0+$0xFFFFFFC0] =	vst v3  }
0x432: {  	s29 =	simm.s32 $0x0;
	s0 =	rddreg [dreg:$0xc]  }
0x433: {  	[hbm4b:s0+s29] =	stream.linear.scatter [tilespmem:s15], [sflag:$0x8], $0x6000, $0x38;
	[tilespmem:$0x1E900] =	vst v63  }
0x434: {  	v3 =	vld [tilespmem:$0x1E0];
	_ =	sdelay $0x4  }
0x435: {  	v4 =	vshrl.u32 v3, $0x3  }
0x436: {  	v4 =	vmul.u32 $0x30, v4  }
0x437: {  	v3 =	vand.u32 $0x7, v3  }
0x438: {  	v3 =	vor.u32 v3, v4  }
0x439: {  	v4 =	vperm.xlane v3, v0;
	_ =	sdelay $0x1  }
0x43a: {  	v4 =	vadd.s32 v1, v4;
	_ =	sdelay $0x3  }
0x43b: {  	s3 =	simm.s32 $0x18300;
	v3 =	vperm.xlane v3, v2  }
0x43c: {  	[tilespmem:s3], [sflag:$0x5] =	stream.indirect_vreg.gather [hbm4b:s4+s29], $0x80, v4, vm0, $0xb8;
	[tilespmem:$0x1E900] =	vst v63  }
0x43d: {  	s25 =	simm.s32 $0x18B00;
	v3 =	vadd.s32 v1, v3  }
0x43e: {  	[tilespmem:s25], [sflag:$0x5] =	stream.indirect_vreg.gather [hbm4b:s9+s29], $0x80, v4, vm0, $0xb8;
	[tilespmem:$0x1E900] =	vst v63  }
0x43f: {  	s31 =	simm.s32 $0x19300  }
0x440: {  	[tilespmem:s31], [sflag:$0x5] =	stream.indirect_vreg.gather [hbm4b:s11+s29], $0x80, v4, vm0, $0xb8;
	[tilespmem:$0x1E900] =	vst v63  }
0x441: {  	s2 =	simm.s32 $0x19B00  }
0x442: {  	[tilespmem:s2], [sflag:$0x5] =	stream.indirect_vreg.gather [hbm4b:s4+s29], $0x80, v3, vm0, $0xb8;
	[tilespmem:$0x1E900] =	vst v63  }
0x443: {  	s3 =	simm.s32 $0x1A300  }
0x444: {  	[tilespmem:s3], [sflag:$0x5] =	stream.indirect_vreg.gather [hbm4b:s9+s29], $0x80, v3, vm0, $0xb8;
	[tilespmem:$0x1E900] =	vst v63  }
0x445: {  	s25 =	simm.s32 $0x1AB00  }
0x446: {  	[tilespmem:s25], [sflag:$0x5] =	stream.indirect_vreg.gather [hbm4b:s11+s29], $0x80, v3, vm0, $0xb8;
	[tilespmem:$0x1E900] =	vst v63  }
0x447: {  	v3 =	vld [tilespmem:$0x1F0];
	_ =	sdelay $0x4  }
0x448: {  	v61 =	vshrl.u32 v3, $0x3  }
0x449: {  	v4 =	vmul.u32 $0x30, v61  }
0x44a: {  	v3 =	vand.u32 $0x7, v3  }
0x44b: {  	v3 =	vor.u32 v3, v4  }
0x44c: {  	v4 =	vperm.xlane v3, v0;
	_ =	sdelay $0x1  }
0x44d: {  	v4 =	vadd.s32 v1, v4;
	_ =	sdelay $0x3  }
0x44e: {  	s31 =	simm.s32 $0x1B300;
	v3 =	vperm.xlane v3, v2  }
0x44f: {  	[tilespmem:s31], [sflag:$0x5] =	stream.indirect_vreg.gather [hbm4b:s4+s29], $0x80, v4, vm0, $0xb8;
	[tilespmem:$0x1E900] =	vst v63  }
0x450: {  	s2 =	simm.s32 $0x1BB00;
	v3 =	vadd.s32 v1, v3  }
0x451: {  	[tilespmem:s2], [sflag:$0x5] =	stream.indirect_vreg.gather [hbm4b:s9+s29], $0x80, v4, vm0, $0xb8;
	[tilespmem:$0x1E900] =	vst v63  }
0x452: {  	_ = 	snop  }
0x453: {  	[tilespmem:s26], [sflag:$0x5] =	stream.indirect_vreg.gather [hbm4b:s11+s29], $0x80, v4, vm0, $0xb8;
	[tilespmem:$0x1E900] =	vst v63  }
0x454: {  	_ = 	snop  }
0x455: {  	[tilespmem:s21], [sflag:$0x5] =	stream.indirect_vreg.gather [hbm4b:s4+s29], $0x80, v3, vm0, $0xb8;
	[tilespmem:$0x1E900] =	vst v63  }
0x456: {  	_ = 	snop  }
0x457: {  	[tilespmem:s6], [sflag:$0x5] =	stream.indirect_vreg.gather [hbm4b:s9+s29], $0x80, v3, vm0, $0xb8;
	[tilespmem:$0x1E900] =	vst v63  }
0x458: {  	_ = 	snop  }
0x459: {  	[tilespmem:s12], [sflag:$0x5] =	stream.indirect_vreg.gather [hbm4b:s11+s29], $0x80, v3, vm0, $0xb8;
	[tilespmem:$0x1E900] =	vst v63  }
0x45a: {  	_ =	swait.ge [sflag:s10], $0x6000  }
0x45b: {  	[sflag:s10] =	ssyncset.done $0x0  }
0x45c: {  	[sflag:s10] =	ssyncadd.s32 $0xFFFFA000  }
0x45d: {  	v3 =	vld [tilespmem:$0xE0];
	_ =	sdelay $0x4  }
0x45e: {  	v62 =	vshrl.u32 v3, $0x3  }
0x45f: {  	v4 =	vmul.u32 $0x30, v62  }
0x460: {  	v3 =	vand.u32 $0x7, v3  }
0x461: {  	v3 =	vor.u32 v3, v4  }
0x462: {  	v4 =	vperm.xlane v3, v0;
	_ =	sdelay $0x1  }
0x463: {  	v4 =	vadd.s32 v1, v4;
	_ =	sdelay $0x3  }
0x464: {  	v3 =	vperm.xlane v3, v2  }
0x465: {  	[tilespmem:s24], [sflag:$0x2] =	stream.indirect_vreg.gather [hbm4b:s1+s29], $0x80, v4, vm0, $0xb8;
	[tilespmem:$0x1E900] =	vst v63  }
0x466: {  	s3 =	simm.s32 $0x6B00;
	v3 =	vadd.s32 v1, v3  }
0x467: {  	[tilespmem:s3], [sflag:$0x2] =	stream.indirect_vreg.gather [hbm4b:s7+s29], $0x80, v4, vm0, $0xb8;
	[tilespmem:$0x1E900] =	vst v63  }
0x468: {  	s25 =	simm.s32 $0x7300  }
0x469: {  	[tilespmem:s25], [sflag:$0x2] =	stream.indirect_vreg.gather [hbm4b:s8+s29], $0x80, v4, vm0, $0xb8;
	[tilespmem:$0x1E900] =	vst v63  }
0x46a: {  	s31 =	simm.s32 $0x7B00  }
0x46b: {  	[tilespmem:s31], [sflag:$0x2] =	stream.indirect_vreg.gather [hbm4b:s1+s29], $0x80, v3, vm0, $0xb8;
	[tilespmem:$0x1E900] =	vst v63  }
0x46c: {  	s2 =	simm.s32 $0x8300  }
0x46d: {  	[tilespmem:s2], [sflag:$0x2] =	stream.indirect_vreg.gather [hbm4b:s7+s29], $0x80, v3, vm0, $0xb8;
	[tilespmem:$0x1E900] =	vst v63  }
0x46e: {  	s3 =	simm.s32 $0x8B00  }
0x46f: {  	[tilespmem:s3], [sflag:$0x2] =	stream.indirect_vreg.gather [hbm4b:s8+s29], $0x80, v3, vm0, $0xb8;
	[tilespmem:$0x1E900] =	vst v63  }
0x470: {  	v3 =	vld [tilespmem:$0xF0];
	_ =	sdelay $0x4  }
0x471: {  	v63 =	vshrl.u32 v3, $0x3  }
0x472: {  	v4 =	vmul.u32 $0x30, v63  }
0x473: {  	v3 =	vand.u32 $0x7, v3  }
0x474: {  	v3 =	vor.u32 v3, v4  }
0x475: {  	v4 =	vperm.xlane v3, v0;
	_ =	sdelay $0x1  }
0x476: {  	v4 =	vadd.s32 v1, v4;
	_ =	sdelay $0x3  }
0x477: {  	s25 =	simm.s32 $0x9300;
	v3 =	vperm.xlane v3, v2  }
0x478: {  	[tilespmem:s25], [sflag:$0x2] =	stream.indirect_vreg.gather [hbm4b:s1+s29], $0x80, v4, vm0, $0xb8;
	[tilespmem:$0x1E900] =	vst v63  }
0x479: {  	s31 =	simm.s32 $0x9B00;
	v3 =	vadd.s32 v1, v3  }
0x47a: {  	[tilespmem:s31], [sflag:$0x2] =	stream.indirect_vreg.gather [hbm4b:s7+s29], $0x80, v4, vm0, $0xb8;
	[tilespmem:$0x1E900] =	vst v63  }
0x47b: {  	s2 =	simm.s32 $0xA300  }
0x47c: {  	[tilespmem:s2], [sflag:$0x2] =	stream.indirect_vreg.gather [hbm4b:s8+s29], $0x80, v4, vm0, $0xb8;
	[tilespmem:$0x1E900] =	vst v63  }
0x47d: {  	s3 =	simm.s32 $0xAB00  }
0x47e: {  	[tilespmem:s3], [sflag:$0x2] =	stream.indirect_vreg.gather [hbm4b:s1+s29], $0x80, v3, vm0, $0xb8;
	[tilespmem:$0x1E900] =	vst v63  }
0x47f: {  	s25 =	simm.s32 $0xB300  }
0x480: {  	[tilespmem:s25], [sflag:$0x2] =	stream.indirect_vreg.gather [hbm4b:s7+s29], $0x80, v3, vm0, $0xb8;
	[tilespmem:$0x1E900] =	vst v63  }
0x481: {  	s31 =	simm.s32 $0xBB00  }
0x482: {  	[tilespmem:s31], [sflag:$0x2] =	stream.indirect_vreg.gather [hbm4b:s8+s29], $0x80, v3, vm0, $0xb8;
	[tilespmem:$0x1E900] =	vst v63  }
0x483: {  	_ =	swait.ge [sflag:s13], $0x6000  }
0x484: {  	[sflag:s13] =	ssyncset.done $0x0  }
0x485: {  	[sflag:s13] =	ssyncadd.s32 $0xFFFFA000  }
0x486: {  	_ =	swait.ge [sflag:s14], $0x6000  }
0x487: {  	[sflag:s14] =	ssyncset.done $0x0  }
0x488: {  	s30 =	simm.s32 $0x0;
	[sflag:s14] =	ssyncadd.s32 $0xFFFFA000  }
.LBB2_26:
0x489: {  	s25 =	sand.u32 $0x10, s30  }
0x48a: {  	v4 =	vld [tilespmem:s25+$0x2C0];
	s25 =	simm.s32 $0x1E380  }
0x48b: {  	v5 =	vld [tilespmem:s25+$0xFFFFFFF0]  }
0x48c: {  	v8 =	vld [tilespmem:s25+$0x70]  }
0x48d: {  	v3 =	vld [tilespmem:s25+$0x0]  }
0x48e: {  	v10 =	vld [tilespmem:s25+$0xFFFFFF90]  }
0x48f: {  	v14 =	vld [tilespmem:s25+$0x10]  }
0x490: {  	s0 =	sshrl.u32 s30, $0x3;
	v15 =	vld [tilespmem:s25+$0xFFFFFFA0]  }
0x491: {  	s2 =	sand.u32 $0x7, s29;
	s0 =	smul.u32 $0x6000, s0;
	v18 =	vld [tilespmem:s25+$0x20]  }
0x492: {  	s2 =	sshll.u32 s2, $0x9;
	v19 =	vld [tilespmem:s25+$0xFFFFFFB0]  }
0x493: {  	v55 =	vld [tilespmem:s25+$0xFFFFFFC0];
	s0 =	sor.u32 s2, s0  }
0x494: {  	v23 =	vld [tilespmem:s25+$0x40];
	s3 =	sshra.s32 s0, $0x2  }
0x495: {  	v60 =	vld [tilespmem:s25+$0x50];
	s31 =	sadd.s32 $0x340, s3  }
0x496: {  	s3 =	sadd.s32 $0x12340, s3;
	v6 =	vld [tilespmem:s31+$0x30]  }
0x497: {  	v7 =	vld [tilespmem:s3+$0x30]  }
0x498: {  	v9 =	vld [tilespmem:s31+$0xFFFFFFC0]  }
0x499: {  	v12 =	vld [tilespmem:s31+$0xFFFFFFD0]  }
0x49a: {  	v13 =	vld [tilespmem:s3+$0xFFFFFFD0]  }
0x49b: {  	v16 =	vld [tilespmem:s31+$0xFFFFFFE0]  }
0x49c: {  	v17 =	vld [tilespmem:s3+$0xFFFFFFE0]  }
0x49d: {  	v4 =	vcvt.s32.f32 v4;
	v20 =	vld [tilespmem:s31+$0xFFFFFFF0]  }
0x49e: {  	v21 =	vmov s30;
	v22 =	vld [tilespmem:s3+$0xFFFFFFF0]  }
0x49f: {  	v4 =	vperm.xlane v4, v21;
	v6 =	vadd.f32 v7, v6;
	v7 =	vsub.f32 v8, v5;
	v8 =	vld [tilespmem:s25+$0x30]  }
0x4a0: {  	v12 =	vadd.f32 v13, v12;
	v13 =	vsub.f32 v14, v10;
	v14 =	vld [tilespmem:s3+$0x0]  }
0x4a1: {  	v56 =	vsub.f32 v18, v15;
	v5 =	vadd.f32 v6, v5;
	v6 =	vmul.f32 v7, v4;
	v7 =	vld [tilespmem:s31+$0x0]  }
0x4a2: {  	v11 =	vld [tilespmem:s3+$0xFFFFFFC0];
	v62 =	vsub.f32 v23, v55;
	v10 =	vadd.f32 v12, v10;
	v12 =	vmul.f32 v13, v4  }
0x4a3: {  	v58 =	vld [tilespmem:s31+$0x10];
	v57 =	vadd.f32 v22, v20;
	v13 =	vadd.f32 v17, v16  }
0x4a4: {  	v10 =	vadd.f32 v12, v10;
	v12 =	vld [tilespmem:s3+$0x10];
	v8 =	vsub.f32 v8, v19  }
0x4a5: {  	v5 =	vadd.f32 v6, v5;
	v6 =	vld [tilespmem:s25+$0xFFFFFFD0];
	v13 =	vadd.f32 v13, v15;
	v15 =	vmul.f32 v56, v4  }
0x4a6: {  	v59 =	vadd.f32 v57, v19;
	[tilespmem:s31+$0xFFFFFFD0] =	vst v10;
	v10 =	vld [tilespmem:s3+$0x20];
	v61 =	vmul.f32 v8, v4;
	v14 =	vadd.f32 v14, v7  }
0x4a7: {  	[tilespmem:s31+$0x30] =	vst v5;
	v13 =	vadd.f32 v15, v13;
	v5 =	vadd.f32 v11, v9;
	v11 =	vld [tilespmem:s25+$0x60]  }
0x4a8: {  	v63 =	vmul.f32 v62, v4;
	v8 =	vld [tilespmem:s31+$0x20];
	v15 =	vadd.f32 v61, v59;
	v14 =	vadd.f32 v14, v55  }
0x4a9: {  	v7 =	vld [tilespmem:s25+$0xFFFFFFE0];
	[tilespmem:s31+$0xFFFFFFE0] =	vst v13;
	v13 =	vadd.f32 v12, v58  }
0x4aa: {  	s2 =	simm.s32 $0x0;
	s0 =	smov.u32 s31;
	v9 =	vld [tilespmem:s25+$0xFFFFFF80];
	s25 =	simm.s32 $0x1E480;
	[tilespmem:s31+$0xFFFFFFF0] =	vst v15;
	v12 =	vadd.f32 v63, v14;
	v14 =	vsub.f32 v60, v6  }
.LBB2_27:
0x4ab: {  	v15 =	vld [tilespmem:s25+$0xFFFFFFF0];
	v6 =	vadd.f32 v13, v6;
	s31 =	sadd.s32 $0x400, s31  }
0x4ac: {  	s3 =	sadd.s32 $0x400, s3;
	v13 =	vld [tilespmem:s31+$0x30];
	[tilespmem:s0+$0x0] =	vst v12;
	v12 =	vmul.f32 v14, v4  }
0x4ad: {  	v14 =	vld [tilespmem:s3+$0x30];
	v8 =	vadd.f32 v10, v8  }
0x4ae: {  	s2 =	sadd.s32 $0x8, s2;
	v10 =	vld [tilespmem:s25+$0x70];
	v6 =	vadd.f32 v12, v6;
	v11 =	vsub.f32 v11, v7  }
0x4af: {  	p0 =	slt.u32 s2, $0x28;
	v12 =	vld [tilespmem:s31+$0xFFFFFFC0];
	v5 =	vadd.f32 v5, v9;
	v9 =	vsub.f32 v3, v9  }
0x4b0: {  	v16 =	vld [tilespmem:s3+$0xFFFFFFC0];
	[tilespmem:s0+$0x10] =	vst v6;
	v6 =	vadd.f32 v8, v7;
	v7 =	vmul.f32 v11, v4  }
0x4b1: {  	v3 =	vld [tilespmem:s25+$0x0];
	v8 =	vmul.f32 v9, v4  }
0x4b2: {  	v9 =	vld [tilespmem:s25+$0xFFFFFF90];
	v6 =	vadd.f32 v7, v6  }
0x4b3: {  	v11 =	vadd.f32 v14, v13;
	v7 =	vld [tilespmem:s31+$0xFFFFFFD0];
	v10 =	vsub.f32 v10, v15  }
0x4b4: {  	v8 =	vadd.f32 v8, v5;
	v13 =	vld [tilespmem:s3+$0xFFFFFFD0];
	[tilespmem:s0+$0x20] =	vst v6  }
0x4b5: {  	v11 =	vadd.f32 v11, v15;
	v5 =	vadd.f32 v16, v12;
	v6 =	vld [tilespmem:s25+$0x10];
	v10 =	vmul.f32 v10, v4  }
0x4b6: {  	v12 =	vld [tilespmem:s25+$0xFFFFFFA0];
	[tilespmem:s0+$0xFFFFFFC0] =	vst v8;
	s0 =	smov.u32 s31  }
0x4b7: {  	v8 =	vld [tilespmem:s31+$0xFFFFFFE0];
	v10 =	vadd.f32 v10, v11  }
0x4b8: {  	v11 =	vld [tilespmem:s3+$0xFFFFFFE0]  }
0x4b9: {  	v7 =	vadd.f32 v13, v7;
	v13 =	vld [tilespmem:s25+$0x20];
	[tilespmem:s31+$0x30] =	vst v10  }
0x4ba: {  	v6 =	vsub.f32 v6, v9;
	v10 =	vld [tilespmem:s25+$0xFFFFFFB0]  }
0x4bb: {  	v7 =	vadd.f32 v7, v9;
	v9 =	vld [tilespmem:s31+$0xFFFFFFF0]  }
0x4bc: {  	v6 =	vmul.f32 v6, v4;
	v14 =	vld [tilespmem:s3+$0xFFFFFFF0]  }
0x4bd: {  	v8 =	vadd.f32 v11, v8;
	v11 =	vld [tilespmem:s25+$0x30]  }
0x4be: {  	v6 =	vadd.f32 v6, v7;
	v7 =	vsub.f32 v13, v12;
	v13 =	vld [tilespmem:s25+$0xFFFFFFC0]  }
0x4bf: {  	v8 =	vadd.f32 v8, v12;
	v12 =	vld [tilespmem:s31+$0x0]  }
0x4c0: {  	[tilespmem:s31+$0xFFFFFFD0] =	vst v6;
	v6 =	vmul.f32 v7, v4;
	v7 =	vld [tilespmem:s3+$0x0]  }
0x4c1: {  	v9 =	vadd.f32 v14, v9;
	v14 =	vld [tilespmem:s25+$0x40]  }
0x4c2: {  	v8 =	vadd.f32 v6, v8;
	v11 =	vsub.f32 v11, v10;
	v6 =	vld [tilespmem:s25+$0xFFFFFFD0]  }
0x4c3: {  	v9 =	vadd.f32 v9, v10;
	v15 =	vld [tilespmem:s31+$0x10]  }
0x4c4: {  	[tilespmem:s31+$0xFFFFFFE0] =	vst v8;
	v8 =	vmul.f32 v11, v4;
	v11 =	vld [tilespmem:s3+$0x10]  }
0x4c5: {  	v10 =	vadd.f32 v7, v12;
	v16 =	vld [tilespmem:s25+$0x50]  }
.Ltmp12:
0x4c6: {  	v9 =	vadd.f32 v8, v9;
	v12 =	vsub.f32 v14, v13;
	v7 =	vld [tilespmem:s25+$0xFFFFFFE0];
	(pc) =	sbr.rel @p0 .LBB2_27-.Ltmp12, $4  }
0x4c7: {  	v14 =	vadd.f32 v10, v13;
	v8 =	vld [tilespmem:s31+$0x20]  }
0x4c8: {  	[tilespmem:s31+$0xFFFFFFF0] =	vst v9;
	v12 =	vmul.f32 v12, v4;
	v10 =	vld [tilespmem:s3+$0x20]  }
0x4c9: {  	v13 =	vadd.f32 v11, v15;
	v11 =	vld [tilespmem:s25+$0x60]  }
0x4ca: {  	v9 =	vld [tilespmem:s25+$0xFFFFFF80];
	v12 =	vadd.f32 v12, v14;
	v14 =	vsub.f32 v16, v6;
	s25 =	sadd.s32 $0x100, s25  }
0x4cb: {  	_ =	sdelay $0x2  }
0x4cc: {  	v8 =	vadd.f32 v10, v8;
	v59 =	vsub.f32 v11, v7  }
0x4cd: {  	v6 =	vadd.f32 v13, v6;
	s30 =	sadd.s32 $0x1, s30;
	v60 =	vmul.f32 v14, v4;
	v3 =	vsub.f32 v3, v9  }
0x4ce: {  	p0 =	sne.s32 s30, $0x20;
	v61 =	vadd.f32 v8, v7;
	v62 =	vmul.f32 v59, v4  }
.Ltmp13:
0x4cf: {  	v6 =	vadd.f32 v60, v6;
	v5 =	vadd.f32 v5, v9;
	v3 =	vmul.f32 v3, v4;
	(pc) =	sbr.rel @p0 .LBB2_26-.Ltmp13, $4  }
0x4d0: {  	[tilespmem:s0+$0x0] =	vst v12;
	v63 =	vadd.f32 v62, v61  }
0x4d1: {  	[tilespmem:s0+$0x10] =	vst v6;
	v3 =	vadd.f32 v3, v5  }
0x4d2: {  	[tilespmem:s0+$0x20] =	vst v63  }
0x4d3: {  	s29 =	sadd.s32 $0x1, s29;
	[tilespmem:s0+$0xFFFFFFC0] =	vst v3  }
0x4d4: {  	s29 =	simm.s32 $0x0;
	s0 =	rddreg [dreg:$0xd]  }
0x4d5: {  	[hbm4b:s0+s29] =	stream.linear.scatter [tilespmem:s22], [sflag:$0x6], $0x6000, $0x38;
	[tilespmem:$0x1E900] =	vst v63  }
0x4d6: {  	_ =	swait.ge [sflag:s16], $0x6000  }
0x4d7: {  	[sflag:s16] =	ssyncset.done $0x0  }
0x4d8: {  	[sflag:s16] =	ssyncadd.s32 $0xFFFFA000  }
0x4d9: {  	_ =	swait.ge [sflag:s17], $0x6000  }
0x4da: {  	[sflag:s17] =	ssyncset.done $0x0  }
0x4db: {  	s30 =	simm.s32 $0x0;
	[sflag:s17] =	ssyncadd.s32 $0xFFFFA000  }
.LBB2_30:
0x4dc: {  	s25 =	sand.u32 $0x10, s30  }
0x4dd: {  	v4 =	vld [tilespmem:s25+$0x2E0];
	s25 =	simm.s32 $0x1E380  }
0x4de: {  	v5 =	vld [tilespmem:s25+$0xFFFFFFF0]  }
0x4df: {  	v8 =	vld [tilespmem:s25+$0x70]  }
0x4e0: {  	v3 =	vld [tilespmem:s25+$0x0]  }
0x4e1: {  	v10 =	vld [tilespmem:s25+$0xFFFFFF90]  }
0x4e2: {  	v14 =	vld [tilespmem:s25+$0x10]  }
0x4e3: {  	s0 =	sshrl.u32 s30, $0x3;
	v15 =	vld [tilespmem:s25+$0xFFFFFFA0]  }
0x4e4: {  	s2 =	sand.u32 $0x7, s29;
	s0 =	smul.u32 $0x6000, s0;
	v18 =	vld [tilespmem:s25+$0x20]  }
0x4e5: {  	s2 =	sshll.u32 s2, $0x9;
	v19 =	vld [tilespmem:s25+$0xFFFFFFB0]  }
0x4e6: {  	v55 =	vld [tilespmem:s25+$0xFFFFFFC0];
	s0 =	sor.u32 s2, s0  }
0x4e7: {  	v23 =	vld [tilespmem:s25+$0x40];
	s3 =	sshra.s32 s0, $0x2  }
0x4e8: {  	v60 =	vld [tilespmem:s25+$0x50];
	s31 =	sadd.s32 $0x6340, s3  }
0x4e9: {  	s3 =	sadd.s32 $0x18340, s3;
	v6 =	vld [tilespmem:s31+$0x30]  }
0x4ea: {  	v7 =	vld [tilespmem:s3+$0x30]  }
0x4eb: {  	v9 =	vld [tilespmem:s31+$0xFFFFFFC0]  }
0x4ec: {  	v12 =	vld [tilespmem:s31+$0xFFFFFFD0]  }
0x4ed: {  	v13 =	vld [tilespmem:s3+$0xFFFFFFD0]  }
0x4ee: {  	v16 =	vld [tilespmem:s31+$0xFFFFFFE0]  }
0x4ef: {  	v17 =	vld [tilespmem:s3+$0xFFFFFFE0]  }
0x4f0: {  	v4 =	vcvt.s32.f32 v4;
	v20 =	vld [tilespmem:s31+$0xFFFFFFF0]  }
0x4f1: {  	v21 =	vmov s30;
	v22 =	vld [tilespmem:s3+$0xFFFFFFF0]  }
0x4f2: {  	v4 =	vperm.xlane v4, v21;
	v6 =	vadd.f32 v7, v6;
	v7 =	vsub.f32 v8, v5;
	v8 =	vld [tilespmem:s25+$0x30]  }
0x4f3: {  	v12 =	vadd.f32 v13, v12;
	v13 =	vsub.f32 v14, v10;
	v14 =	vld [tilespmem:s3+$0x0]  }
0x4f4: {  	v56 =	vsub.f32 v18, v15;
	v5 =	vadd.f32 v6, v5;
	v6 =	vmul.f32 v7, v4;
	v7 =	vld [tilespmem:s31+$0x0]  }
0x4f5: {  	v11 =	vld [tilespmem:s3+$0xFFFFFFC0];
	v62 =	vsub.f32 v23, v55;
	v10 =	vadd.f32 v12, v10;
	v12 =	vmul.f32 v13, v4  }
0x4f6: {  	v58 =	vld [tilespmem:s31+$0x10];
	v57 =	vadd.f32 v22, v20;
	v13 =	vadd.f32 v17, v16  }
0x4f7: {  	v10 =	vadd.f32 v12, v10;
	v12 =	vld [tilespmem:s3+$0x10];
	v8 =	vsub.f32 v8, v19  }
0x4f8: {  	v5 =	vadd.f32 v6, v5;
	v6 =	vld [tilespmem:s25+$0xFFFFFFD0];
	v13 =	vadd.f32 v13, v15;
	v15 =	vmul.f32 v56, v4  }
0x4f9: {  	v59 =	vadd.f32 v57, v19;
	[tilespmem:s31+$0xFFFFFFD0] =	vst v10;
	v10 =	vld [tilespmem:s3+$0x20];
	v61 =	vmul.f32 v8, v4;
	v14 =	vadd.f32 v14, v7  }
0x4fa: {  	[tilespmem:s31+$0x30] =	vst v5;
	v13 =	vadd.f32 v15, v13;
	v5 =	vadd.f32 v11, v9;
	v11 =	vld [tilespmem:s25+$0x60]  }
0x4fb: {  	v63 =	vmul.f32 v62, v4;
	v8 =	vld [tilespmem:s31+$0x20];
	v15 =	vadd.f32 v61, v59;
	v14 =	vadd.f32 v14, v55  }
0x4fc: {  	v7 =	vld [tilespmem:s25+$0xFFFFFFE0];
	[tilespmem:s31+$0xFFFFFFE0] =	vst v13;
	v13 =	vadd.f32 v12, v58  }
0x4fd: {  	s2 =	simm.s32 $0x0;
	s0 =	smov.u32 s31;
	v9 =	vld [tilespmem:s25+$0xFFFFFF80];
	s25 =	simm.s32 $0x1E480;
	[tilespmem:s31+$0xFFFFFFF0] =	vst v15;
	v12 =	vadd.f32 v63, v14;
	v14 =	vsub.f32 v60, v6  }
.LBB2_31:
0x4fe: {  	v15 =	vld [tilespmem:s25+$0xFFFFFFF0];
	v6 =	vadd.f32 v13, v6;
	s31 =	sadd.s32 $0x400, s31  }
0x4ff: {  	s3 =	sadd.s32 $0x400, s3;
	v13 =	vld [tilespmem:s31+$0x30];
	[tilespmem:s0+$0x0] =	vst v12;
	v12 =	vmul.f32 v14, v4  }
0x500: {  	v14 =	vld [tilespmem:s3+$0x30];
	v8 =	vadd.f32 v10, v8  }
0x501: {  	s2 =	sadd.s32 $0x8, s2;
	v10 =	vld [tilespmem:s25+$0x70];
	v6 =	vadd.f32 v12, v6;
	v11 =	vsub.f32 v11, v7  }
0x502: {  	p0 =	slt.u32 s2, $0x28;
	v12 =	vld [tilespmem:s31+$0xFFFFFFC0];
	v5 =	vadd.f32 v5, v9;
	v9 =	vsub.f32 v3, v9  }
0x503: {  	v16 =	vld [tilespmem:s3+$0xFFFFFFC0];
	[tilespmem:s0+$0x10] =	vst v6;
	v6 =	vadd.f32 v8, v7;
	v7 =	vmul.f32 v11, v4  }
0x504: {  	v3 =	vld [tilespmem:s25+$0x0];
	v8 =	vmul.f32 v9, v4  }
0x505: {  	v9 =	vld [tilespmem:s25+$0xFFFFFF90];
	v6 =	vadd.f32 v7, v6  }
0x506: {  	v11 =	vadd.f32 v14, v13;
	v7 =	vld [tilespmem:s31+$0xFFFFFFD0];
	v10 =	vsub.f32 v10, v15  }
0x507: {  	v8 =	vadd.f32 v8, v5;
	v13 =	vld [tilespmem:s3+$0xFFFFFFD0];
	[tilespmem:s0+$0x20] =	vst v6  }
0x508: {  	v11 =	vadd.f32 v11, v15;
	v5 =	vadd.f32 v16, v12;
	v6 =	vld [tilespmem:s25+$0x10];
	v10 =	vmul.f32 v10, v4  }
0x509: {  	v12 =	vld [tilespmem:s25+$0xFFFFFFA0];
	[tilespmem:s0+$0xFFFFFFC0] =	vst v8;
	s0 =	smov.u32 s31  }
0x50a: {  	v8 =	vld [tilespmem:s31+$0xFFFFFFE0];
	v10 =	vadd.f32 v10, v11  }
0x50b: {  	v11 =	vld [tilespmem:s3+$0xFFFFFFE0]  }
0x50c: {  	v7 =	vadd.f32 v13, v7;
	v13 =	vld [tilespmem:s25+$0x20];
	[tilespmem:s31+$0x30] =	vst v10  }
0x50d: {  	v6 =	vsub.f32 v6, v9;
	v10 =	vld [tilespmem:s25+$0xFFFFFFB0]  }
0x50e: {  	v7 =	vadd.f32 v7, v9;
	v9 =	vld [tilespmem:s31+$0xFFFFFFF0]  }
0x50f: {  	v6 =	vmul.f32 v6, v4;
	v14 =	vld [tilespmem:s3+$0xFFFFFFF0]  }
0x510: {  	v8 =	vadd.f32 v11, v8;
	v11 =	vld [tilespmem:s25+$0x30]  }
0x511: {  	v6 =	vadd.f32 v6, v7;
	v7 =	vsub.f32 v13, v12;
	v13 =	vld [tilespmem:s25+$0xFFFFFFC0]  }
0x512: {  	v8 =	vadd.f32 v8, v12;
	v12 =	vld [tilespmem:s31+$0x0]  }
0x513: {  	[tilespmem:s31+$0xFFFFFFD0] =	vst v6;
	v6 =	vmul.f32 v7, v4;
	v7 =	vld [tilespmem:s3+$0x0]  }
0x514: {  	v9 =	vadd.f32 v14, v9;
	v14 =	vld [tilespmem:s25+$0x40]  }
0x515: {  	v8 =	vadd.f32 v6, v8;
	v11 =	vsub.f32 v11, v10;
	v6 =	vld [tilespmem:s25+$0xFFFFFFD0]  }
0x516: {  	v9 =	vadd.f32 v9, v10;
	v15 =	vld [tilespmem:s31+$0x10]  }
0x517: {  	[tilespmem:s31+$0xFFFFFFE0] =	vst v8;
	v8 =	vmul.f32 v11, v4;
	v11 =	vld [tilespmem:s3+$0x10]  }
0x518: {  	v10 =	vadd.f32 v7, v12;
	v16 =	vld [tilespmem:s25+$0x50]  }
.Ltmp14:
0x519: {  	v9 =	vadd.f32 v8, v9;
	v12 =	vsub.f32 v14, v13;
	v7 =	vld [tilespmem:s25+$0xFFFFFFE0];
	(pc) =	sbr.rel @p0 .LBB2_31-.Ltmp14, $4  }
0x51a: {  	v14 =	vadd.f32 v10, v13;
	v8 =	vld [tilespmem:s31+$0x20]  }
0x51b: {  	[tilespmem:s31+$0xFFFFFFF0] =	vst v9;
	v12 =	vmul.f32 v12, v4;
	v10 =	vld [tilespmem:s3+$0x20]  }
0x51c: {  	v13 =	vadd.f32 v11, v15;
	v11 =	vld [tilespmem:s25+$0x60]  }
0x51d: {  	v9 =	vld [tilespmem:s25+$0xFFFFFF80];
	v12 =	vadd.f32 v12, v14;
	v14 =	vsub.f32 v16, v6;
	s25 =	sadd.s32 $0x100, s25  }
0x51e: {  	_ =	sdelay $0x2  }
0x51f: {  	v8 =	vadd.f32 v10, v8;
	v59 =	vsub.f32 v11, v7  }
0x520: {  	v6 =	vadd.f32 v13, v6;
	s30 =	sadd.s32 $0x1, s30;
	v60 =	vmul.f32 v14, v4;
	v3 =	vsub.f32 v3, v9  }
0x521: {  	p0 =	sne.s32 s30, $0x20;
	v61 =	vadd.f32 v8, v7;
	v62 =	vmul.f32 v59, v4  }
.Ltmp15:
0x522: {  	v6 =	vadd.f32 v60, v6;
	v5 =	vadd.f32 v5, v9;
	v3 =	vmul.f32 v3, v4;
	(pc) =	sbr.rel @p0 .LBB2_30-.Ltmp15, $4  }
0x523: {  	[tilespmem:s0+$0x0] =	vst v12;
	v63 =	vadd.f32 v62, v61  }
0x524: {  	[tilespmem:s0+$0x10] =	vst v6;
	v3 =	vadd.f32 v3, v5  }
0x525: {  	[tilespmem:s0+$0x20] =	vst v63  }
0x526: {  	s29 =	sadd.s32 $0x1, s29;
	[tilespmem:s0+$0xFFFFFFC0] =	vst v3  }
0x527: {  	s0 =	rddreg [dreg:$0xe]  }
0x528: {  	[hbm4b:s0+s5] =	stream.linear.scatter [tilespmem:s24], [sflag:$0x7], $0x6000, $0x38;
	[tilespmem:$0x1E900] =	vst v63  }
0x529: {  	_ =	swait.ge [sflag:s23], $0x6000  }
0x52a: {  	[sflag:s23] =	ssyncset.done $0x0  }
0x52b: {  	[sflag:s23] =	ssyncadd.s32 $0xFFFFA000  }
0x52c: {  	_ =	swait.ge [sflag:s18], $0x6000  }
0x52d: {  	[sflag:s18] =	ssyncset.done $0x0  }
0x52e: {  	[sflag:s18] =	ssyncadd.s32 $0xFFFFA000  }
0x52f: {  	_ =	swait.ge [sflag:s10], $0x6000  }
0x530: {  	s28 =	sadd.s32 $0x1, s28;
	s31 =	rddreg [dreg:$0xf]  }
0x531: {  	p0 =	sne.s32 s28, s31  }
.Ltmp16:
0x532: {  	_ = 	snop;
	(pc) =	sbr.rel @p0 .LBB2_1-.Ltmp16, $3  }
0x533: {  	_ =	sdelay $0x1  }
0x534: {  	[sflag:s10] =	ssyncset.done $0x0  }
0x535: {  	[sflag:s10] =	ssyncadd.s32 $0xFFFFA000  }
0x536: {  	_ =	sfence.sel $0x180000  }
0x537: {  	[bflag:$0x0] =	sbarrier.arrive $0xFFFF  }
0x538: {  	_ =	strace $0x90000047  }
0x539: {  	s0 =	stileid.u32;
	[bflag:$0x2] =	sbarrier.arrive $0xFFFF  }
0x53a: {  	p0 =	sne.s32 s0, $0x0;
	s0 =	rddreg [dreg:$0x5]  }
0x53b: {  	s0 =	sadd.s32 @!p0 $0x100000, s0  }
0x53c: {  	[sflag:s0] =	ssyncadd.tile.s32 @!p0 $0x1;
	_ =	shalt  }
.Lfunc_end2:
_tile_overlayer_lowered:
.L_overlay_start_2:
0x53d: {  	(tag) =	ssettag $0x2  }
0x53e: {  	s0 =	rddreg [dreg:$0x0];
	s2 =	stileid.u32  }
0x53f: {  	s1 =	rddreg [dreg:$0x1];
	p0 =	sne.s32 s2, $0x0  }
0x540: {  	s3 =	rddreg [dreg:$0x2];
	[bflag:$0x3] =	sbarrier.arrive $0xFFFF;
	s2 =	simm.s32 @!p0 $0x1C09  }
0x541: {  	[timem:s3], [sflag:s2] =	dma.local @!p0 [hbm:s0], s1  }
0x542: {  	s0 =	simm.s32 @!p0 $0x9  }
0x543: {  	_ =	swait.ge @!p0 [sflag:s0], s1  }
0x544: {  	s1 =	ssub.s32 @!p0 $0x0, s1;
	[sflag:s0] =	ssyncset.done @!p0 $0x0  }
0x545: {  	[sflag:s0] =	ssyncadd.s32 @!p0 s1  }
0x546: {  	[bflag:$0x3] =	sbarrier.arrive $0xFFFF  }
0x547: {  	_ =	shalt  }

</sc_bundles>
